<compile_context>
chip_gen: v7x
topology: tpu7x:2x2x1
jax: 0.10.2.dev20260603
libtpu: 0.0.44.dev20260713+nightly
codegen_flags: <defaults>
</compile_context>

<pallas_src>
import functools

import jax
import jax.numpy as jnp
from jax import lax
from jax.experimental import pallas as pl
from jax.experimental.pallas import tpu as pltpu
import jax.experimental.pallas.tpu_sc as plsc

B = 4096
NUM_WORDS = 200
VOCAB = 100000
EMB = 128
H1 = 64
H2 = 16
EPS = 1e-5

_NC = 2
_NS = 16
_NWORKERS = _NC * _NS

_CH = 128


_H = 2
_HR = _H * _CH


def _sc_gather(table, idx_flat):
    n = idx_flat.shape[0]
    d = table.shape[1]
    per_w = n // _NWORKERS
    n_half = per_w // _HR
    mesh = plsc.VectorSubcoreMesh(core_axis_name="c", subcore_axis_name="s")

    @functools.partial(
        pl.kernel,
        out_type=jax.ShapeDtypeStruct((n, d), table.dtype),
        mesh=mesh,
        scratch_types=[
            pltpu.VMEM((per_w,), jnp.int32),
            pltpu.VMEM((_HR, d), table.dtype),
            pltpu.VMEM((_HR, d), table.dtype),
            pltpu.SemaphoreType.DMA,
            pltpu.SemaphoreType.DMA,
            pltpu.SemaphoreType.DMA,
            pltpu.SemaphoreType.DMA,
        ],
    )
    def k(emb_hbm, idx_hbm, out_hbm, idx_v, buf_a, buf_b, sga, sgb, swa, swb):
        wid = lax.axis_index("s") * _NC + lax.axis_index("c")
        base = wid * per_w
        bufs = (buf_a, buf_b)
        sg = (sga, sgb)
        sw = (swa, swb)
        pltpu.sync_copy(idx_hbm.at[pl.ds(base, per_w)], idx_v)

        def issue_gather(p, half):
            for j in range(_H):
                pltpu.async_copy(
                    emb_hbm.at[idx_v.at[pl.ds(half * _HR + j * _CH, _CH)]],
                    bufs[p].at[pl.ds(j * _CH, _CH)], sg[p])

        def wait_gather(p):
            for j in range(_H):
                pltpu.make_async_copy(
                    emb_hbm.at[idx_v.at[pl.ds(j * _CH, _CH)]],
                    bufs[p].at[pl.ds(j * _CH, _CH)], sg[p]).wait()

        def issue_wb(p, half):
            pltpu.async_copy(bufs[p], out_hbm.at[pl.ds(base + half * _HR, _HR)], sw[p])

        def wait_wb(p):
            pltpu.make_async_copy(bufs[p], out_hbm.at[pl.ds(base, _HR)], sw[p]).wait()

        def substep(h, p):
            q = 1 - p

            @pl.when(h >= 1)
            def _():
                wait_wb(q)

            @pl.when(h + 1 < n_half)
            def _():
                issue_gather(q, h + 1)

            wait_gather(p)
            issue_wb(p, h)

        issue_gather(0, 0)

        @pl.loop(0, n_half - (n_half % 2), step=2)
        def _(h):
            substep(h, 0)
            substep(h + 1, 1)

        if n_half % 2:
            substep(n_half - 1, 0)
        wait_wb((n_half - 1) % 2)

    return k(table, idx_flat)


_NCH = 4
_BC = B // _NCH
_BT = 512
_KC = 3200
_NB = _BC // _BT
_NK = (NUM_WORDS * EMB) // _KC
_WC = _KC // EMB


def _mm_body(e_ref, w4_ref, out_ref):
    kk = pl.program_id(1)
    part = jnp.zeros((_BT, H1), dtype=jnp.float32)
    for jw in range(_WC):
        ew = e_ref[:, jw, :, :].astype(jnp.bfloat16).reshape(_BT, EMB)
        part = part + jnp.dot(ew, w4_ref[kk * _WC + jw, :, :],
                              preferred_element_type=jnp.float32)

    @pl.when(kk == 0)
    def _():
        out_ref[...] = part

    @pl.when(kk > 0)
    def _():
        out_ref[...] = out_ref[...] + part


def _tc_matmul(e4, w4, interpret=False):
    return pl.pallas_call(
        _mm_body,
        grid=(_NB, _NK),
        in_specs=[
            pl.BlockSpec((_BT // 8, _WC, 8, EMB), lambda b, k: (b, k, 0, 0)),
            pl.BlockSpec((NUM_WORDS, EMB, H1), lambda b, k: (0, 0, 0)),
        ],
        out_specs=pl.BlockSpec((_BT, H1), lambda b, k: (b, 0)),
        out_shape=jax.ShapeDtypeStruct((_BC, H1), jnp.float32),
        interpret=interpret,
    )(e4, w4)


def _tail_body(h1_ref, b1_ref, g1_ref, be1_ref, w2t_ref, b2_ref,
               g2_ref, be2_ref, w3_ref, b3_ref, out_ref):
    h1 = h1_ref[...] + b1_ref[...]
    mu1 = jnp.mean(h1, axis=0, keepdims=True)
    d1 = h1 - mu1
    var1 = jnp.mean(d1 * d1, axis=0, keepdims=True)
    r1 = jnp.maximum(d1 * (g1_ref[...] * lax.rsqrt(var1 + EPS)) + be1_ref[...], 0.0)
    h2 = jnp.dot(r1, w2t_ref[...], preferred_element_type=jnp.float32) + b2_ref[...]
    mu2 = jnp.mean(h2, axis=0, keepdims=True)
    d2 = h2 - mu2
    var2 = jnp.mean(d2 * d2, axis=0, keepdims=True)
    r2 = jnp.maximum(d2 * (g2_ref[...] * lax.rsqrt(var2 + EPS)) + be2_ref[...], 0.0)
    h3 = jnp.sum(r2 * w3_ref[...], axis=1, keepdims=True) + b3_ref[...]
    out_ref[...] = jax.nn.sigmoid(h3)


def _tc_tail(h1, b1, g1, be1, w2t, b2, g2, be2, w3, b3, interpret=False):
    full = lambda s: pl.BlockSpec(s, lambda: tuple(0 for _ in s))
    return pl.pallas_call(
        _tail_body,
        in_specs=[
            full((B, H1)),
            full((1, H1)), full((1, H1)), full((1, H1)),
            full((H1, H2)),
            full((1, H2)), full((1, H2)), full((1, H2)),
            full((1, H2)), full((1, 1)),
        ],
        out_specs=full((B, 1)),
        out_shape=jax.ShapeDtypeStruct((B, 1), jnp.float32),
        interpret=interpret,
    )(h1, b1, g1, be1, w2t, b2, g2, be2, w3, b3)


def kernel(x, emb, W1, b1, g1, be1, W2, b2, g2, be2, W3, b3):
    w4 = W1.reshape(H1, NUM_WORDS, EMB).transpose(1, 2, 0).astype(jnp.bfloat16)
    h1_parts = []
    for c in range(_NCH):
        xc = x[c * _BC:(c + 1) * _BC]
        idx_c = xc.reshape(_BC // 8, 8, NUM_WORDS).transpose(0, 2, 1).reshape(-1)
        e = _sc_gather(emb, idx_c)
        e4 = e.reshape(_BC // 8, NUM_WORDS, 8, EMB)
        h1_parts.append(_tc_matmul(e4, w4))
    h1 = jnp.concatenate(h1_parts, axis=0)
    return _tc_tail(
        h1,
        b1.reshape(1, H1), g1.reshape(1, H1), be1.reshape(1, H1),
        W2.T,
        b2.reshape(1, H2), g2.reshape(1, H2), be2.reshape(1, H2),
        W3.reshape(1, H2), b3.reshape(1, 1),
    )

# --- scband reference (transcript-rebuilt; emitter-appended) ---
"""Pipeline reference for scband-sentiment-embedding-77257871720718 (READ-ONLY COPY).

The authoritative reference and input builder live on the scoring server;
editing this copy changes nothing except your own understanding.
"""

import jax, jax.numpy as jnp
import numpy as np

B = 4096
NUM_WORDS = 200
VOCAB = 100000
EMB = 128
H1 = 64
H2 = 16
OUT = 1
EPS = 1e-5


def setup_inputs(seed: int = 0) -> dict:
    key = jax.random.key(seed)
    ks = jax.random.split(key, 12)
    x = jax.random.randint(ks[0], (B, NUM_WORDS), 0, VOCAB, dtype=jnp.int64 if jax.config.jax_enable_x64 else jnp.int32).astype(jnp.int32)
    emb = jax.random.normal(ks[1], (VOCAB, EMB), dtype=jnp.float32) * 0.02
    W1 = jax.random.normal(ks[2], (H1, EMB * NUM_WORDS), dtype=jnp.float32) * (1.0 / np.sqrt(EMB * NUM_WORDS))
    b1 = jnp.zeros((H1,), dtype=jnp.float32)
    g1 = jnp.ones((H1,), dtype=jnp.float32)
    be1 = jnp.zeros((H1,), dtype=jnp.float32)
    W2 = jax.random.normal(ks[3], (H2, H1), dtype=jnp.float32) * (1.0 / np.sqrt(H1))
    b2 = jnp.zeros((H2,), dtype=jnp.float32)
    g2 = jnp.ones((H2,), dtype=jnp.float32)
    be2 = jnp.zeros((H2,), dtype=jnp.float32)
    W3 = jax.random.normal(ks[4], (OUT, H2), dtype=jnp.float32) * (1.0 / np.sqrt(H2))
    b3 = jnp.zeros((OUT,), dtype=jnp.float32)
    return {"x": x, "emb": emb, "W1": W1, "b1": b1, "g1": g1, "be1": be1,
            "W2": W2, "b2": b2, "g2": g2, "be2": be2, "W3": W3, "b3": b3}


def _batchnorm(h, g, be):
    mu = jnp.mean(h, axis=0, keepdims=True)
    var = jnp.var(h, axis=0, keepdims=True)  # biased variance, matches torch BN normalization
    return (h - mu) / jnp.sqrt(var + EPS) * g + be


def reference(x, emb, W1, b1, g1, be1, W2, b2, g2, be2, W3, b3):
    # embedding lookup (gather)
    e = jnp.take(emb, x, axis=0)              # [B, NUM_WORDS, EMB]
    e = e.reshape(x.shape[0], -1)             # [B, NUM_WORDS*EMB]
    h = e @ W1.T + b1
    h = jnp.maximum(_batchnorm(h, g1, be1), 0.0)
    h = h @ W2.T + b2
    h = jnp.maximum(_batchnorm(h, g2, be2), 0.0)
    h = h @ W3.T + b3
    out = jax.nn.sigmoid(h).astype(jnp.float32)
    return out

if __name__ == "__main__":
    import jax
    _d = setup_inputs()
    print(jax.jit(kernel)(*tuple(_d.values())))

</pallas_src>

<mosaic_0001>
#map = affine_map<(d0, d1) -> (0, 0)>
#map1 = affine_map<(d0, d1) -> (0)>
module attributes {stable_mosaic.version = 14 : i64} {
  func.func @k(%arg0: i32, %arg1: i32, %arg2: memref<100000x128xf32, #tpu.memory_space<hbm>>, %arg3: memref<204800xi32, #tpu.memory_space<hbm>>, %arg4: memref<204800x128xf32, #tpu.memory_space<hbm>>, %arg5: memref<6400xi32, #tpu.memory_space<vmem>>, %arg6: memref<256x128xf32, #tpu.memory_space<vmem>>, %arg7: memref<256x128xf32, #tpu.memory_space<vmem>>, %arg8: memref<!tpu.dma_semaphore, #tpu.memory_space<semaphore_mem>>, %arg9: memref<!tpu.dma_semaphore, #tpu.memory_space<semaphore_mem>>, %arg10: memref<!tpu.dma_semaphore, #tpu.memory_space<semaphore_mem>>, %arg11: memref<!tpu.dma_semaphore, #tpu.memory_space<semaphore_mem>>) attributes {dimension_semantics = [#tpu.dimension_semantics<core_parallel>, #tpu.dimension_semantics<subcore_parallel>], iteration_bounds = array<i64: 2, 16>, scalar_prefetch = 0 : i64, scratch_operands = 7 : i64, tpu.core_type = #tpu.core_type<sc_vector_subcore>, window_params = [{transform_indices = #map}, {transform_indices = #map1}, {transform_indices = #map}]} {
    %mul3A = arith.constant 2 : i32
    %mul3A_0 = arith.muli %arg1, %mul3A : i32
    %add3A = arith.addi %mul3A_0, %arg0 : i32
    %mul3A_1 = arith.constant 6400 : i32
    %mul3A_2 = arith.muli %add3A, %mul3A_1 : i32
    "tpu.region"() ({
      %run_scoped3A = tpu.sem_alloc : memref<!tpu.dma_semaphore, #tpu.memory_space<semaphore_mem>>
      %dma_start3A_51 = tpu.memref_slice %arg3[%mul3A_2] : memref<204800xi32, #tpu.memory_space<hbm>> -> memref<6400xi32, #tpu.memory_space<hbm>>
      %dma_start3A_52 = tpu.memref_slice %arg3[%mul3A_2] : memref<204800xi32, #tpu.memory_space<hbm>> -> memref<6400xi32, #tpu.memory_space<hbm>>
      tpu.enqueue_dma source(%dma_start3A_52 : memref<6400xi32, #tpu.memory_space<hbm>>) target(%arg5 : memref<6400xi32, #tpu.memory_space<vmem>>) target_semaphore(%run_scoped3A : memref<!tpu.dma_semaphore, #tpu.memory_space<semaphore_mem>>)
      %dma_wait3A_53 = tpu.memref_slice %arg3[%mul3A_2] : memref<204800xi32, #tpu.memory_space<hbm>> -> memref<6400xi32, #tpu.memory_space<hbm>>
      %dma_wait3A_54 = tpu.memref_slice %arg3[%mul3A_2] : memref<204800xi32, #tpu.memory_space<hbm>> -> memref<6400xi32, #tpu.memory_space<hbm>>
      tpu.wait_dma2 semaphore(%run_scoped3A : memref<!tpu.dma_semaphore, #tpu.memory_space<semaphore_mem>>) src(%dma_wait3A_54 : memref<6400xi32, #tpu.memory_space<hbm>>) dst(%arg5 : memref<6400xi32, #tpu.memory_space<vmem>>)
      tpu.yield
    }) : () -> ()
    %dma_start3A = arith.constant 0 : i32
    %dma_start3A_3 = arith.constant 0 : i32
    %dma_start3A_4 = tpu.memref_slice %arg6[%dma_start3A, %dma_start3A_3] : memref<256x128xf32, #tpu.memory_space<vmem>> -> memref<128x128xf32, #tpu.memory_space<vmem>>
    %dma_start3A_5 = arith.constant 0 : i32
    %dma_start3A_6 = tpu.memref_slice %arg5[%dma_start3A_5] : memref<6400xi32, #tpu.memory_space<vmem>> -> memref<128xi32, #tpu.memory_space<vmem>>
    %dma_start3A_7 = arith.constant 0 : i32
    %dma_start3A_8 = arith.constant 0 : i32
    %dma_start3A_9 = tpu.memref_slice %arg2[%dma_start3A_7, %dma_start3A_8] : memref<100000x128xf32, #tpu.memory_space<hbm>> -> memref<100000x128xf32, #tpu.memory_space<hbm>>
    tpu.enqueue_indirect_dma source(%dma_start3A_9 : memref<100000x128xf32, #tpu.memory_space<hbm>>) target(%dma_start3A_4 : memref<128x128xf32, #tpu.memory_space<vmem>>) offsets(%dma_start3A_6 : memref<128xi32, #tpu.memory_space<vmem>>) semaphore(%arg8 : memref<!tpu.dma_semaphore, #tpu.memory_space<semaphore_mem>>)
    %dma_start3A_10 = arith.constant 128 : i32
    %dma_start3A_11 = arith.constant 0 : i32
    %dma_start3A_12 = tpu.memref_slice %arg6[%dma_start3A_10, %dma_start3A_11] : memref<256x128xf32, #tpu.memory_space<vmem>> -> memref<128x128xf32, #tpu.memory_space<vmem>>
    %dma_start3A_13 = arith.constant 128 : i32
    %dma_start3A_14 = tpu.memref_slice %arg5[%dma_start3A_13] : memref<6400xi32, #tpu.memory_space<vmem>> -> memref<128xi32, #tpu.memory_space<vmem>>
    %dma_start3A_15 = arith.constant 0 : i32
    %dma_start3A_16 = arith.constant 0 : i32
    %dma_start3A_17 = tpu.memref_slice %arg2[%dma_start3A_15, %dma_start3A_16] : memref<100000x128xf32, #tpu.memory_space<hbm>> -> memref<100000x128xf32, #tpu.memory_space<hbm>>
    tpu.enqueue_indirect_dma source(%dma_start3A_17 : memref<100000x128xf32, #tpu.memory_space<hbm>>) target(%dma_start3A_12 : memref<128x128xf32, #tpu.memory_space<vmem>>) offsets(%dma_start3A_14 : memref<128xi32, #tpu.memory_space<vmem>>) semaphore(%arg8 : memref<!tpu.dma_semaphore, #tpu.memory_space<semaphore_mem>>)
    %scan3A = arith.constant 0 : i32
    %scan3A_18 = arith.constant 12 : i32
    %scan3A_19 = arith.addi %scan3A, %scan3A_18 : i32
    %scan3A_20 = arith.constant 1 : i32
    scf.for %scan3A_51 = %scan3A to %scan3A_19 step %scan3A_20  : i32 {
      %mul3A_52 = arith.constant 2 : i32
      %mul3A_53 = arith.muli %scan3A_51, %mul3A_52 : i32
      %add3A_54 = arith.constant 0 : i32
      %add3A_55 = arith.addi %add3A_54, %mul3A_53 : i32
      %ge3A = arith.constant 1 : i32
      %ge3A_56 = arith.cmpi sge, %add3A_55, %ge3A : i32
      %convert_element_type3A = arith.extui %ge3A_56 : i1 to i32
      %cond3A = arith.constant 0 : i32
      %cond3A_57 = arith.cmpi ne, %convert_element_type3A, %cond3A : i32
      scf.if %cond3A_57 {
        %dma_wait3A_124 = arith.constant 0 : i32
        %dma_wait3A_125 = tpu.memref_slice %arg4[%mul3A_2, %dma_wait3A_124] : memref<204800x128xf32, #tpu.memory_space<hbm>> -> memref<256x128xf32, #tpu.memory_space<hbm>>
        %dma_wait3A_126 = arith.constant 0 : i32
        %dma_wait3A_127 = tpu.memref_slice %arg4[%mul3A_2, %dma_wait3A_126] : memref<204800x128xf32, #tpu.memory_space<hbm>> -> memref<256x128xf32, #tpu.memory_space<hbm>>
        tpu.wait_dma2 semaphore(%arg11 : memref<!tpu.dma_semaphore, #tpu.memory_space<semaphore_mem>>) src(%arg7 : memref<256x128xf32, #tpu.memory_space<vmem>>) dst(%dma_wait3A_127 : memref<256x128xf32, #tpu.memory_space<hbm>>)
      } else {
      }
      %add3A_58 = arith.constant 1 : i32
      %add3A_59 = arith.addi %add3A_55, %add3A_58 : i32
      %lt3A = arith.constant 25 : i32
      %lt3A_60 = arith.cmpi slt, %add3A_59, %lt3A : i32
      %convert_element_type3A_61 = arith.extui %lt3A_60 : i1 to i32
      %cond3A_62 = arith.constant 0 : i32
      %cond3A_63 = arith.cmpi ne, %convert_element_type3A_61, %cond3A_62 : i32
      scf.if %cond3A_63 {
        %add3A_124 = arith.constant 1 : i32
        %add3A_125 = arith.addi %add3A_55, %add3A_124 : i32
        %mul3A_126 = arith.constant 256 : i32
        %mul3A_127 = arith.muli %add3A_125, %mul3A_126 : i32
        %add3A_128 = arith.constant 0 : i32
        %add3A_129 = arith.addi %mul3A_127, %add3A_128 : i32
        %dma_start3A_130 = arith.constant 0 : i32
        %dma_start3A_131 = arith.constant 0 : i32
        %dma_start3A_132 = tpu.memref_slice %arg7[%dma_start3A_130, %dma_start3A_131] : memref<256x128xf32, #tpu.memory_space<vmem>> -> memref<128x128xf32, #tpu.memory_space<vmem>>
        %dma_start3A_133 = tpu.memref_slice %arg5[%add3A_129] : memref<6400xi32, #tpu.memory_space<vmem>> -> memref<128xi32, #tpu.memory_space<vmem>>
        %dma_start3A_134 = arith.constant 0 : i32
        %dma_start3A_135 = arith.constant 0 : i32
        %dma_start3A_136 = tpu.memref_slice %arg2[%dma_start3A_134, %dma_start3A_135] : memref<100000x128xf32, #tpu.memory_space<hbm>> -> memref<100000x128xf32, #tpu.memory_space<hbm>>
        tpu.enqueue_indirect_dma source(%dma_start3A_136 : memref<100000x128xf32, #tpu.memory_space<hbm>>) target(%dma_start3A_132 : memref<128x128xf32, #tpu.memory_space<vmem>>) offsets(%dma_start3A_133 : memref<128xi32, #tpu.memory_space<vmem>>) semaphore(%arg9 : memref<!tpu.dma_semaphore, #tpu.memory_space<semaphore_mem>>)
        %mul3A_137 = arith.constant 256 : i32
        %mul3A_138 = arith.muli %add3A_125, %mul3A_137 : i32
        %add3A_139 = arith.constant 128 : i32
        %add3A_140 = arith.addi %mul3A_138, %add3A_139 : i32
        %dma_start3A_141 = arith.constant 128 : i32
        %dma_start3A_142 = arith.constant 0 : i32
        %dma_start3A_143 = tpu.memref_slice %arg7[%dma_start3A_141, %dma_start3A_142] : memref<256x128xf32, #tpu.memory_space<vmem>> -> memref<128x128xf32, #tpu.memory_space<vmem>>
        %dma_start3A_144 = tpu.memref_slice %arg5[%add3A_140] : memref<6400xi32, #tpu.memory_space<vmem>> -> memref<128xi32, #tpu.memory_space<vmem>>
        %dma_start3A_145 = arith.constant 0 : i32
        %dma_start3A_146 = arith.constant 0 : i32
        %dma_start3A_147 = tpu.memref_slice %arg2[%dma_start3A_145, %dma_start3A_146] : memref<100000x128xf32, #tpu.memory_space<hbm>> -> memref<100000x128xf32, #tpu.memory_space<hbm>>
        tpu.enqueue_indirect_dma source(%dma_start3A_147 : memref<100000x128xf32, #tpu.memory_space<hbm>>) target(%dma_start3A_143 : memref<128x128xf32, #tpu.memory_space<vmem>>) offsets(%dma_start3A_144 : memref<128xi32, #tpu.memory_space<vmem>>) semaphore(%arg9 : memref<!tpu.dma_semaphore, #tpu.memory_space<semaphore_mem>>)
      } else {
      }
      %dma_wait3A_64 = arith.constant 0 : i32
      %dma_wait3A_65 = arith.constant 0 : i32
      %dma_wait3A_66 = tpu.memref_slice %arg6[%dma_wait3A_64, %dma_wait3A_65] : memref<256x128xf32, #tpu.memory_space<vmem>> -> memref<128x128xf32, #tpu.memory_space<vmem>>
      %dma_wait3A_67 = arith.constant 0 : i32
      %dma_wait3A_68 = tpu.memref_slice %arg5[%dma_wait3A_67] : memref<6400xi32, #tpu.memory_space<vmem>> -> memref<128xi32, #tpu.memory_space<vmem>>
      %dma_wait3A_69 = arith.constant 0 : i32
      %dma_wait3A_70 = arith.constant 0 : i32
      %dma_wait3A_71 = tpu.memref_slice %arg2[%dma_wait3A_69, %dma_wait3A_70] : memref<100000x128xf32, #tpu.memory_space<hbm>> -> memref<100000x128xf32, #tpu.memory_space<hbm>>
      tpu.wait_indirect_dma semaphore(%arg8 : memref<!tpu.dma_semaphore, #tpu.memory_space<semaphore_mem>>) src(%dma_wait3A_71 : memref<100000x128xf32, #tpu.memory_space<hbm>>) dst(%dma_wait3A_66 : memref<128x128xf32, #tpu.memory_space<vmem>>)
      %dma_wait3A_72 = arith.constant 128 : i32
      %dma_wait3A_73 = arith.constant 0 : i32
      %dma_wait3A_74 = tpu.memref_slice %arg6[%dma_wait3A_72, %dma_wait3A_73] : memref<256x128xf32, #tpu.memory_space<vmem>> -> memref<128x128xf32, #tpu.memory_space<vmem>>
      %dma_wait3A_75 = arith.constant 128 : i32
      %dma_wait3A_76 = tpu.memref_slice %arg5[%dma_wait3A_75] : memref<6400xi32, #tpu.memory_space<vmem>> -> memref<128xi32, #tpu.memory_space<vmem>>
      %dma_wait3A_77 = arith.constant 0 : i32
      %dma_wait3A_78 = arith.constant 0 : i32
      %dma_wait3A_79 = tpu.memref_slice %arg2[%dma_wait3A_77, %dma_wait3A_78] : memref<100000x128xf32, #tpu.memory_space<hbm>> -> memref<100000x128xf32, #tpu.memory_space<hbm>>
      tpu.wait_indirect_dma semaphore(%arg8 : memref<!tpu.dma_semaphore, #tpu.memory_space<semaphore_mem>>) src(%dma_wait3A_79 : memref<100000x128xf32, #tpu.memory_space<hbm>>) dst(%dma_wait3A_74 : memref<128x128xf32, #tpu.memory_space<vmem>>)
      %mul3A_80 = arith.constant 256 : i32
      %mul3A_81 = arith.muli %add3A_55, %mul3A_80 : i32
      %add3A_82 = arith.addi %mul3A_2, %mul3A_81 : i32
      %dma_start3A_83 = arith.constant 0 : i32
      %dma_start3A_84 = tpu.memref_slice %arg4[%add3A_82, %dma_start3A_83] : memref<204800x128xf32, #tpu.memory_space<hbm>> -> memref<256x128xf32, #tpu.memory_space<hbm>>
      %dma_start3A_85 = arith.constant 0 : i32
      %dma_start3A_86 = tpu.memref_slice %arg4[%add3A_82, %dma_start3A_85] : memref<204800x128xf32, #tpu.memory_space<hbm>> -> memref<256x128xf32, #tpu.memory_space<hbm>>
      tpu.enqueue_dma source(%arg6 : memref<256x128xf32, #tpu.memory_space<vmem>>) target(%dma_start3A_86 : memref<256x128xf32, #tpu.memory_space<hbm>>) target_semaphore(%arg10 : memref<!tpu.dma_semaphore, #tpu.memory_space<semaphore_mem>>)
      %add3A_87 = arith.constant 1 : i32
      %add3A_88 = arith.addi %add3A_55, %add3A_87 : i32
      %ge3A_89 = arith.constant 1 : i32
      %ge3A_90 = arith.cmpi sge, %add3A_88, %ge3A_89 : i32
      %convert_element_type3A_91 = arith.extui %ge3A_90 : i1 to i32
      %cond3A_92 = arith.constant 0 : i32
      %cond3A_93 = arith.cmpi ne, %convert_element_type3A_91, %cond3A_92 : i32
      scf.if %cond3A_93 {
        %dma_wait3A_124 = arith.constant 0 : i32
        %dma_wait3A_125 = tpu.memref_slice %arg4[%mul3A_2, %dma_wait3A_124] : memref<204800x128xf32, #tpu.memory_space<hbm>> -> memref<256x128xf32, #tpu.memory_space<hbm>>
        %dma_wait3A_126 = arith.constant 0 : i32
        %dma_wait3A_127 = tpu.memref_slice %arg4[%mul3A_2, %dma_wait3A_126] : memref<204800x128xf32, #tpu.memory_space<hbm>> -> memref<256x128xf32, #tpu.memory_space<hbm>>
        tpu.wait_dma2 semaphore(%arg10 : memref<!tpu.dma_semaphore, #tpu.memory_space<semaphore_mem>>) src(%arg6 : memref<256x128xf32, #tpu.memory_space<vmem>>) dst(%dma_wait3A_127 : memref<256x128xf32, #tpu.memory_space<hbm>>)
      } else {
      }
      %add3A_94 = arith.constant 1 : i32
      %add3A_95 = arith.addi %add3A_88, %add3A_94 : i32
      %lt3A_96 = arith.constant 25 : i32
      %lt3A_97 = arith.cmpi slt, %add3A_95, %lt3A_96 : i32
      %convert_element_type3A_98 = arith.extui %lt3A_97 : i1 to i32
      %cond3A_99 = arith.constant 0 : i32
      %cond3A_100 = arith.cmpi ne, %convert_element_type3A_98, %cond3A_99 : i32
      scf.if %cond3A_100 {
        %add3A_124 = arith.constant 1 : i32
        %add3A_125 = arith.addi %add3A_88, %add3A_124 : i32
        %mul3A_126 = arith.constant 256 : i32
        %mul3A_127 = arith.muli %add3A_125, %mul3A_126 : i32
        %add3A_128 = arith.constant 0 : i32
        %add3A_129 = arith.addi %mul3A_127, %add3A_128 : i32
        %dma_start3A_130 = arith.constant 0 : i32
        %dma_start3A_131 = arith.constant 0 : i32
        %dma_start3A_132 = tpu.memref_slice %arg6[%dma_start3A_130, %dma_start3A_131] : memref<256x128xf32, #tpu.memory_space<vmem>> -> memref<128x128xf32, #tpu.memory_space<vmem>>
        %dma_start3A_133 = tpu.memref_slice %arg5[%add3A_129] : memref<6400xi32, #tpu.memory_space<vmem>> -> memref<128xi32, #tpu.memory_space<vmem>>
        %dma_start3A_134 = arith.constant 0 : i32
        %dma_start3A_135 = arith.constant 0 : i32
        %dma_start3A_136 = tpu.memref_slice %arg2[%dma_start3A_134, %dma_start3A_135] : memref<100000x128xf32, #tpu.memory_space<hbm>> -> memref<100000x128xf32, #tpu.memory_space<hbm>>
        tpu.enqueue_indirect_dma source(%dma_start3A_136 : memref<100000x128xf32, #tpu.memory_space<hbm>>) target(%dma_start3A_132 : memref<128x128xf32, #tpu.memory_space<vmem>>) offsets(%dma_start3A_133 : memref<128xi32, #tpu.memory_space<vmem>>) semaphore(%arg8 : memref<!tpu.dma_semaphore, #tpu.memory_space<semaphore_mem>>)
        %mul3A_137 = arith.constant 256 : i32
        %mul3A_138 = arith.muli %add3A_125, %mul3A_137 : i32
        %add3A_139 = arith.constant 128 : i32
        %add3A_140 = arith.addi %mul3A_138, %add3A_139 : i32
        %dma_start3A_141 = arith.constant 128 : i32
        %dma_start3A_142 = arith.constant 0 : i32
        %dma_start3A_143 = tpu.memref_slice %arg6[%dma_start3A_141, %dma_start3A_142] : memref<256x128xf32, #tpu.memory_space<vmem>> -> memref<128x128xf32, #tpu.memory_space<vmem>>
        %dma_start3A_144 = tpu.memref_slice %arg5[%add3A_140] : memref<6400xi32, #tpu.memory_space<vmem>> -> memref<128xi32, #tpu.memory_space<vmem>>
        %dma_start3A_145 = arith.constant 0 : i32
        %dma_start3A_146 = arith.constant 0 : i32
        %dma_start3A_147 = tpu.memref_slice %arg2[%dma_start3A_145, %dma_start3A_146] : memref<100000x128xf32, #tpu.memory_space<hbm>> -> memref<100000x128xf32, #tpu.memory_space<hbm>>
        tpu.enqueue_indirect_dma source(%dma_start3A_147 : memref<100000x128xf32, #tpu.memory_space<hbm>>) target(%dma_start3A_143 : memref<128x128xf32, #tpu.memory_space<vmem>>) offsets(%dma_start3A_144 : memref<128xi32, #tpu.memory_space<vmem>>) semaphore(%arg8 : memref<!tpu.dma_semaphore, #tpu.memory_space<semaphore_mem>>)
      } else {
      }
      %dma_wait3A_101 = arith.constant 0 : i32
      %dma_wait3A_102 = arith.constant 0 : i32
      %dma_wait3A_103 = tpu.memref_slice %arg7[%dma_wait3A_101, %dma_wait3A_102] : memref<256x128xf32, #tpu.memory_space<vmem>> -> memref<128x128xf32, #tpu.memory_space<vmem>>
      %dma_wait3A_104 = arith.constant 0 : i32
      %dma_wait3A_105 = tpu.memref_slice %arg5[%dma_wait3A_104] : memref<6400xi32, #tpu.memory_space<vmem>> -> memref<128xi32, #tpu.memory_space<vmem>>
      %dma_wait3A_106 = arith.constant 0 : i32
      %dma_wait3A_107 = arith.constant 0 : i32
      %dma_wait3A_108 = tpu.memref_slice %arg2[%dma_wait3A_106, %dma_wait3A_107] : memref<100000x128xf32, #tpu.memory_space<hbm>> -> memref<100000x128xf32, #tpu.memory_space<hbm>>
      tpu.wait_indirect_dma semaphore(%arg9 : memref<!tpu.dma_semaphore, #tpu.memory_space<semaphore_mem>>) src(%dma_wait3A_108 : memref<100000x128xf32, #tpu.memory_space<hbm>>) dst(%dma_wait3A_103 : memref<128x128xf32, #tpu.memory_space<vmem>>)
      %dma_wait3A_109 = arith.constant 128 : i32
      %dma_wait3A_110 = arith.constant 0 : i32
      %dma_wait3A_111 = tpu.memref_slice %arg7[%dma_wait3A_109, %dma_wait3A_110] : memref<256x128xf32, #tpu.memory_space<vmem>> -> memref<128x128xf32, #tpu.memory_space<vmem>>
      %dma_wait3A_112 = arith.constant 128 : i32
      %dma_wait3A_113 = tpu.memref_slice %arg5[%dma_wait3A_112] : memref<6400xi32, #tpu.memory_space<vmem>> -> memref<128xi32, #tpu.memory_space<vmem>>
      %dma_wait3A_114 = arith.constant 0 : i32
      %dma_wait3A_115 = arith.constant 0 : i32
      %dma_wait3A_116 = tpu.memref_slice %arg2[%dma_wait3A_114, %dma_wait3A_115] : memref<100000x128xf32, #tpu.memory_space<hbm>> -> memref<100000x128xf32, #tpu.memory_space<hbm>>
      tpu.wait_indirect_dma semaphore(%arg9 : memref<!tpu.dma_semaphore, #tpu.memory_space<semaphore_mem>>) src(%dma_wait3A_116 : memref<100000x128xf32, #tpu.memory_space<hbm>>) dst(%dma_wait3A_111 : memref<128x128xf32, #tpu.memory_space<vmem>>)
      %mul3A_117 = arith.constant 256 : i32
      %mul3A_118 = arith.muli %add3A_88, %mul3A_117 : i32
      %add3A_119 = arith.addi %mul3A_2, %mul3A_118 : i32
      %dma_start3A_120 = arith.constant 0 : i32
      %dma_start3A_121 = tpu.memref_slice %arg4[%add3A_119, %dma_start3A_120] : memref<204800x128xf32, #tpu.memory_space<hbm>> -> memref<256x128xf32, #tpu.memory_space<hbm>>
      %dma_start3A_122 = arith.constant 0 : i32
      %dma_start3A_123 = tpu.memref_slice %arg4[%add3A_119, %dma_start3A_122] : memref<204800x128xf32, #tpu.memory_space<hbm>> -> memref<256x128xf32, #tpu.memory_space<hbm>>
      tpu.enqueue_dma source(%arg7 : memref<256x128xf32, #tpu.memory_space<vmem>>) target(%dma_start3A_123 : memref<256x128xf32, #tpu.memory_space<hbm>>) target_semaphore(%arg11 : memref<!tpu.dma_semaphore, #tpu.memory_space<semaphore_mem>>)
    }
    %scan3A_21 = arith.constant 12 : i32
    %dma_wait3A = arith.constant 0 : i32
    %dma_wait3A_22 = tpu.memref_slice %arg4[%mul3A_2, %dma_wait3A] : memref<204800x128xf32, #tpu.memory_space<hbm>> -> memref<256x128xf32, #tpu.memory_space<hbm>>
    %dma_wait3A_23 = arith.constant 0 : i32
    %dma_wait3A_24 = tpu.memref_slice %arg4[%mul3A_2, %dma_wait3A_23] : memref<204800x128xf32, #tpu.memory_space<hbm>> -> memref<256x128xf32, #tpu.memory_space<hbm>>
    tpu.wait_dma2 semaphore(%arg11 : memref<!tpu.dma_semaphore, #tpu.memory_space<semaphore_mem>>) src(%arg7 : memref<256x128xf32, #tpu.memory_space<vmem>>) dst(%dma_wait3A_24 : memref<256x128xf32, #tpu.memory_space<hbm>>)
    %dma_wait3A_25 = arith.constant 0 : i32
    %dma_wait3A_26 = arith.constant 0 : i32
    %dma_wait3A_27 = tpu.memref_slice %arg6[%dma_wait3A_25, %dma_wait3A_26] : memref<256x128xf32, #tpu.memory_space<vmem>> -> memref<128x128xf32, #tpu.memory_space<vmem>>
    %dma_wait3A_28 = arith.constant 0 : i32
    %dma_wait3A_29 = tpu.memref_slice %arg5[%dma_wait3A_28] : memref<6400xi32, #tpu.memory_space<vmem>> -> memref<128xi32, #tpu.memory_space<vmem>>
    %dma_wait3A_30 = arith.constant 0 : i32
    %dma_wait3A_31 = arith.constant 0 : i32
    %dma_wait3A_32 = tpu.memref_slice %arg2[%dma_wait3A_30, %dma_wait3A_31] : memref<100000x128xf32, #tpu.memory_space<hbm>> -> memref<100000x128xf32, #tpu.memory_space<hbm>>
    tpu.wait_indirect_dma semaphore(%arg8 : memref<!tpu.dma_semaphore, #tpu.memory_space<semaphore_mem>>) src(%dma_wait3A_32 : memref<100000x128xf32, #tpu.memory_space<hbm>>) dst(%dma_wait3A_27 : memref<128x128xf32, #tpu.memory_space<vmem>>)
    %dma_wait3A_33 = arith.constant 128 : i32
    %dma_wait3A_34 = arith.constant 0 : i32
    %dma_wait3A_35 = tpu.memref_slice %arg6[%dma_wait3A_33, %dma_wait3A_34] : memref<256x128xf32, #tpu.memory_space<vmem>> -> memref<128x128xf32, #tpu.memory_space<vmem>>
    %dma_wait3A_36 = arith.constant 128 : i32
    %dma_wait3A_37 = tpu.memref_slice %arg5[%dma_wait3A_36] : memref<6400xi32, #tpu.memory_space<vmem>> -> memref<128xi32, #tpu.memory_space<vmem>>
    %dma_wait3A_38 = arith.constant 0 : i32
    %dma_wait3A_39 = arith.constant 0 : i32
    %dma_wait3A_40 = tpu.memref_slice %arg2[%dma_wait3A_38, %dma_wait3A_39] : memref<100000x128xf32, #tpu.memory_space<hbm>> -> memref<100000x128xf32, #tpu.memory_space<hbm>>
    tpu.wait_indirect_dma semaphore(%arg8 : memref<!tpu.dma_semaphore, #tpu.memory_space<semaphore_mem>>) src(%dma_wait3A_40 : memref<100000x128xf32, #tpu.memory_space<hbm>>) dst(%dma_wait3A_35 : memref<128x128xf32, #tpu.memory_space<vmem>>)
    %add3A_41 = arith.constant 6144 : i32
    %add3A_42 = arith.addi %mul3A_2, %add3A_41 : i32
    %dma_start3A_43 = arith.constant 0 : i32
    %dma_start3A_44 = tpu.memref_slice %arg4[%add3A_42, %dma_start3A_43] : memref<204800x128xf32, #tpu.memory_space<hbm>> -> memref<256x128xf32, #tpu.memory_space<hbm>>
    %dma_start3A_45 = arith.constant 0 : i32
    %dma_start3A_46 = tpu.memref_slice %arg4[%add3A_42, %dma_start3A_45] : memref<204800x128xf32, #tpu.memory_space<hbm>> -> memref<256x128xf32, #tpu.memory_space<hbm>>
    tpu.enqueue_dma source(%arg6 : memref<256x128xf32, #tpu.memory_space<vmem>>) target(%dma_start3A_46 : memref<256x128xf32, #tpu.memory_space<hbm>>) target_semaphore(%arg10 : memref<!tpu.dma_semaphore, #tpu.memory_space<semaphore_mem>>)
    %dma_wait3A_47 = arith.constant 0 : i32
    %dma_wait3A_48 = tpu.memref_slice %arg4[%mul3A_2, %dma_wait3A_47] : memref<204800x128xf32, #tpu.memory_space<hbm>> -> memref<256x128xf32, #tpu.memory_space<hbm>>
    %dma_wait3A_49 = arith.constant 0 : i32
    %dma_wait3A_50 = tpu.memref_slice %arg4[%mul3A_2, %dma_wait3A_49] : memref<204800x128xf32, #tpu.memory_space<hbm>> -> memref<256x128xf32, #tpu.memory_space<hbm>>
    tpu.wait_dma2 semaphore(%arg10 : memref<!tpu.dma_semaphore, #tpu.memory_space<semaphore_mem>>) src(%arg6 : memref<256x128xf32, #tpu.memory_space<vmem>>) dst(%dma_wait3A_50 : memref<256x128xf32, #tpu.memory_space<hbm>>)
    return
  }
}

#map = affine_map<(d0, d1) -> (0, 0)>
#map1 = affine_map<(d0, d1) -> (0)>
module attributes {stable_mosaic.version = 14 : i64} {
  func.func @k(%arg0: i32, %arg1: i32, %arg2: memref<100000x128xf32, #tpu.memory_space<hbm>>, %arg3: memref<204800xi32, #tpu.memory_space<hbm>>, %arg4: memref<204800x128xf32, #tpu.memory_space<hbm>>, %arg5: memref<6400xi32, #tpu.memory_space<vmem>>, %arg6: memref<256x128xf32, #tpu.memory_space<vmem>>, %arg7: memref<256x128xf32, #tpu.memory_space<vmem>>, %arg8: memref<!tpu.dma_semaphore, #tpu.memory_space<semaphore_mem>>, %arg9: memref<!tpu.dma_semaphore, #tpu.memory_space<semaphore_mem>>, %arg10: memref<!tpu.dma_semaphore, #tpu.memory_space<semaphore_mem>>, %arg11: memref<!tpu.dma_semaphore, #tpu.memory_space<semaphore_mem>>) attributes {dimension_semantics = [#tpu.dimension_semantics<core_parallel>, #tpu.dimension_semantics<subcore_parallel>], iteration_bounds = array<i64: 2, 16>, scalar_prefetch = 0 : i64, scratch_operands = 7 : i64, tpu.core_type = #tpu.core_type<sc_vector_subcore>, window_params = [{transform_indices = #map}, {transform_indices = #map1}, {transform_indices = #map}]} {
    %mul3A = arith.constant 2 : i32
    %mul3A_0 = arith.muli %arg1, %mul3A : i32
    %add3A = arith.addi %mul3A_0, %arg0 : i32
    %mul3A_1 = arith.constant 6400 : i32
    %mul3A_2 = arith.muli %add3A, %mul3A_1 : i32
    "tpu.region"() ({
      %run_scoped3A = tpu.sem_alloc : memref<!tpu.dma_semaphore, #tpu.memory_space<semaphore_mem>>
      %dma_start3A_51 = tpu.memref_slice %arg3[%mul3A_2] : memref<204800xi32, #tpu.memory_space<hbm>> -> memref<6400xi32, #tpu.memory_space<hbm>>
      %dma_start3A_52 = tpu.memref_slice %arg3[%mul3A_2] : memref<204800xi32, #tpu.memory_space<hbm>> -> memref<6400xi32, #tpu.memory_space<hbm>>
      tpu.enqueue_dma source(%dma_start3A_52 : memref<6400xi32, #tpu.memory_space<hbm>>) target(%arg5 : memref<6400xi32, #tpu.memory_space<vmem>>) target_semaphore(%run_scoped3A : memref<!tpu.dma_semaphore, #tpu.memory_space<semaphore_mem>>)
      %dma_wait3A_53 = tpu.memref_slice %arg3[%mul3A_2] : memref<204800xi32, #tpu.memory_space<hbm>> -> memref<6400xi32, #tpu.memory_space<hbm>>
      %dma_wait3A_54 = tpu.memref_slice %arg3[%mul3A_2] : memref<204800xi32, #tpu.memory_space<hbm>> -> memref<6400xi32, #tpu.memory_space<hbm>>
      tpu.wait_dma2 semaphore(%run_scoped3A : memref<!tpu.dma_semaphore, #tpu.memory_space<semaphore_mem>>) src(%dma_wait3A_54 : memref<6400xi32, #tpu.memory_space<hbm>>) dst(%arg5 : memref<6400xi32, #tpu.memory_space<vmem>>)
      tpu.yield
    }) : () -> ()
    %dma_start3A = arith.constant 0 : i32
    %dma_start3A_3 = arith.constant 0 : i32
    %dma_start3A_4 = tpu.memref_slice %arg6[%dma_start3A, %dma_start3A_3] : memref<256x128xf32, #tpu.memory_space<vmem>> -> memref<128x128xf32, #tpu.memory_space<vmem>>
    %dma_start3A_5 = arith.constant 0 : i32
    %dma_start3A_6 = tpu.memref_slice %arg5[%dma_start3A_5] : memref<6400xi32, #tpu.memory_space<vmem>> -> memref<128xi32, #tpu.memory_space<vmem>>
    %dma_start3A_7 = arith.constant 0 : i32
    %dma_start3A_8 = arith.constant 0 : i32
    %dma_start3A_9 = tpu.memref_slice %arg2[%dma_start3A_7, %dma_start3A_8] : memref<100000x128xf32, #tpu.memory_space<hbm>> -> memref<100000x128xf32, #tpu.memory_space<hbm>>
    tpu.enqueue_indirect_dma source(%dma_start3A_9 : memref<100000x128xf32, #tpu.memory_space<hbm>>) target(%dma_start3A_4 : memref<128x128xf32, #tpu.memory_space<vmem>>) offsets(%dma_start3A_6 : memref<128xi32, #tpu.memory_space<vmem>>) semaphore(%arg8 : memref<!tpu.dma_semaphore, #tpu.memory_space<semaphore_mem>>)
    %dma_start3A_10 = arith.constant 128 : i32
    %dma_start3A_11 = arith.constant 0 : i32
    %dma_start3A_12 = tpu.memref_slice %arg6[%dma_start3A_10, %dma_start3A_11] : memref<256x128xf32, #tpu.memory_space<vmem>> -> memref<128x128xf32, #tpu.memory_space<vmem>>
    %dma_start3A_13 = arith.constant 128 : i32
    %dma_start3A_14 = tpu.memref_slice %arg5[%dma_start3A_13] : memref<6400xi32, #tpu.memory_space<vmem>> -> memref<128xi32, #tpu.memory_space<vmem>>
    %dma_start3A_15 = arith.constant 0 : i32
    %dma_start3A_16 = arith.constant 0 : i32
    %dma_start3A_17 = tpu.memref_slice %arg2[%dma_start3A_15, %dma_start3A_16] : memref<100000x128xf32, #tpu.memory_space<hbm>> -> memref<100000x128xf32, #tpu.memory_space<hbm>>
    tpu.enqueue_indirect_dma source(%dma_start3A_17 : memref<100000x128xf32, #tpu.memory_space<hbm>>) target(%dma_start3A_12 : memref<128x128xf32, #tpu.memory_space<vmem>>) offsets(%dma_start3A_14 : memref<128xi32, #tpu.memory_space<vmem>>) semaphore(%arg8 : memref<!tpu.dma_semaphore, #tpu.memory_space<semaphore_mem>>)
    %scan3A = arith.constant 0 : i32
    %scan3A_18 = arith.constant 12 : i32
    %scan3A_19 = arith.addi %scan3A, %scan3A_18 : i32
    %scan3A_20 = arith.constant 1 : i32
    scf.for %scan3A_51 = %scan3A to %scan3A_19 step %scan3A_20  : i32 {
      %mul3A_52 = arith.constant 2 : i32
      %mul3A_53 = arith.muli %scan3A_51, %mul3A_52 : i32
      %add3A_54 = arith.constant 0 : i32
      %add3A_55 = arith.addi %add3A_54, %mul3A_53 : i32
      %ge3A = arith.constant 1 : i32
      %ge3A_56 = arith.cmpi sge, %add3A_55, %ge3A : i32
      %convert_element_type3A = arith.extui %ge3A_56 : i1 to i32
      %cond3A = arith.constant 0 : i32
      %cond3A_57 = arith.cmpi ne, %convert_element_type3A, %cond3A : i32
      scf.if %cond3A_57 {
        %dma_wait3A_124 = arith.constant 0 : i32
        %dma_wait3A_125 = tpu.memref_slice %arg4[%mul3A_2, %dma_wait3A_124] : memref<204800x128xf32, #tpu.memory_space<hbm>> -> memref<256x128xf32, #tpu.memory_space<hbm>>
        %dma_wait3A_126 = arith.constant 0 : i32
        %dma_wait3A_127 = tpu.memref_slice %arg4[%mul3A_2, %dma_wait3A_126] : memref<204800x128xf32, #tpu.memory_space<hbm>> -> memref<256x128xf32, #tpu.memory_space<hbm>>
        tpu.wait_dma2 semaphore(%arg11 : memref<!tpu.dma_semaphore, #tpu.memory_space<semaphore_mem>>) src(%arg7 : memref<256x128xf32, #tpu.memory_space<vmem>>) dst(%dma_wait3A_127 : memref<256x128xf32, #tpu.memory_space<hbm>>)
      } else {
      }
      %add3A_58 = arith.constant 1 : i32
      %add3A_59 = arith.addi %add3A_55, %add3A_58 : i32
      %lt3A = arith.constant 25 : i32
      %lt3A_60 = arith.cmpi slt, %add3A_59, %lt3A : i32
      %convert_element_type3A_61 = arith.extui %lt3A_60 : i1 to i32
      %cond3A_62 = arith.constant 0 : i32
      %cond3A_63 = arith.cmpi ne, %convert_element_type3A_61, %cond3A_62 : i32
      scf.if %cond3A_63 {
        %add3A_124 = arith.constant 1 : i32
        %add3A_125 = arith.addi %add3A_55, %add3A_124 : i32
        %mul3A_126 = arith.constant 256 : i32
        %mul3A_127 = arith.muli %add3A_125, %mul3A_126 : i32
        %add3A_128 = arith.constant 0 : i32
        %add3A_129 = arith.addi %mul3A_127, %add3A_128 : i32
        %dma_start3A_130 = arith.constant 0 : i32
        %dma_start3A_131 = arith.constant 0 : i32
        %dma_start3A_132 = tpu.memref_slice %arg7[%dma_start3A_130, %dma_start3A_131] : memref<256x128xf32, #tpu.memory_space<vmem>> -> memref<128x128xf32, #tpu.memory_space<vmem>>
        %dma_start3A_133 = tpu.memref_slice %arg5[%add3A_129] : memref<6400xi32, #tpu.memory_space<vmem>> -> memref<128xi32, #tpu.memory_space<vmem>>
        %dma_start3A_134 = arith.constant 0 : i32
        %dma_start3A_135 = arith.constant 0 : i32
        %dma_start3A_136 = tpu.memref_slice %arg2[%dma_start3A_134, %dma_start3A_135] : memref<100000x128xf32, #tpu.memory_space<hbm>> -> memref<100000x128xf32, #tpu.memory_space<hbm>>
        tpu.enqueue_indirect_dma source(%dma_start3A_136 : memref<100000x128xf32, #tpu.memory_space<hbm>>) target(%dma_start3A_132 : memref<128x128xf32, #tpu.memory_space<vmem>>) offsets(%dma_start3A_133 : memref<128xi32, #tpu.memory_space<vmem>>) semaphore(%arg9 : memref<!tpu.dma_semaphore, #tpu.memory_space<semaphore_mem>>)
        %mul3A_137 = arith.constant 256 : i32
        %mul3A_138 = arith.muli %add3A_125, %mul3A_137 : i32
        %add3A_139 = arith.constant 128 : i32
        %add3A_140 = arith.addi %mul3A_138, %add3A_139 : i32
        %dma_start3A_141 = arith.constant 128 : i32
        %dma_start3A_142 = arith.constant 0 : i32
        %dma_start3A_143 = tpu.memref_slice %arg7[%dma_start3A_141, %dma_start3A_142] : memref<256x128xf32, #tpu.memory_space<vmem>> -> memref<128x128xf32, #tpu.memory_space<vmem>>
        %dma_start3A_144 = tpu.memref_slice %arg5[%add3A_140] : memref<6400xi32, #tpu.memory_space<vmem>> -> memref<128xi32, #tpu.memory_space<vmem>>
        %dma_start3A_145 = arith.constant 0 : i32
        %dma_start3A_146 = arith.constant 0 : i32
        %dma_start3A_147 = tpu.memref_slice %arg2[%dma_start3A_145, %dma_start3A_146] : memref<100000x128xf32, #tpu.memory_space<hbm>> -> memref<100000x128xf32, #tpu.memory_space<hbm>>
        tpu.enqueue_indirect_dma source(%dma_start3A_147 : memref<100000x128xf32, #tpu.memory_space<hbm>>) target(%dma_start3A_143 : memref<128x128xf32, #tpu.memory_space<vmem>>) offsets(%dma_start3A_144 : memref<128xi32, #tpu.memory_space<vmem>>) semaphore(%arg9 : memref<!tpu.dma_semaphore, #tpu.memory_space<semaphore_mem>>)
      } else {
      }
      %dma_wait3A_64 = arith.constant 0 : i32
      %dma_wait3A_65 = arith.constant 0 : i32
      %dma_wait3A_66 = tpu.memref_slice %arg6[%dma_wait3A_64, %dma_wait3A_65] : memref<256x128xf32, #tpu.memory_space<vmem>> -> memref<128x128xf32, #tpu.memory_space<vmem>>
      %dma_wait3A_67 = arith.constant 0 : i32
      %dma_wait3A_68 = tpu.memref_slice %arg5[%dma_wait3A_67] : memref<6400xi32, #tpu.memory_space<vmem>> -> memref<128xi32, #tpu.memory_space<vmem>>
      %dma_wait3A_69 = arith.constant 0 : i32
      %dma_wait3A_70 = arith.constant 0 : i32
      %dma_wait3A_71 = tpu.memref_slice %arg2[%dma_wait3A_69, %dma_wait3A_70] : memref<100000x128xf32, #tpu.memory_space<hbm>> -> memref<100000x128xf32, #tpu.memory_space<hbm>>
      tpu.wait_indirect_dma semaphore(%arg8 : memref<!tpu.dma_semaphore, #tpu.memory_space<semaphore_mem>>) src(%dma_wait3A_71 : memref<100000x128xf32, #tpu.memory_space<hbm>>) dst(%dma_wait3A_66 : memref<128x128xf32, #tpu.memory_space<vmem>>)
      %dma_wait3A_72 = arith.constant 128 : i32
      %dma_wait3A_73 = arith.constant 0 : i32
      %dma_wait3A_74 = tpu.memref_slice %arg6[%dma_wait3A_72, %dma_wait3A_73] : memref<256x128xf32, #tpu.memory_space<vmem>> -> memref<128x128xf32, #tpu.memory_space<vmem>>
      %dma_wait3A_75 = arith.constant 128 : i32
      %dma_wait3A_76 = tpu.memref_slice %arg5[%dma_wait3A_75] : memref<6400xi32, #tpu.memory_space<vmem>> -> memref<128xi32, #tpu.memory_space<vmem>>
      %dma_wait3A_77 = arith.constant 0 : i32
      %dma_wait3A_78 = arith.constant 0 : i32
      %dma_wait3A_79 = tpu.memref_slice %arg2[%dma_wait3A_77, %dma_wait3A_78] : memref<100000x128xf32, #tpu.memory_space<hbm>> -> memref<100000x128xf32, #tpu.memory_space<hbm>>
      tpu.wait_indirect_dma semaphore(%arg8 : memref<!tpu.dma_semaphore, #tpu.memory_space<semaphore_mem>>) src(%dma_wait3A_79 : memref<100000x128xf32, #tpu.memory_space<hbm>>) dst(%dma_wait3A_74 : memref<128x128xf32, #tpu.memory_space<vmem>>)
      %mul3A_80 = arith.constant 256 : i32
      %mul3A_81 = arith.muli %add3A_55, %mul3A_80 : i32
      %add3A_82 = arith.addi %mul3A_2, %mul3A_81 : i32
      %dma_start3A_83 = arith.constant 0 : i32
      %dma_start3A_84 = tpu.memref_slice %arg4[%add3A_82, %dma_start3A_83] : memref<204800x128xf32, #tpu.memory_space<hbm>> -> memref<256x128xf32, #tpu.memory_space<hbm>>
      %dma_start3A_85 = arith.constant 0 : i32
      %dma_start3A_86 = tpu.memref_slice %arg4[%add3A_82, %dma_start3A_85] : memref<204800x128xf32, #tpu.memory_space<hbm>> -> memref<256x128xf32, #tpu.memory_space<hbm>>
      tpu.enqueue_dma source(%arg6 : memref<256x128xf32, #tpu.memory_space<vmem>>) target(%dma_start3A_86 : memref<256x128xf32, #tpu.memory_space<hbm>>) target_semaphore(%arg10 : memref<!tpu.dma_semaphore, #tpu.memory_space<semaphore_mem>>)
      %add3A_87 = arith.constant 1 : i32
      %add3A_88 = arith.addi %add3A_55, %add3A_87 : i32
      %ge3A_89 = arith.constant 1 : i32
      %ge3A_90 = arith.cmpi sge, %add3A_88, %ge3A_89 : i32
      %convert_element_type3A_91 = arith.extui %ge3A_90 : i1 to i32
      %cond3A_92 = arith.constant 0 : i32
      %cond3A_93 = arith.cmpi ne, %convert_element_type3A_91, %cond3A_92 : i32
      scf.if %cond3A_93 {
        %dma_wait3A_124 = arith.constant 0 : i32
        %dma_wait3A_125 = tpu.memref_slice %arg4[%mul3A_2, %dma_wait3A_124] : memref<204800x128xf32, #tpu.memory_space<hbm>> -> memref<256x128xf32, #tpu.memory_space<hbm>>
        %dma_wait3A_126 = arith.constant 0 : i32
        %dma_wait3A_127 = tpu.memref_slice %arg4[%mul3A_2, %dma_wait3A_126] : memref<204800x128xf32, #tpu.memory_space<hbm>> -> memref<256x128xf32, #tpu.memory_space<hbm>>
        tpu.wait_dma2 semaphore(%arg10 : memref<!tpu.dma_semaphore, #tpu.memory_space<semaphore_mem>>) src(%arg6 : memref<256x128xf32, #tpu.memory_space<vmem>>) dst(%dma_wait3A_127 : memref<256x128xf32, #tpu.memory_space<hbm>>)
      } else {
      }
      %add3A_94 = arith.constant 1 : i32
      %add3A_95 = arith.addi %add3A_88, %add3A_94 : i32
      %lt3A_96 = arith.constant 25 : i32
      %lt3A_97 = arith.cmpi slt, %add3A_95, %lt3A_96 : i32
      %convert_element_type3A_98 = arith.extui %lt3A_97 : i1 to i32
      %cond3A_99 = arith.constant 0 : i32
      %cond3A_100 = arith.cmpi ne, %convert_element_type3A_98, %cond3A_99 : i32
      scf.if %cond3A_100 {
        %add3A_124 = arith.constant 1 : i32
        %add3A_125 = arith.addi %add3A_88, %add3A_124 : i32
        %mul3A_126 = arith.constant 256 : i32
        %mul3A_127 = arith.muli %add3A_125, %mul3A_126 : i32
        %add3A_128 = arith.constant 0 : i32
        %add3A_129 = arith.addi %mul3A_127, %add3A_128 : i32
        %dma_start3A_130 = arith.constant 0 : i32
        %dma_start3A_131 = arith.constant 0 : i32
        %dma_start3A_132 = tpu.memref_slice %arg6[%dma_start3A_130, %dma_start3A_131] : memref<256x128xf32, #tpu.memory_space<vmem>> -> memref<128x128xf32, #tpu.memory_space<vmem>>
        %dma_start3A_133 = tpu.memref_slice %arg5[%add3A_129] : memref<6400xi32, #tpu.memory_space<vmem>> -> memref<128xi32, #tpu.memory_space<vmem>>
        %dma_start3A_134 = arith.constant 0 : i32
        %dma_start3A_135 = arith.constant 0 : i32
        %dma_start3A_136 = tpu.memref_slice %arg2[%dma_start3A_134, %dma_start3A_135] : memref<100000x128xf32, #tpu.memory_space<hbm>> -> memref<100000x128xf32, #tpu.memory_space<hbm>>
        tpu.enqueue_indirect_dma source(%dma_start3A_136 : memref<100000x128xf32, #tpu.memory_space<hbm>>) target(%dma_start3A_132 : memref<128x128xf32, #tpu.memory_space<vmem>>) offsets(%dma_start3A_133 : memref<128xi32, #tpu.memory_space<vmem>>) semaphore(%arg8 : memref<!tpu.dma_semaphore, #tpu.memory_space<semaphore_mem>>)
        %mul3A_137 = arith.constant 256 : i32
        %mul3A_138 = arith.muli %add3A_125, %mul3A_137 : i32
        %add3A_139 = arith.constant 128 : i32
        %add3A_140 = arith.addi %mul3A_138, %add3A_139 : i32
        %dma_start3A_141 = arith.constant 128 : i32
        %dma_start3A_142 = arith.constant 0 : i32
        %dma_start3A_143 = tpu.memref_slice %arg6[%dma_start3A_141, %dma_start3A_142] : memref<256x128xf32, #tpu.memory_space<vmem>> -> memref<128x128xf32, #tpu.memory_space<vmem>>
        %dma_start3A_144 = tpu.memref_slice %arg5[%add3A_140] : memref<6400xi32, #tpu.memory_space<vmem>> -> memref<128xi32, #tpu.memory_space<vmem>>
        %dma_start3A_145 = arith.constant 0 : i32
        %dma_start3A_146 = arith.constant 0 : i32
        %dma_start3A_147 = tpu.memref_slice %arg2[%dma_start3A_145, %dma_start3A_146] : memref<100000x128xf32, #tpu.memory_space<hbm>> -> memref<100000x128xf32, #tpu.memory_space<hbm>>
        tpu.enqueue_indirect_dma source(%dma_start3A_147 : memref<100000x128xf32, #tpu.memory_space<hbm>>) target(%dma_start3A_143 : memref<128x128xf32, #tpu.memory_space<vmem>>) offsets(%dma_start3A_144 : memref<128xi32, #tpu.memory_space<vmem>>) semaphore(%arg8 : memref<!tpu.dma_semaphore, #tpu.memory_space<semaphore_mem>>)
      } else {
      }
      %dma_wait3A_101 = arith.constant 0 : i32
      %dma_wait3A_102 = arith.constant 0 : i32
      %dma_wait3A_103 = tpu.memref_slice %arg7[%dma_wait3A_101, %dma_wait3A_102] : memref<256x128xf32, #tpu.memory_space<vmem>> -> memref<128x128xf32, #tpu.memory_space<vmem>>
      %dma_wait3A_104 = arith.constant 0 : i32
      %dma_wait3A_105 = tpu.memref_slice %arg5[%dma_wait3A_104] : memref<6400xi32, #tpu.memory_space<vmem>> -> memref<128xi32, #tpu.memory_space<vmem>>
      %dma_wait3A_106 = arith.constant 0 : i32
      %dma_wait3A_107 = arith.constant 0 : i32
      %dma_wait3A_108 = tpu.memref_slice %arg2[%dma_wait3A_106, %dma_wait3A_107] : memref<100000x128xf32, #tpu.memory_space<hbm>> -> memref<100000x128xf32, #tpu.memory_space<hbm>>
      tpu.wait_indirect_dma semaphore(%arg9 : memref<!tpu.dma_semaphore, #tpu.memory_space<semaphore_mem>>) src(%dma_wait3A_108 : memref<100000x128xf32, #tpu.memory_space<hbm>>) dst(%dma_wait3A_103 : memref<128x128xf32, #tpu.memory_space<vmem>>)
      %dma_wait3A_109 = arith.constant 128 : i32
      %dma_wait3A_110 = arith.constant 0 : i32
      %dma_wait3A_111 = tpu.memref_slice %arg7[%dma_wait3A_109, %dma_wait3A_110] : memref<256x128xf32, #tpu.memory_space<vmem>> -> memref<128x128xf32, #tpu.memory_space<vmem>>
      %dma_wait3A_112 = arith.constant 128 : i32
      %dma_wait3A_113 = tpu.memref_slice %arg5[%dma_wait3A_112] : memref<6400xi32, #tpu.memory_space<vmem>> -> memref<128xi32, #tpu.memory_space<vmem>>
      %dma_wait3A_114 = arith.constant 0 : i32
      %dma_wait3A_115 = arith.constant 0 : i32
      %dma_wait3A_116 = tpu.memref_slice %arg2[%dma_wait3A_114, %dma_wait3A_115] : memref<100000x128xf32, #tpu.memory_space<hbm>> -> memref<100000x128xf32, #tpu.memory_space<hbm>>
      tpu.wait_indirect_dma semaphore(%arg9 : memref<!tpu.dma_semaphore, #tpu.memory_space<semaphore_mem>>) src(%dma_wait3A_116 : memref<100000x128xf32, #tpu.memory_space<hbm>>) dst(%dma_wait3A_111 : memref<128x128xf32, #tpu.memory_space<vmem>>)
      %mul3A_117 = arith.constant 256 : i32
      %mul3A_118 = arith.muli %add3A_88, %mul3A_117 : i32
      %add3A_119 = arith.addi %mul3A_2, %mul3A_118 : i32
      %dma_start3A_120 = arith.constant 0 : i32
      %dma_start3A_121 = tpu.memref_slice %arg4[%add3A_119, %dma_start3A_120] : memref<204800x128xf32, #tpu.memory_space<hbm>> -> memref<256x128xf32, #tpu.memory_space<hbm>>
      %dma_start3A_122 = arith.constant 0 : i32
      %dma_start3A_123 = tpu.memref_slice %arg4[%add3A_119, %dma_start3A_122] : memref<204800x128xf32, #tpu.memory_space<hbm>> -> memref<256x128xf32, #tpu.memory_space<hbm>>
      tpu.enqueue_dma source(%arg7 : memref<256x128xf32, #tpu.memory_space<vmem>>) target(%dma_start3A_123 : memref<256x128xf32, #tpu.memory_space<hbm>>) target_semaphore(%arg11 : memref<!tpu.dma_semaphore, #tpu.memory_space<semaphore_mem>>)
    }
    %scan3A_21 = arith.constant 12 : i32
    %dma_wait3A = arith.constant 0 : i32
    %dma_wait3A_22 = tpu.memref_slice %arg4[%mul3A_2, %dma_wait3A] : memref<204800x128xf32, #tpu.memory_space<hbm>> -> memref<256x128xf32, #tpu.memory_space<hbm>>
    %dma_wait3A_23 = arith.constant 0 : i32
    %dma_wait3A_24 = tpu.memref_slice %arg4[%mul3A_2, %dma_wait3A_23] : memref<204800x128xf32, #tpu.memory_space<hbm>> -> memref<256x128xf32, #tpu.memory_space<hbm>>
    tpu.wait_dma2 semaphore(%arg11 : memref<!tpu.dma_semaphore, #tpu.memory_space<semaphore_mem>>) src(%arg7 : memref<256x128xf32, #tpu.memory_space<vmem>>) dst(%dma_wait3A_24 : memref<256x128xf32, #tpu.memory_space<hbm>>)
    %dma_wait3A_25 = arith.constant 0 : i32
    %dma_wait3A_26 = arith.constant 0 : i32
    %dma_wait3A_27 = tpu.memref_slice %arg6[%dma_wait3A_25, %dma_wait3A_26] : memref<256x128xf32, #tpu.memory_space<vmem>> -> memref<128x128xf32, #tpu.memory_space<vmem>>
    %dma_wait3A_28 = arith.constant 0 : i32
    %dma_wait3A_29 = tpu.memref_slice %arg5[%dma_wait3A_28] : memref<6400xi32, #tpu.memory_space<vmem>> -> memref<128xi32, #tpu.memory_space<vmem>>
    %dma_wait3A_30 = arith.constant 0 : i32
    %dma_wait3A_31 = arith.constant 0 : i32
    %dma_wait3A_32 = tpu.memref_slice %arg2[%dma_wait3A_30, %dma_wait3A_31] : memref<100000x128xf32, #tpu.memory_space<hbm>> -> memref<100000x128xf32, #tpu.memory_space<hbm>>
    tpu.wait_indirect_dma semaphore(%arg8 : memref<!tpu.dma_semaphore, #tpu.memory_space<semaphore_mem>>) src(%dma_wait3A_32 : memref<100000x128xf32, #tpu.memory_space<hbm>>) dst(%dma_wait3A_27 : memref<128x128xf32, #tpu.memory_space<vmem>>)
    %dma_wait3A_33 = arith.constant 128 : i32
    %dma_wait3A_34 = arith.constant 0 : i32
    %dma_wait3A_35 = tpu.memref_slice %arg6[%dma_wait3A_33, %dma_wait3A_34] : memref<256x128xf32, #tpu.memory_space<vmem>> -> memref<128x128xf32, #tpu.memory_space<vmem>>
    %dma_wait3A_36 = arith.constant 128 : i32
    %dma_wait3A_37 = tpu.memref_slice %arg5[%dma_wait3A_36] : memref<6400xi32, #tpu.memory_space<vmem>> -> memref<128xi32, #tpu.memory_space<vmem>>
    %dma_wait3A_38 = arith.constant 0 : i32
    %dma_wait3A_39 = arith.constant 0 : i32
    %dma_wait3A_40 = tpu.memref_slice %arg2[%dma_wait3A_38, %dma_wait3A_39] : memref<100000x128xf32, #tpu.memory_space<hbm>> -> memref<100000x128xf32, #tpu.memory_space<hbm>>
    tpu.wait_indirect_dma semaphore(%arg8 : memref<!tpu.dma_semaphore, #tpu.memory_space<semaphore_mem>>) src(%dma_wait3A_40 : memref<100000x128xf32, #tpu.memory_space<hbm>>) dst(%dma_wait3A_35 : memref<128x128xf32, #tpu.memory_space<vmem>>)
    %add3A_41 = arith.constant 6144 : i32
    %add3A_42 = arith.addi %mul3A_2, %add3A_41 : i32
    %dma_start3A_43 = arith.constant 0 : i32
    %dma_start3A_44 = tpu.memref_slice %arg4[%add3A_42, %dma_start3A_43] : memref<204800x128xf32, #tpu.memory_space<hbm>> -> memref<256x128xf32, #tpu.memory_space<hbm>>
    %dma_start3A_45 = arith.constant 0 : i32
    %dma_start3A_46 = tpu.memref_slice %arg4[%add3A_42, %dma_start3A_45] : memref<204800x128xf32, #tpu.memory_space<hbm>> -> memref<256x128xf32, #tpu.memory_space<hbm>>
    tpu.enqueue_dma source(%arg6 : memref<256x128xf32, #tpu.memory_space<vmem>>) target(%dma_start3A_46 : memref<256x128xf32, #tpu.memory_space<hbm>>) target_semaphore(%arg10 : memref<!tpu.dma_semaphore, #tpu.memory_space<semaphore_mem>>)
    %dma_wait3A_47 = arith.constant 0 : i32
    %dma_wait3A_48 = tpu.memref_slice %arg4[%mul3A_2, %dma_wait3A_47] : memref<204800x128xf32, #tpu.memory_space<hbm>> -> memref<256x128xf32, #tpu.memory_space<hbm>>
    %dma_wait3A_49 = arith.constant 0 : i32
    %dma_wait3A_50 = tpu.memref_slice %arg4[%mul3A_2, %dma_wait3A_49] : memref<204800x128xf32, #tpu.memory_space<hbm>> -> memref<256x128xf32, #tpu.memory_space<hbm>>
    tpu.wait_dma2 semaphore(%arg10 : memref<!tpu.dma_semaphore, #tpu.memory_space<semaphore_mem>>) src(%arg6 : memref<256x128xf32, #tpu.memory_space<vmem>>) dst(%dma_wait3A_50 : memref<256x128xf32, #tpu.memory_space<hbm>>)
    return
  }
}

#map = affine_map<(d0, d1) -> (0, 0)>
#map1 = affine_map<(d0, d1) -> (0)>
module attributes {stable_mosaic.version = 14 : i64} {
  func.func @k(%arg0: i32, %arg1: i32, %arg2: memref<100000x128xf32, #tpu.memory_space<hbm>>, %arg3: memref<204800xi32, #tpu.memory_space<hbm>>, %arg4: memref<204800x128xf32, #tpu.memory_space<hbm>>, %arg5: memref<6400xi32, #tpu.memory_space<vmem>>, %arg6: memref<256x128xf32, #tpu.memory_space<vmem>>, %arg7: memref<256x128xf32, #tpu.memory_space<vmem>>, %arg8: memref<!tpu.dma_semaphore, #tpu.memory_space<semaphore_mem>>, %arg9: memref<!tpu.dma_semaphore, #tpu.memory_space<semaphore_mem>>, %arg10: memref<!tpu.dma_semaphore, #tpu.memory_space<semaphore_mem>>, %arg11: memref<!tpu.dma_semaphore, #tpu.memory_space<semaphore_mem>>) attributes {dimension_semantics = [#tpu.dimension_semantics<core_parallel>, #tpu.dimension_semantics<subcore_parallel>], iteration_bounds = array<i64: 2, 16>, scalar_prefetch = 0 : i64, scratch_operands = 7 : i64, tpu.core_type = #tpu.core_type<sc_vector_subcore>, window_params = [{transform_indices = #map}, {transform_indices = #map1}, {transform_indices = #map}]} {
    %mul3A = arith.constant 2 : i32
    %mul3A_0 = arith.muli %arg1, %mul3A : i32
    %add3A = arith.addi %mul3A_0, %arg0 : i32
    %mul3A_1 = arith.constant 6400 : i32
    %mul3A_2 = arith.muli %add3A, %mul3A_1 : i32
    "tpu.region"() ({
      %run_scoped3A = tpu.sem_alloc : memref<!tpu.dma_semaphore, #tpu.memory_space<semaphore_mem>>
      %dma_start3A_51 = tpu.memref_slice %arg3[%mul3A_2] : memref<204800xi32, #tpu.memory_space<hbm>> -> memref<6400xi32, #tpu.memory_space<hbm>>
      %dma_start3A_52 = tpu.memref_slice %arg3[%mul3A_2] : memref<204800xi32, #tpu.memory_space<hbm>> -> memref<6400xi32, #tpu.memory_space<hbm>>
      tpu.enqueue_dma source(%dma_start3A_52 : memref<6400xi32, #tpu.memory_space<hbm>>) target(%arg5 : memref<6400xi32, #tpu.memory_space<vmem>>) target_semaphore(%run_scoped3A : memref<!tpu.dma_semaphore, #tpu.memory_space<semaphore_mem>>)
      %dma_wait3A_53 = tpu.memref_slice %arg3[%mul3A_2] : memref<204800xi32, #tpu.memory_space<hbm>> -> memref<6400xi32, #tpu.memory_space<hbm>>
      %dma_wait3A_54 = tpu.memref_slice %arg3[%mul3A_2] : memref<204800xi32, #tpu.memory_space<hbm>> -> memref<6400xi32, #tpu.memory_space<hbm>>
      tpu.wait_dma2 semaphore(%run_scoped3A : memref<!tpu.dma_semaphore, #tpu.memory_space<semaphore_mem>>) src(%dma_wait3A_54 : memref<6400xi32, #tpu.memory_space<hbm>>) dst(%arg5 : memref<6400xi32, #tpu.memory_space<vmem>>)
      tpu.yield
    }) : () -> ()
    %dma_start3A = arith.constant 0 : i32
    %dma_start3A_3 = arith.constant 0 : i32
    %dma_start3A_4 = tpu.memref_slice %arg6[%dma_start3A, %dma_start3A_3] : memref<256x128xf32, #tpu.memory_space<vmem>> -> memref<128x128xf32, #tpu.memory_space<vmem>>
    %dma_start3A_5 = arith.constant 0 : i32
    %dma_start3A_6 = tpu.memref_slice %arg5[%dma_start3A_5] : memref<6400xi32, #tpu.memory_space<vmem>> -> memref<128xi32, #tpu.memory_space<vmem>>
    %dma_start3A_7 = arith.constant 0 : i32
    %dma_start3A_8 = arith.constant 0 : i32
    %dma_start3A_9 = tpu.memref_slice %arg2[%dma_start3A_7, %dma_start3A_8] : memref<100000x128xf32, #tpu.memory_space<hbm>> -> memref<100000x128xf32, #tpu.memory_space<hbm>>
    tpu.enqueue_indirect_dma source(%dma_start3A_9 : memref<100000x128xf32, #tpu.memory_space<hbm>>) target(%dma_start3A_4 : memref<128x128xf32, #tpu.memory_space<vmem>>) offsets(%dma_start3A_6 : memref<128xi32, #tpu.memory_space<vmem>>) semaphore(%arg8 : memref<!tpu.dma_semaphore, #tpu.memory_space<semaphore_mem>>)
    %dma_start3A_10 = arith.constant 128 : i32
    %dma_start3A_11 = arith.constant 0 : i32
    %dma_start3A_12 = tpu.memref_slice %arg6[%dma_start3A_10, %dma_start3A_11] : memref<256x128xf32, #tpu.memory_space<vmem>> -> memref<128x128xf32, #tpu.memory_space<vmem>>
    %dma_start3A_13 = arith.constant 128 : i32
    %dma_start3A_14 = tpu.memref_slice %arg5[%dma_start3A_13] : memref<6400xi32, #tpu.memory_space<vmem>> -> memref<128xi32, #tpu.memory_space<vmem>>
    %dma_start3A_15 = arith.constant 0 : i32
    %dma_start3A_16 = arith.constant 0 : i32
    %dma_start3A_17 = tpu.memref_slice %arg2[%dma_start3A_15, %dma_start3A_16] : memref<100000x128xf32, #tpu.memory_space<hbm>> -> memref<100000x128xf32, #tpu.memory_space<hbm>>
    tpu.enqueue_indirect_dma source(%dma_start3A_17 : memref<100000x128xf32, #tpu.memory_space<hbm>>) target(%dma_start3A_12 : memref<128x128xf32, #tpu.memory_space<vmem>>) offsets(%dma_start3A_14 : memref<128xi32, #tpu.memory_space<vmem>>) semaphore(%arg8 : memref<!tpu.dma_semaphore, #tpu.memory_space<semaphore_mem>>)
    %scan3A = arith.constant 0 : i32
    %scan3A_18 = arith.constant 12 : i32
    %scan3A_19 = arith.addi %scan3A, %scan3A_18 : i32
    %scan3A_20 = arith.constant 1 : i32
    scf.for %scan3A_51 = %scan3A to %scan3A_19 step %scan3A_20  : i32 {
      %mul3A_52 = arith.constant 2 : i32
      %mul3A_53 = arith.muli %scan3A_51, %mul3A_52 : i32
      %add3A_54 = arith.constant 0 : i32
      %add3A_55 = arith.addi %add3A_54, %mul3A_53 : i32
      %ge3A = arith.constant 1 : i32
      %ge3A_56 = arith.cmpi sge, %add3A_55, %ge3A : i32
      %convert_element_type3A = arith.extui %ge3A_56 : i1 to i32
      %cond3A = arith.constant 0 : i32
      %cond3A_57 = arith.cmpi ne, %convert_element_type3A, %cond3A : i32
      scf.if %cond3A_57 {
        %dma_wait3A_124 = arith.constant 0 : i32
        %dma_wait3A_125 = tpu.memref_slice %arg4[%mul3A_2, %dma_wait3A_124] : memref<204800x128xf32, #tpu.memory_space<hbm>> -> memref<256x128xf32, #tpu.memory_space<hbm>>
        %dma_wait3A_126 = arith.constant 0 : i32
        %dma_wait3A_127 = tpu.memref_slice %arg4[%mul3A_2, %dma_wait3A_126] : memref<204800x128xf32, #tpu.memory_space<hbm>> -> memref<256x128xf32, #tpu.memory_space<hbm>>
        tpu.wait_dma2 semaphore(%arg11 : memref<!tpu.dma_semaphore, #tpu.memory_space<semaphore_mem>>) src(%arg7 : memref<256x128xf32, #tpu.memory_space<vmem>>) dst(%dma_wait3A_127 : memref<256x128xf32, #tpu.memory_space<hbm>>)
      } else {
      }
      %add3A_58 = arith.constant 1 : i32
      %add3A_59 = arith.addi %add3A_55, %add3A_58 : i32
      %lt3A = arith.constant 25 : i32
      %lt3A_60 = arith.cmpi slt, %add3A_59, %lt3A : i32
      %convert_element_type3A_61 = arith.extui %lt3A_60 : i1 to i32
      %cond3A_62 = arith.constant 0 : i32
      %cond3A_63 = arith.cmpi ne, %convert_element_type3A_61, %cond3A_62 : i32
      scf.if %cond3A_63 {
        %add3A_124 = arith.constant 1 : i32
        %add3A_125 = arith.addi %add3A_55, %add3A_124 : i32
        %mul3A_126 = arith.constant 256 : i32
        %mul3A_127 = arith.muli %add3A_125, %mul3A_126 : i32
        %add3A_128 = arith.constant 0 : i32
        %add3A_129 = arith.addi %mul3A_127, %add3A_128 : i32
        %dma_start3A_130 = arith.constant 0 : i32
        %dma_start3A_131 = arith.constant 0 : i32
        %dma_start3A_132 = tpu.memref_slice %arg7[%dma_start3A_130, %dma_start3A_131] : memref<256x128xf32, #tpu.memory_space<vmem>> -> memref<128x128xf32, #tpu.memory_space<vmem>>
        %dma_start3A_133 = tpu.memref_slice %arg5[%add3A_129] : memref<6400xi32, #tpu.memory_space<vmem>> -> memref<128xi32, #tpu.memory_space<vmem>>
        %dma_start3A_134 = arith.constant 0 : i32
        %dma_start3A_135 = arith.constant 0 : i32
        %dma_start3A_136 = tpu.memref_slice %arg2[%dma_start3A_134, %dma_start3A_135] : memref<100000x128xf32, #tpu.memory_space<hbm>> -> memref<100000x128xf32, #tpu.memory_space<hbm>>
        tpu.enqueue_indirect_dma source(%dma_start3A_136 : memref<100000x128xf32, #tpu.memory_space<hbm>>) target(%dma_start3A_132 : memref<128x128xf32, #tpu.memory_space<vmem>>) offsets(%dma_start3A_133 : memref<128xi32, #tpu.memory_space<vmem>>) semaphore(%arg9 : memref<!tpu.dma_semaphore, #tpu.memory_space<semaphore_mem>>)
        %mul3A_137 = arith.constant 256 : i32
        %mul3A_138 = arith.muli %add3A_125, %mul3A_137 : i32
        %add3A_139 = arith.constant 128 : i32
        %add3A_140 = arith.addi %mul3A_138, %add3A_139 : i32
        %dma_start3A_141 = arith.constant 128 : i32
        %dma_start3A_142 = arith.constant 0 : i32
        %dma_start3A_143 = tpu.memref_slice %arg7[%dma_start3A_141, %dma_start3A_142] : memref<256x128xf32, #tpu.memory_space<vmem>> -> memref<128x128xf32, #tpu.memory_space<vmem>>
        %dma_start3A_144 = tpu.memref_slice %arg5[%add3A_140] : memref<6400xi32, #tpu.memory_space<vmem>> -> memref<128xi32, #tpu.memory_space<vmem>>
        %dma_start3A_145 = arith.constant 0 : i32
        %dma_start3A_146 = arith.constant 0 : i32
        %dma_start3A_147 = tpu.memref_slice %arg2[%dma_start3A_145, %dma_start3A_146] : memref<100000x128xf32, #tpu.memory_space<hbm>> -> memref<100000x128xf32, #tpu.memory_space<hbm>>
        tpu.enqueue_indirect_dma source(%dma_start3A_147 : memref<100000x128xf32, #tpu.memory_space<hbm>>) target(%dma_start3A_143 : memref<128x128xf32, #tpu.memory_space<vmem>>) offsets(%dma_start3A_144 : memref<128xi32, #tpu.memory_space<vmem>>) semaphore(%arg9 : memref<!tpu.dma_semaphore, #tpu.memory_space<semaphore_mem>>)
      } else {
      }
      %dma_wait3A_64 = arith.constant 0 : i32
      %dma_wait3A_65 = arith.constant 0 : i32
      %dma_wait3A_66 = tpu.memref_slice %arg6[%dma_wait3A_64, %dma_wait3A_65] : memref<256x128xf32, #tpu.memory_space<vmem>> -> memref<128x128xf32, #tpu.memory_space<vmem>>
      %dma_wait3A_67 = arith.constant 0 : i32
      %dma_wait3A_68 = tpu.memref_slice %arg5[%dma_wait3A_67] : memref<6400xi32, #tpu.memory_space<vmem>> -> memref<128xi32, #tpu.memory_space<vmem>>
      %dma_wait3A_69 = arith.constant 0 : i32
      %dma_wait3A_70 = arith.constant 0 : i32
      %dma_wait3A_71 = tpu.memref_slice %arg2[%dma_wait3A_69, %dma_wait3A_70] : memref<100000x128xf32, #tpu.memory_space<hbm>> -> memref<100000x128xf32, #tpu.memory_space<hbm>>
      tpu.wait_indirect_dma semaphore(%arg8 : memref<!tpu.dma_semaphore, #tpu.memory_space<semaphore_mem>>) src(%dma_wait3A_71 : memref<100000x128xf32, #tpu.memory_space<hbm>>) dst(%dma_wait3A_66 : memref<128x128xf32, #tpu.memory_space<vmem>>)
      %dma_wait3A_72 = arith.constant 128 : i32
      %dma_wait3A_73 = arith.constant 0 : i32
      %dma_wait3A_74 = tpu.memref_slice %arg6[%dma_wait3A_72, %dma_wait3A_73] : memref<256x128xf32, #tpu.memory_space<vmem>> -> memref<128x128xf32, #tpu.memory_space<vmem>>
      %dma_wait3A_75 = arith.constant 128 : i32
      %dma_wait3A_76 = tpu.memref_slice %arg5[%dma_wait3A_75] : memref<6400xi32, #tpu.memory_space<vmem>> -> memref<128xi32, #tpu.memory_space<vmem>>
      %dma_wait3A_77 = arith.constant 0 : i32
      %dma_wait3A_78 = arith.constant 0 : i32
      %dma_wait3A_79 = tpu.memref_slice %arg2[%dma_wait3A_77, %dma_wait3A_78] : memref<100000x128xf32, #tpu.memory_space<hbm>> -> memref<100000x128xf32, #tpu.memory_space<hbm>>
      tpu.wait_indirect_dma semaphore(%arg8 : memref<!tpu.dma_semaphore, #tpu.memory_space<semaphore_mem>>) src(%dma_wait3A_79 : memref<100000x128xf32, #tpu.memory_space<hbm>>) dst(%dma_wait3A_74 : memref<128x128xf32, #tpu.memory_space<vmem>>)
      %mul3A_80 = arith.constant 256 : i32
      %mul3A_81 = arith.muli %add3A_55, %mul3A_80 : i32
      %add3A_82 = arith.addi %mul3A_2, %mul3A_81 : i32
      %dma_start3A_83 = arith.constant 0 : i32
      %dma_start3A_84 = tpu.memref_slice %arg4[%add3A_82, %dma_start3A_83] : memref<204800x128xf32, #tpu.memory_space<hbm>> -> memref<256x128xf32, #tpu.memory_space<hbm>>
      %dma_start3A_85 = arith.constant 0 : i32
      %dma_start3A_86 = tpu.memref_slice %arg4[%add3A_82, %dma_start3A_85] : memref<204800x128xf32, #tpu.memory_space<hbm>> -> memref<256x128xf32, #tpu.memory_space<hbm>>
      tpu.enqueue_dma source(%arg6 : memref<256x128xf32, #tpu.memory_space<vmem>>) target(%dma_start3A_86 : memref<256x128xf32, #tpu.memory_space<hbm>>) target_semaphore(%arg10 : memref<!tpu.dma_semaphore, #tpu.memory_space<semaphore_mem>>)
      %add3A_87 = arith.constant 1 : i32
      %add3A_88 = arith.addi %add3A_55, %add3A_87 : i32
      %ge3A_89 = arith.constant 1 : i32
      %ge3A_90 = arith.cmpi sge, %add3A_88, %ge3A_89 : i32
      %convert_element_type3A_91 = arith.extui %ge3A_90 : i1 to i32
      %cond3A_92 = arith.constant 0 : i32
      %cond3A_93 = arith.cmpi ne, %convert_element_type3A_91, %cond3A_92 : i32
      scf.if %cond3A_93 {
        %dma_wait3A_124 = arith.constant 0 : i32
        %dma_wait3A_125 = tpu.memref_slice %arg4[%mul3A_2, %dma_wait3A_124] : memref<204800x128xf32, #tpu.memory_space<hbm>> -> memref<256x128xf32, #tpu.memory_space<hbm>>
        %dma_wait3A_126 = arith.constant 0 : i32
        %dma_wait3A_127 = tpu.memref_slice %arg4[%mul3A_2, %dma_wait3A_126] : memref<204800x128xf32, #tpu.memory_space<hbm>> -> memref<256x128xf32, #tpu.memory_space<hbm>>
        tpu.wait_dma2 semaphore(%arg10 : memref<!tpu.dma_semaphore, #tpu.memory_space<semaphore_mem>>) src(%arg6 : memref<256x128xf32, #tpu.memory_space<vmem>>) dst(%dma_wait3A_127 : memref<256x128xf32, #tpu.memory_space<hbm>>)
      } else {
      }
      %add3A_94 = arith.constant 1 : i32
      %add3A_95 = arith.addi %add3A_88, %add3A_94 : i32
      %lt3A_96 = arith.constant 25 : i32
      %lt3A_97 = arith.cmpi slt, %add3A_95, %lt3A_96 : i32
      %convert_element_type3A_98 = arith.extui %lt3A_97 : i1 to i32
      %cond3A_99 = arith.constant 0 : i32
      %cond3A_100 = arith.cmpi ne, %convert_element_type3A_98, %cond3A_99 : i32
      scf.if %cond3A_100 {
        %add3A_124 = arith.constant 1 : i32
        %add3A_125 = arith.addi %add3A_88, %add3A_124 : i32
        %mul3A_126 = arith.constant 256 : i32
        %mul3A_127 = arith.muli %add3A_125, %mul3A_126 : i32
        %add3A_128 = arith.constant 0 : i32
        %add3A_129 = arith.addi %mul3A_127, %add3A_128 : i32
        %dma_start3A_130 = arith.constant 0 : i32
        %dma_start3A_131 = arith.constant 0 : i32
        %dma_start3A_132 = tpu.memref_slice %arg6[%dma_start3A_130, %dma_start3A_131] : memref<256x128xf32, #tpu.memory_space<vmem>> -> memref<128x128xf32, #tpu.memory_space<vmem>>
        %dma_start3A_133 = tpu.memref_slice %arg5[%add3A_129] : memref<6400xi32, #tpu.memory_space<vmem>> -> memref<128xi32, #tpu.memory_space<vmem>>
        %dma_start3A_134 = arith.constant 0 : i32
        %dma_start3A_135 = arith.constant 0 : i32
        %dma_start3A_136 = tpu.memref_slice %arg2[%dma_start3A_134, %dma_start3A_135] : memref<100000x128xf32, #tpu.memory_space<hbm>> -> memref<100000x128xf32, #tpu.memory_space<hbm>>
        tpu.enqueue_indirect_dma source(%dma_start3A_136 : memref<100000x128xf32, #tpu.memory_space<hbm>>) target(%dma_start3A_132 : memref<128x128xf32, #tpu.memory_space<vmem>>) offsets(%dma_start3A_133 : memref<128xi32, #tpu.memory_space<vmem>>) semaphore(%arg8 : memref<!tpu.dma_semaphore, #tpu.memory_space<semaphore_mem>>)
        %mul3A_137 = arith.constant 256 : i32
        %mul3A_138 = arith.muli %add3A_125, %mul3A_137 : i32
        %add3A_139 = arith.constant 128 : i32
        %add3A_140 = arith.addi %mul3A_138, %add3A_139 : i32
        %dma_start3A_141 = arith.constant 128 : i32
        %dma_start3A_142 = arith.constant 0 : i32
        %dma_start3A_143 = tpu.memref_slice %arg6[%dma_start3A_141, %dma_start3A_142] : memref<256x128xf32, #tpu.memory_space<vmem>> -> memref<128x128xf32, #tpu.memory_space<vmem>>
        %dma_start3A_144 = tpu.memref_slice %arg5[%add3A_140] : memref<6400xi32, #tpu.memory_space<vmem>> -> memref<128xi32, #tpu.memory_space<vmem>>
        %dma_start3A_145 = arith.constant 0 : i32
        %dma_start3A_146 = arith.constant 0 : i32
        %dma_start3A_147 = tpu.memref_slice %arg2[%dma_start3A_145, %dma_start3A_146] : memref<100000x128xf32, #tpu.memory_space<hbm>> -> memref<100000x128xf32, #tpu.memory_space<hbm>>
        tpu.enqueue_indirect_dma source(%dma_start3A_147 : memref<100000x128xf32, #tpu.memory_space<hbm>>) target(%dma_start3A_143 : memref<128x128xf32, #tpu.memory_space<vmem>>) offsets(%dma_start3A_144 : memref<128xi32, #tpu.memory_space<vmem>>) semaphore(%arg8 : memref<!tpu.dma_semaphore, #tpu.memory_space<semaphore_mem>>)
      } else {
      }
      %dma_wait3A_101 = arith.constant 0 : i32
      %dma_wait3A_102 = arith.constant 0 : i32
      %dma_wait3A_103 = tpu.memref_slice %arg7[%dma_wait3A_101, %dma_wait3A_102] : memref<256x128xf32, #tpu.memory_space<vmem>> -> memref<128x128xf32, #tpu.memory_space<vmem>>
      %dma_wait3A_104 = arith.constant 0 : i32
      %dma_wait3A_105 = tpu.memref_slice %arg5[%dma_wait3A_104] : memref<6400xi32, #tpu.memory_space<vmem>> -> memref<128xi32, #tpu.memory_space<vmem>>
      %dma_wait3A_106 = arith.constant 0 : i32
      %dma_wait3A_107 = arith.constant 0 : i32
      %dma_wait3A_108 = tpu.memref_slice %arg2[%dma_wait3A_106, %dma_wait3A_107] : memref<100000x128xf32, #tpu.memory_space<hbm>> -> memref<100000x128xf32, #tpu.memory_space<hbm>>
      tpu.wait_indirect_dma semaphore(%arg9 : memref<!tpu.dma_semaphore, #tpu.memory_space<semaphore_mem>>) src(%dma_wait3A_108 : memref<100000x128xf32, #tpu.memory_space<hbm>>) dst(%dma_wait3A_103 : memref<128x128xf32, #tpu.memory_space<vmem>>)
      %dma_wait3A_109 = arith.constant 128 : i32
      %dma_wait3A_110 = arith.constant 0 : i32
      %dma_wait3A_111 = tpu.memref_slice %arg7[%dma_wait3A_109, %dma_wait3A_110] : memref<256x128xf32, #tpu.memory_space<vmem>> -> memref<128x128xf32, #tpu.memory_space<vmem>>
      %dma_wait3A_112 = arith.constant 128 : i32
      %dma_wait3A_113 = tpu.memref_slice %arg5[%dma_wait3A_112] : memref<6400xi32, #tpu.memory_space<vmem>> -> memref<128xi32, #tpu.memory_space<vmem>>
      %dma_wait3A_114 = arith.constant 0 : i32
      %dma_wait3A_115 = arith.constant 0 : i32
      %dma_wait3A_116 = tpu.memref_slice %arg2[%dma_wait3A_114, %dma_wait3A_115] : memref<100000x128xf32, #tpu.memory_space<hbm>> -> memref<100000x128xf32, #tpu.memory_space<hbm>>
      tpu.wait_indirect_dma semaphore(%arg9 : memref<!tpu.dma_semaphore, #tpu.memory_space<semaphore_mem>>) src(%dma_wait3A_116 : memref<100000x128xf32, #tpu.memory_space<hbm>>) dst(%dma_wait3A_111 : memref<128x128xf32, #tpu.memory_space<vmem>>)
      %mul3A_117 = arith.constant 256 : i32
      %mul3A_118 = arith.muli %add3A_88, %mul3A_117 : i32
      %add3A_119 = arith.addi %mul3A_2, %mul3A_118 : i32
      %dma_start3A_120 = arith.constant 0 : i32
      %dma_start3A_121 = tpu.memref_slice %arg4[%add3A_119, %dma_start3A_120] : memref<204800x128xf32, #tpu.memory_space<hbm>> -> memref<256x128xf32, #tpu.memory_space<hbm>>
      %dma_start3A_122 = arith.constant 0 : i32
      %dma_start3A_123 = tpu.memref_slice %arg4[%add3A_119, %dma_start3A_122] : memref<204800x128xf32, #tpu.memory_space<hbm>> -> memref<256x128xf32, #tpu.memory_space<hbm>>
      tpu.enqueue_dma source(%arg7 : memref<256x128xf32, #tpu.memory_space<vmem>>) target(%dma_start3A_123 : memref<256x128xf32, #tpu.memory_space<hbm>>) target_semaphore(%arg11 : memref<!tpu.dma_semaphore, #tpu.memory_space<semaphore_mem>>)
    }
    %scan3A_21 = arith.constant 12 : i32
    %dma_wait3A = arith.constant 0 : i32
    %dma_wait3A_22 = tpu.memref_slice %arg4[%mul3A_2, %dma_wait3A] : memref<204800x128xf32, #tpu.memory_space<hbm>> -> memref<256x128xf32, #tpu.memory_space<hbm>>
    %dma_wait3A_23 = arith.constant 0 : i32
    %dma_wait3A_24 = tpu.memref_slice %arg4[%mul3A_2, %dma_wait3A_23] : memref<204800x128xf32, #tpu.memory_space<hbm>> -> memref<256x128xf32, #tpu.memory_space<hbm>>
    tpu.wait_dma2 semaphore(%arg11 : memref<!tpu.dma_semaphore, #tpu.memory_space<semaphore_mem>>) src(%arg7 : memref<256x128xf32, #tpu.memory_space<vmem>>) dst(%dma_wait3A_24 : memref<256x128xf32, #tpu.memory_space<hbm>>)
    %dma_wait3A_25 = arith.constant 0 : i32
    %dma_wait3A_26 = arith.constant 0 : i32
    %dma_wait3A_27 = tpu.memref_slice %arg6[%dma_wait3A_25, %dma_wait3A_26] : memref<256x128xf32, #tpu.memory_space<vmem>> -> memref<128x128xf32, #tpu.memory_space<vmem>>
    %dma_wait3A_28 = arith.constant 0 : i32
    %dma_wait3A_29 = tpu.memref_slice %arg5[%dma_wait3A_28] : memref<6400xi32, #tpu.memory_space<vmem>> -> memref<128xi32, #tpu.memory_space<vmem>>
    %dma_wait3A_30 = arith.constant 0 : i32
    %dma_wait3A_31 = arith.constant 0 : i32
    %dma_wait3A_32 = tpu.memref_slice %arg2[%dma_wait3A_30, %dma_wait3A_31] : memref<100000x128xf32, #tpu.memory_space<hbm>> -> memref<100000x128xf32, #tpu.memory_space<hbm>>
    tpu.wait_indirect_dma semaphore(%arg8 : memref<!tpu.dma_semaphore, #tpu.memory_space<semaphore_mem>>) src(%dma_wait3A_32 : memref<100000x128xf32, #tpu.memory_space<hbm>>) dst(%dma_wait3A_27 : memref<128x128xf32, #tpu.memory_space<vmem>>)
    %dma_wait3A_33 = arith.constant 128 : i32
    %dma_wait3A_34 = arith.constant 0 : i32
    %dma_wait3A_35 = tpu.memref_slice %arg6[%dma_wait3A_33, %dma_wait3A_34] : memref<256x128xf32, #tpu.memory_space<vmem>> -> memref<128x128xf32, #tpu.memory_space<vmem>>
    %dma_wait3A_36 = arith.constant 128 : i32
    %dma_wait3A_37 = tpu.memref_slice %arg5[%dma_wait3A_36] : memref<6400xi32, #tpu.memory_space<vmem>> -> memref<128xi32, #tpu.memory_space<vmem>>
    %dma_wait3A_38 = arith.constant 0 : i32
    %dma_wait3A_39 = arith.constant 0 : i32
    %dma_wait3A_40 = tpu.memref_slice %arg2[%dma_wait3A_38, %dma_wait3A_39] : memref<100000x128xf32, #tpu.memory_space<hbm>> -> memref<100000x128xf32, #tpu.memory_space<hbm>>
    tpu.wait_indirect_dma semaphore(%arg8 : memref<!tpu.dma_semaphore, #tpu.memory_space<semaphore_mem>>) src(%dma_wait3A_40 : memref<100000x128xf32, #tpu.memory_space<hbm>>) dst(%dma_wait3A_35 : memref<128x128xf32, #tpu.memory_space<vmem>>)
    %add3A_41 = arith.constant 6144 : i32
    %add3A_42 = arith.addi %mul3A_2, %add3A_41 : i32
    %dma_start3A_43 = arith.constant 0 : i32
    %dma_start3A_44 = tpu.memref_slice %arg4[%add3A_42, %dma_start3A_43] : memref<204800x128xf32, #tpu.memory_space<hbm>> -> memref<256x128xf32, #tpu.memory_space<hbm>>
    %dma_start3A_45 = arith.constant 0 : i32
    %dma_start3A_46 = tpu.memref_slice %arg4[%add3A_42, %dma_start3A_45] : memref<204800x128xf32, #tpu.memory_space<hbm>> -> memref<256x128xf32, #tpu.memory_space<hbm>>
    tpu.enqueue_dma source(%arg6 : memref<256x128xf32, #tpu.memory_space<vmem>>) target(%dma_start3A_46 : memref<256x128xf32, #tpu.memory_space<hbm>>) target_semaphore(%arg10 : memref<!tpu.dma_semaphore, #tpu.memory_space<semaphore_mem>>)
    %dma_wait3A_47 = arith.constant 0 : i32
    %dma_wait3A_48 = tpu.memref_slice %arg4[%mul3A_2, %dma_wait3A_47] : memref<204800x128xf32, #tpu.memory_space<hbm>> -> memref<256x128xf32, #tpu.memory_space<hbm>>
    %dma_wait3A_49 = arith.constant 0 : i32
    %dma_wait3A_50 = tpu.memref_slice %arg4[%mul3A_2, %dma_wait3A_49] : memref<204800x128xf32, #tpu.memory_space<hbm>> -> memref<256x128xf32, #tpu.memory_space<hbm>>
    tpu.wait_dma2 semaphore(%arg10 : memref<!tpu.dma_semaphore, #tpu.memory_space<semaphore_mem>>) src(%arg6 : memref<256x128xf32, #tpu.memory_space<vmem>>) dst(%dma_wait3A_50 : memref<256x128xf32, #tpu.memory_space<hbm>>)
    return
  }
}

#map = affine_map<(d0, d1) -> (0, 0)>
#map1 = affine_map<(d0, d1) -> (0)>
module attributes {stable_mosaic.version = 14 : i64} {
  func.func @k(%arg0: i32, %arg1: i32, %arg2: memref<100000x128xf32, #tpu.memory_space<hbm>>, %arg3: memref<204800xi32, #tpu.memory_space<hbm>>, %arg4: memref<204800x128xf32, #tpu.memory_space<hbm>>, %arg5: memref<6400xi32, #tpu.memory_space<vmem>>, %arg6: memref<256x128xf32, #tpu.memory_space<vmem>>, %arg7: memref<256x128xf32, #tpu.memory_space<vmem>>, %arg8: memref<!tpu.dma_semaphore, #tpu.memory_space<semaphore_mem>>, %arg9: memref<!tpu.dma_semaphore, #tpu.memory_space<semaphore_mem>>, %arg10: memref<!tpu.dma_semaphore, #tpu.memory_space<semaphore_mem>>, %arg11: memref<!tpu.dma_semaphore, #tpu.memory_space<semaphore_mem>>) attributes {dimension_semantics = [#tpu.dimension_semantics<core_parallel>, #tpu.dimension_semantics<subcore_parallel>], iteration_bounds = array<i64: 2, 16>, scalar_prefetch = 0 : i64, scratch_operands = 7 : i64, tpu.core_type = #tpu.core_type<sc_vector_subcore>, window_params = [{transform_indices = #map}, {transform_indices = #map1}, {transform_indices = #map}]} {
    %mul3A = arith.constant 2 : i32
    %mul3A_0 = arith.muli %arg1, %mul3A : i32
    %add3A = arith.addi %mul3A_0, %arg0 : i32
    %mul3A_1 = arith.constant 6400 : i32
    %mul3A_2 = arith.muli %add3A, %mul3A_1 : i32
    "tpu.region"() ({
      %run_scoped3A = tpu.sem_alloc : memref<!tpu.dma_semaphore, #tpu.memory_space<semaphore_mem>>
      %dma_start3A_51 = tpu.memref_slice %arg3[%mul3A_2] : memref<204800xi32, #tpu.memory_space<hbm>> -> memref<6400xi32, #tpu.memory_space<hbm>>
      %dma_start3A_52 = tpu.memref_slice %arg3[%mul3A_2] : memref<204800xi32, #tpu.memory_space<hbm>> -> memref<6400xi32, #tpu.memory_space<hbm>>
      tpu.enqueue_dma source(%dma_start3A_52 : memref<6400xi32, #tpu.memory_space<hbm>>) target(%arg5 : memref<6400xi32, #tpu.memory_space<vmem>>) target_semaphore(%run_scoped3A : memref<!tpu.dma_semaphore, #tpu.memory_space<semaphore_mem>>)
      %dma_wait3A_53 = tpu.memref_slice %arg3[%mul3A_2] : memref<204800xi32, #tpu.memory_space<hbm>> -> memref<6400xi32, #tpu.memory_space<hbm>>
      %dma_wait3A_54 = tpu.memref_slice %arg3[%mul3A_2] : memref<204800xi32, #tpu.memory_space<hbm>> -> memref<6400xi32, #tpu.memory_space<hbm>>
      tpu.wait_dma2 semaphore(%run_scoped3A : memref<!tpu.dma_semaphore, #tpu.memory_space<semaphore_mem>>) src(%dma_wait3A_54 : memref<6400xi32, #tpu.memory_space<hbm>>) dst(%arg5 : memref<6400xi32, #tpu.memory_space<vmem>>)
      tpu.yield
    }) : () -> ()
    %dma_start3A = arith.constant 0 : i32
    %dma_start3A_3 = arith.constant 0 : i32
    %dma_start3A_4 = tpu.memref_slice %arg6[%dma_start3A, %dma_start3A_3] : memref<256x128xf32, #tpu.memory_space<vmem>> -> memref<128x128xf32, #tpu.memory_space<vmem>>
    %dma_start3A_5 = arith.constant 0 : i32
    %dma_start3A_6 = tpu.memref_slice %arg5[%dma_start3A_5] : memref<6400xi32, #tpu.memory_space<vmem>> -> memref<128xi32, #tpu.memory_space<vmem>>
    %dma_start3A_7 = arith.constant 0 : i32
    %dma_start3A_8 = arith.constant 0 : i32
    %dma_start3A_9 = tpu.memref_slice %arg2[%dma_start3A_7, %dma_start3A_8] : memref<100000x128xf32, #tpu.memory_space<hbm>> -> memref<100000x128xf32, #tpu.memory_space<hbm>>
    tpu.enqueue_indirect_dma source(%dma_start3A_9 : memref<100000x128xf32, #tpu.memory_space<hbm>>) target(%dma_start3A_4 : memref<128x128xf32, #tpu.memory_space<vmem>>) offsets(%dma_start3A_6 : memref<128xi32, #tpu.memory_space<vmem>>) semaphore(%arg8 : memref<!tpu.dma_semaphore, #tpu.memory_space<semaphore_mem>>)
    %dma_start3A_10 = arith.constant 128 : i32
    %dma_start3A_11 = arith.constant 0 : i32
    %dma_start3A_12 = tpu.memref_slice %arg6[%dma_start3A_10, %dma_start3A_11] : memref<256x128xf32, #tpu.memory_space<vmem>> -> memref<128x128xf32, #tpu.memory_space<vmem>>
    %dma_start3A_13 = arith.constant 128 : i32
    %dma_start3A_14 = tpu.memref_slice %arg5[%dma_start3A_13] : memref<6400xi32, #tpu.memory_space<vmem>> -> memref<128xi32, #tpu.memory_space<vmem>>
    %dma_start3A_15 = arith.constant 0 : i32
    %dma_start3A_16 = arith.constant 0 : i32
    %dma_start3A_17 = tpu.memref_slice %arg2[%dma_start3A_15, %dma_start3A_16] : memref<100000x128xf32, #tpu.memory_space<hbm>> -> memref<100000x128xf32, #tpu.memory_space<hbm>>
    tpu.enqueue_indirect_dma source(%dma_start3A_17 : memref<100000x128xf32, #tpu.memory_space<hbm>>) target(%dma_start3A_12 : memref<128x128xf32, #tpu.memory_space<vmem>>) offsets(%dma_start3A_14 : memref<128xi32, #tpu.memory_space<vmem>>) semaphore(%arg8 : memref<!tpu.dma_semaphore, #tpu.memory_space<semaphore_mem>>)
    %scan3A = arith.constant 0 : i32
    %scan3A_18 = arith.constant 12 : i32
    %scan3A_19 = arith.addi %scan3A, %scan3A_18 : i32
    %scan3A_20 = arith.constant 1 : i32
    scf.for %scan3A_51 = %scan3A to %scan3A_19 step %scan3A_20  : i32 {
      %mul3A_52 = arith.constant 2 : i32
      %mul3A_53 = arith.muli %scan3A_51, %mul3A_52 : i32
      %add3A_54 = arith.constant 0 : i32
      %add3A_55 = arith.addi %add3A_54, %mul3A_53 : i32
      %ge3A = arith.constant 1 : i32
      %ge3A_56 = arith.cmpi sge, %add3A_55, %ge3A : i32
      %convert_element_type3A = arith.extui %ge3A_56 : i1 to i32
      %cond3A = arith.constant 0 : i32
      %cond3A_57 = arith.cmpi ne, %convert_element_type3A, %cond3A : i32
      scf.if %cond3A_57 {
        %dma_wait3A_124 = arith.constant 0 : i32
        %dma_wait3A_125 = tpu.memref_slice %arg4[%mul3A_2, %dma_wait3A_124] : memref<204800x128xf32, #tpu.memory_space<hbm>> -> memref<256x128xf32, #tpu.memory_space<hbm>>
        %dma_wait3A_126 = arith.constant 0 : i32
        %dma_wait3A_127 = tpu.memref_slice %arg4[%mul3A_2, %dma_wait3A_126] : memref<204800x128xf32, #tpu.memory_space<hbm>> -> memref<256x128xf32, #tpu.memory_space<hbm>>
        tpu.wait_dma2 semaphore(%arg11 : memref<!tpu.dma_semaphore, #tpu.memory_space<semaphore_mem>>) src(%arg7 : memref<256x128xf32, #tpu.memory_space<vmem>>) dst(%dma_wait3A_127 : memref<256x128xf32, #tpu.memory_space<hbm>>)
      } else {
      }
      %add3A_58 = arith.constant 1 : i32
      %add3A_59 = arith.addi %add3A_55, %add3A_58 : i32
      %lt3A = arith.constant 25 : i32
      %lt3A_60 = arith.cmpi slt, %add3A_59, %lt3A : i32
      %convert_element_type3A_61 = arith.extui %lt3A_60 : i1 to i32
      %cond3A_62 = arith.constant 0 : i32
      %cond3A_63 = arith.cmpi ne, %convert_element_type3A_61, %cond3A_62 : i32
      scf.if %cond3A_63 {
        %add3A_124 = arith.constant 1 : i32
        %add3A_125 = arith.addi %add3A_55, %add3A_124 : i32
        %mul3A_126 = arith.constant 256 : i32
        %mul3A_127 = arith.muli %add3A_125, %mul3A_126 : i32
        %add3A_128 = arith.constant 0 : i32
        %add3A_129 = arith.addi %mul3A_127, %add3A_128 : i32
        %dma_start3A_130 = arith.constant 0 : i32
        %dma_start3A_131 = arith.constant 0 : i32
        %dma_start3A_132 = tpu.memref_slice %arg7[%dma_start3A_130, %dma_start3A_131] : memref<256x128xf32, #tpu.memory_space<vmem>> -> memref<128x128xf32, #tpu.memory_space<vmem>>
        %dma_start3A_133 = tpu.memref_slice %arg5[%add3A_129] : memref<6400xi32, #tpu.memory_space<vmem>> -> memref<128xi32, #tpu.memory_space<vmem>>
        %dma_start3A_134 = arith.constant 0 : i32
        %dma_start3A_135 = arith.constant 0 : i32
        %dma_start3A_136 = tpu.memref_slice %arg2[%dma_start3A_134, %dma_start3A_135] : memref<100000x128xf32, #tpu.memory_space<hbm>> -> memref<100000x128xf32, #tpu.memory_space<hbm>>
        tpu.enqueue_indirect_dma source(%dma_start3A_136 : memref<100000x128xf32, #tpu.memory_space<hbm>>) target(%dma_start3A_132 : memref<128x128xf32, #tpu.memory_space<vmem>>) offsets(%dma_start3A_133 : memref<128xi32, #tpu.memory_space<vmem>>) semaphore(%arg9 : memref<!tpu.dma_semaphore, #tpu.memory_space<semaphore_mem>>)
        %mul3A_137 = arith.constant 256 : i32
        %mul3A_138 = arith.muli %add3A_125, %mul3A_137 : i32
        %add3A_139 = arith.constant 128 : i32
        %add3A_140 = arith.addi %mul3A_138, %add3A_139 : i32
        %dma_start3A_141 = arith.constant 128 : i32
        %dma_start3A_142 = arith.constant 0 : i32
        %dma_start3A_143 = tpu.memref_slice %arg7[%dma_start3A_141, %dma_start3A_142] : memref<256x128xf32, #tpu.memory_space<vmem>> -> memref<128x128xf32, #tpu.memory_space<vmem>>
        %dma_start3A_144 = tpu.memref_slice %arg5[%add3A_140] : memref<6400xi32, #tpu.memory_space<vmem>> -> memref<128xi32, #tpu.memory_space<vmem>>
        %dma_start3A_145 = arith.constant 0 : i32
        %dma_start3A_146 = arith.constant 0 : i32
        %dma_start3A_147 = tpu.memref_slice %arg2[%dma_start3A_145, %dma_start3A_146] : memref<100000x128xf32, #tpu.memory_space<hbm>> -> memref<100000x128xf32, #tpu.memory_space<hbm>>
        tpu.enqueue_indirect_dma source(%dma_start3A_147 : memref<100000x128xf32, #tpu.memory_space<hbm>>) target(%dma_start3A_143 : memref<128x128xf32, #tpu.memory_space<vmem>>) offsets(%dma_start3A_144 : memref<128xi32, #tpu.memory_space<vmem>>) semaphore(%arg9 : memref<!tpu.dma_semaphore, #tpu.memory_space<semaphore_mem>>)
      } else {
      }
      %dma_wait3A_64 = arith.constant 0 : i32
      %dma_wait3A_65 = arith.constant 0 : i32
      %dma_wait3A_66 = tpu.memref_slice %arg6[%dma_wait3A_64, %dma_wait3A_65] : memref<256x128xf32, #tpu.memory_space<vmem>> -> memref<128x128xf32, #tpu.memory_space<vmem>>
      %dma_wait3A_67 = arith.constant 0 : i32
      %dma_wait3A_68 = tpu.memref_slice %arg5[%dma_wait3A_67] : memref<6400xi32, #tpu.memory_space<vmem>> -> memref<128xi32, #tpu.memory_space<vmem>>
      %dma_wait3A_69 = arith.constant 0 : i32
      %dma_wait3A_70 = arith.constant 0 : i32
      %dma_wait3A_71 = tpu.memref_slice %arg2[%dma_wait3A_69, %dma_wait3A_70] : memref<100000x128xf32, #tpu.memory_space<hbm>> -> memref<100000x128xf32, #tpu.memory_space<hbm>>
      tpu.wait_indirect_dma semaphore(%arg8 : memref<!tpu.dma_semaphore, #tpu.memory_space<semaphore_mem>>) src(%dma_wait3A_71 : memref<100000x128xf32, #tpu.memory_space<hbm>>) dst(%dma_wait3A_66 : memref<128x128xf32, #tpu.memory_space<vmem>>)
      %dma_wait3A_72 = arith.constant 128 : i32
      %dma_wait3A_73 = arith.constant 0 : i32
      %dma_wait3A_74 = tpu.memref_slice %arg6[%dma_wait3A_72, %dma_wait3A_73] : memref<256x128xf32, #tpu.memory_space<vmem>> -> memref<128x128xf32, #tpu.memory_space<vmem>>
      %dma_wait3A_75 = arith.constant 128 : i32
      %dma_wait3A_76 = tpu.memref_slice %arg5[%dma_wait3A_75] : memref<6400xi32, #tpu.memory_space<vmem>> -> memref<128xi32, #tpu.memory_space<vmem>>
      %dma_wait3A_77 = arith.constant 0 : i32
      %dma_wait3A_78 = arith.constant 0 : i32
      %dma_wait3A_79 = tpu.memref_slice %arg2[%dma_wait3A_77, %dma_wait3A_78] : memref<100000x128xf32, #tpu.memory_space<hbm>> -> memref<100000x128xf32, #tpu.memory_space<hbm>>
      tpu.wait_indirect_dma semaphore(%arg8 : memref<!tpu.dma_semaphore, #tpu.memory_space<semaphore_mem>>) src(%dma_wait3A_79 : memref<100000x128xf32, #tpu.memory_space<hbm>>) dst(%dma_wait3A_74 : memref<128x128xf32, #tpu.memory_space<vmem>>)
      %mul3A_80 = arith.constant 256 : i32
      %mul3A_81 = arith.muli %add3A_55, %mul3A_80 : i32
      %add3A_82 = arith.addi %mul3A_2, %mul3A_81 : i32
      %dma_start3A_83 = arith.constant 0 : i32
      %dma_start3A_84 = tpu.memref_slice %arg4[%add3A_82, %dma_start3A_83] : memref<204800x128xf32, #tpu.memory_space<hbm>> -> memref<256x128xf32, #tpu.memory_space<hbm>>
      %dma_start3A_85 = arith.constant 0 : i32
      %dma_start3A_86 = tpu.memref_slice %arg4[%add3A_82, %dma_start3A_85] : memref<204800x128xf32, #tpu.memory_space<hbm>> -> memref<256x128xf32, #tpu.memory_space<hbm>>
      tpu.enqueue_dma source(%arg6 : memref<256x128xf32, #tpu.memory_space<vmem>>) target(%dma_start3A_86 : memref<256x128xf32, #tpu.memory_space<hbm>>) target_semaphore(%arg10 : memref<!tpu.dma_semaphore, #tpu.memory_space<semaphore_mem>>)
      %add3A_87 = arith.constant 1 : i32
      %add3A_88 = arith.addi %add3A_55, %add3A_87 : i32
      %ge3A_89 = arith.constant 1 : i32
      %ge3A_90 = arith.cmpi sge, %add3A_88, %ge3A_89 : i32
      %convert_element_type3A_91 = arith.extui %ge3A_90 : i1 to i32
      %cond3A_92 = arith.constant 0 : i32
      %cond3A_93 = arith.cmpi ne, %convert_element_type3A_91, %cond3A_92 : i32
      scf.if %cond3A_93 {
        %dma_wait3A_124 = arith.constant 0 : i32
        %dma_wait3A_125 = tpu.memref_slice %arg4[%mul3A_2, %dma_wait3A_124] : memref<204800x128xf32, #tpu.memory_space<hbm>> -> memref<256x128xf32, #tpu.memory_space<hbm>>
        %dma_wait3A_126 = arith.constant 0 : i32
        %dma_wait3A_127 = tpu.memref_slice %arg4[%mul3A_2, %dma_wait3A_126] : memref<204800x128xf32, #tpu.memory_space<hbm>> -> memref<256x128xf32, #tpu.memory_space<hbm>>
        tpu.wait_dma2 semaphore(%arg10 : memref<!tpu.dma_semaphore, #tpu.memory_space<semaphore_mem>>) src(%arg6 : memref<256x128xf32, #tpu.memory_space<vmem>>) dst(%dma_wait3A_127 : memref<256x128xf32, #tpu.memory_space<hbm>>)
      } else {
      }
      %add3A_94 = arith.constant 1 : i32
      %add3A_95 = arith.addi %add3A_88, %add3A_94 : i32
      %lt3A_96 = arith.constant 25 : i32
      %lt3A_97 = arith.cmpi slt, %add3A_95, %lt3A_96 : i32
      %convert_element_type3A_98 = arith.extui %lt3A_97 : i1 to i32
      %cond3A_99 = arith.constant 0 : i32
      %cond3A_100 = arith.cmpi ne, %convert_element_type3A_98, %cond3A_99 : i32
      scf.if %cond3A_100 {
        %add3A_124 = arith.constant 1 : i32
        %add3A_125 = arith.addi %add3A_88, %add3A_124 : i32
        %mul3A_126 = arith.constant 256 : i32
        %mul3A_127 = arith.muli %add3A_125, %mul3A_126 : i32
        %add3A_128 = arith.constant 0 : i32
        %add3A_129 = arith.addi %mul3A_127, %add3A_128 : i32
        %dma_start3A_130 = arith.constant 0 : i32
        %dma_start3A_131 = arith.constant 0 : i32
        %dma_start3A_132 = tpu.memref_slice %arg6[%dma_start3A_130, %dma_start3A_131] : memref<256x128xf32, #tpu.memory_space<vmem>> -> memref<128x128xf32, #tpu.memory_space<vmem>>
        %dma_start3A_133 = tpu.memref_slice %arg5[%add3A_129] : memref<6400xi32, #tpu.memory_space<vmem>> -> memref<128xi32, #tpu.memory_space<vmem>>
        %dma_start3A_134 = arith.constant 0 : i32
        %dma_start3A_135 = arith.constant 0 : i32
        %dma_start3A_136 = tpu.memref_slice %arg2[%dma_start3A_134, %dma_start3A_135] : memref<100000x128xf32, #tpu.memory_space<hbm>> -> memref<100000x128xf32, #tpu.memory_space<hbm>>
        tpu.enqueue_indirect_dma source(%dma_start3A_136 : memref<100000x128xf32, #tpu.memory_space<hbm>>) target(%dma_start3A_132 : memref<128x128xf32, #tpu.memory_space<vmem>>) offsets(%dma_start3A_133 : memref<128xi32, #tpu.memory_space<vmem>>) semaphore(%arg8 : memref<!tpu.dma_semaphore, #tpu.memory_space<semaphore_mem>>)
        %mul3A_137 = arith.constant 256 : i32
        %mul3A_138 = arith.muli %add3A_125, %mul3A_137 : i32
        %add3A_139 = arith.constant 128 : i32
        %add3A_140 = arith.addi %mul3A_138, %add3A_139 : i32
        %dma_start3A_141 = arith.constant 128 : i32
        %dma_start3A_142 = arith.constant 0 : i32
        %dma_start3A_143 = tpu.memref_slice %arg6[%dma_start3A_141, %dma_start3A_142] : memref<256x128xf32, #tpu.memory_space<vmem>> -> memref<128x128xf32, #tpu.memory_space<vmem>>
        %dma_start3A_144 = tpu.memref_slice %arg5[%add3A_140] : memref<6400xi32, #tpu.memory_space<vmem>> -> memref<128xi32, #tpu.memory_space<vmem>>
        %dma_start3A_145 = arith.constant 0 : i32
        %dma_start3A_146 = arith.constant 0 : i32
        %dma_start3A_147 = tpu.memref_slice %arg2[%dma_start3A_145, %dma_start3A_146] : memref<100000x128xf32, #tpu.memory_space<hbm>> -> memref<100000x128xf32, #tpu.memory_space<hbm>>
        tpu.enqueue_indirect_dma source(%dma_start3A_147 : memref<100000x128xf32, #tpu.memory_space<hbm>>) target(%dma_start3A_143 : memref<128x128xf32, #tpu.memory_space<vmem>>) offsets(%dma_start3A_144 : memref<128xi32, #tpu.memory_space<vmem>>) semaphore(%arg8 : memref<!tpu.dma_semaphore, #tpu.memory_space<semaphore_mem>>)
      } else {
      }
      %dma_wait3A_101 = arith.constant 0 : i32
      %dma_wait3A_102 = arith.constant 0 : i32
      %dma_wait3A_103 = tpu.memref_slice %arg7[%dma_wait3A_101, %dma_wait3A_102] : memref<256x128xf32, #tpu.memory_space<vmem>> -> memref<128x128xf32, #tpu.memory_space<vmem>>
      %dma_wait3A_104 = arith.constant 0 : i32
      %dma_wait3A_105 = tpu.memref_slice %arg5[%dma_wait3A_104] : memref<6400xi32, #tpu.memory_space<vmem>> -> memref<128xi32, #tpu.memory_space<vmem>>
      %dma_wait3A_106 = arith.constant 0 : i32
      %dma_wait3A_107 = arith.constant 0 : i32
      %dma_wait3A_108 = tpu.memref_slice %arg2[%dma_wait3A_106, %dma_wait3A_107] : memref<100000x128xf32, #tpu.memory_space<hbm>> -> memref<100000x128xf32, #tpu.memory_space<hbm>>
      tpu.wait_indirect_dma semaphore(%arg9 : memref<!tpu.dma_semaphore, #tpu.memory_space<semaphore_mem>>) src(%dma_wait3A_108 : memref<100000x128xf32, #tpu.memory_space<hbm>>) dst(%dma_wait3A_103 : memref<128x128xf32, #tpu.memory_space<vmem>>)
      %dma_wait3A_109 = arith.constant 128 : i32
      %dma_wait3A_110 = arith.constant 0 : i32
      %dma_wait3A_111 = tpu.memref_slice %arg7[%dma_wait3A_109, %dma_wait3A_110] : memref<256x128xf32, #tpu.memory_space<vmem>> -> memref<128x128xf32, #tpu.memory_space<vmem>>
      %dma_wait3A_112 = arith.constant 128 : i32
      %dma_wait3A_113 = tpu.memref_slice %arg5[%dma_wait3A_112] : memref<6400xi32, #tpu.memory_space<vmem>> -> memref<128xi32, #tpu.memory_space<vmem>>
      %dma_wait3A_114 = arith.constant 0 : i32
      %dma_wait3A_115 = arith.constant 0 : i32
      %dma_wait3A_116 = tpu.memref_slice %arg2[%dma_wait3A_114, %dma_wait3A_115] : memref<100000x128xf32, #tpu.memory_space<hbm>> -> memref<100000x128xf32, #tpu.memory_space<hbm>>
      tpu.wait_indirect_dma semaphore(%arg9 : memref<!tpu.dma_semaphore, #tpu.memory_space<semaphore_mem>>) src(%dma_wait3A_116 : memref<100000x128xf32, #tpu.memory_space<hbm>>) dst(%dma_wait3A_111 : memref<128x128xf32, #tpu.memory_space<vmem>>)
      %mul3A_117 = arith.constant 256 : i32
      %mul3A_118 = arith.muli %add3A_88, %mul3A_117 : i32
      %add3A_119 = arith.addi %mul3A_2, %mul3A_118 : i32
      %dma_start3A_120 = arith.constant 0 : i32
      %dma_start3A_121 = tpu.memref_slice %arg4[%add3A_119, %dma_start3A_120] : memref<204800x128xf32, #tpu.memory_space<hbm>> -> memref<256x128xf32, #tpu.memory_space<hbm>>
      %dma_start3A_122 = arith.constant 0 : i32
      %dma_start3A_123 = tpu.memref_slice %arg4[%add3A_119, %dma_start3A_122] : memref<204800x128xf32, #tpu.memory_space<hbm>> -> memref<256x128xf32, #tpu.memory_space<hbm>>
      tpu.enqueue_dma source(%arg7 : memref<256x128xf32, #tpu.memory_space<vmem>>) target(%dma_start3A_123 : memref<256x128xf32, #tpu.memory_space<hbm>>) target_semaphore(%arg11 : memref<!tpu.dma_semaphore, #tpu.memory_space<semaphore_mem>>)
    }
    %scan3A_21 = arith.constant 12 : i32
    %dma_wait3A = arith.constant 0 : i32
    %dma_wait3A_22 = tpu.memref_slice %arg4[%mul3A_2, %dma_wait3A] : memref<204800x128xf32, #tpu.memory_space<hbm>> -> memref<256x128xf32, #tpu.memory_space<hbm>>
    %dma_wait3A_23 = arith.constant 0 : i32
    %dma_wait3A_24 = tpu.memref_slice %arg4[%mul3A_2, %dma_wait3A_23] : memref<204800x128xf32, #tpu.memory_space<hbm>> -> memref<256x128xf32, #tpu.memory_space<hbm>>
    tpu.wait_dma2 semaphore(%arg11 : memref<!tpu.dma_semaphore, #tpu.memory_space<semaphore_mem>>) src(%arg7 : memref<256x128xf32, #tpu.memory_space<vmem>>) dst(%dma_wait3A_24 : memref<256x128xf32, #tpu.memory_space<hbm>>)
    %dma_wait3A_25 = arith.constant 0 : i32
    %dma_wait3A_26 = arith.constant 0 : i32
    %dma_wait3A_27 = tpu.memref_slice %arg6[%dma_wait3A_25, %dma_wait3A_26] : memref<256x128xf32, #tpu.memory_space<vmem>> -> memref<128x128xf32, #tpu.memory_space<vmem>>
    %dma_wait3A_28 = arith.constant 0 : i32
    %dma_wait3A_29 = tpu.memref_slice %arg5[%dma_wait3A_28] : memref<6400xi32, #tpu.memory_space<vmem>> -> memref<128xi32, #tpu.memory_space<vmem>>
    %dma_wait3A_30 = arith.constant 0 : i32
    %dma_wait3A_31 = arith.constant 0 : i32
    %dma_wait3A_32 = tpu.memref_slice %arg2[%dma_wait3A_30, %dma_wait3A_31] : memref<100000x128xf32, #tpu.memory_space<hbm>> -> memref<100000x128xf32, #tpu.memory_space<hbm>>
    tpu.wait_indirect_dma semaphore(%arg8 : memref<!tpu.dma_semaphore, #tpu.memory_space<semaphore_mem>>) src(%dma_wait3A_32 : memref<100000x128xf32, #tpu.memory_space<hbm>>) dst(%dma_wait3A_27 : memref<128x128xf32, #tpu.memory_space<vmem>>)
    %dma_wait3A_33 = arith.constant 128 : i32
    %dma_wait3A_34 = arith.constant 0 : i32
    %dma_wait3A_35 = tpu.memref_slice %arg6[%dma_wait3A_33, %dma_wait3A_34] : memref<256x128xf32, #tpu.memory_space<vmem>> -> memref<128x128xf32, #tpu.memory_space<vmem>>
    %dma_wait3A_36 = arith.constant 128 : i32
    %dma_wait3A_37 = tpu.memref_slice %arg5[%dma_wait3A_36] : memref<6400xi32, #tpu.memory_space<vmem>> -> memref<128xi32, #tpu.memory_space<vmem>>
    %dma_wait3A_38 = arith.constant 0 : i32
    %dma_wait3A_39 = arith.constant 0 : i32
    %dma_wait3A_40 = tpu.memref_slice %arg2[%dma_wait3A_38, %dma_wait3A_39] : memref<100000x128xf32, #tpu.memory_space<hbm>> -> memref<100000x128xf32, #tpu.memory_space<hbm>>
    tpu.wait_indirect_dma semaphore(%arg8 : memref<!tpu.dma_semaphore, #tpu.memory_space<semaphore_mem>>) src(%dma_wait3A_40 : memref<100000x128xf32, #tpu.memory_space<hbm>>) dst(%dma_wait3A_35 : memref<128x128xf32, #tpu.memory_space<vmem>>)
    %add3A_41 = arith.constant 6144 : i32
    %add3A_42 = arith.addi %mul3A_2, %add3A_41 : i32
    %dma_start3A_43 = arith.constant 0 : i32
    %dma_start3A_44 = tpu.memref_slice %arg4[%add3A_42, %dma_start3A_43] : memref<204800x128xf32, #tpu.memory_space<hbm>> -> memref<256x128xf32, #tpu.memory_space<hbm>>
    %dma_start3A_45 = arith.constant 0 : i32
    %dma_start3A_46 = tpu.memref_slice %arg4[%add3A_42, %dma_start3A_45] : memref<204800x128xf32, #tpu.memory_space<hbm>> -> memref<256x128xf32, #tpu.memory_space<hbm>>
    tpu.enqueue_dma source(%arg6 : memref<256x128xf32, #tpu.memory_space<vmem>>) target(%dma_start3A_46 : memref<256x128xf32, #tpu.memory_space<hbm>>) target_semaphore(%arg10 : memref<!tpu.dma_semaphore, #tpu.memory_space<semaphore_mem>>)
    %dma_wait3A_47 = arith.constant 0 : i32
    %dma_wait3A_48 = tpu.memref_slice %arg4[%mul3A_2, %dma_wait3A_47] : memref<204800x128xf32, #tpu.memory_space<hbm>> -> memref<256x128xf32, #tpu.memory_space<hbm>>
    %dma_wait3A_49 = arith.constant 0 : i32
    %dma_wait3A_50 = tpu.memref_slice %arg4[%mul3A_2, %dma_wait3A_49] : memref<204800x128xf32, #tpu.memory_space<hbm>> -> memref<256x128xf32, #tpu.memory_space<hbm>>
    tpu.wait_dma2 semaphore(%arg10 : memref<!tpu.dma_semaphore, #tpu.memory_space<semaphore_mem>>) src(%arg6 : memref<256x128xf32, #tpu.memory_space<vmem>>) dst(%dma_wait3A_50 : memref<256x128xf32, #tpu.memory_space<hbm>>)
    return
  }
}

module attributes {stable_mosaic.version = 14 : i64} {
  func.func @_mm_body(%arg0: i32, %arg1: i32, %arg2: memref<64x25x8x128xf32, #tpu.memory_space<vmem>>, %arg3: memref<200x128x64xbf16, #tpu.memory_space<vmem>>, %arg4: memref<512x64xf32, #tpu.memory_space<vmem>>) attributes {dimension_semantics = [#tpu.dimension_semantics<arbitrary>, #tpu.dimension_semantics<arbitrary>], iteration_bounds = array<i64: 2, 8>, scalar_prefetch = 0 : i64, scratch_operands = 0 : i64, tpu.core_type = #tpu.core_type<tc>, window_params = [{transform_indices = @transform_0, window_bounds = array<i64: 64, 25, 8, 128>}, {pipeline_mode = #tpu.pipeline_mode<synchronous>, transform_indices = @transform_1, window_bounds = array<i64: 200, 128, 64>}, {transform_indices = @transform_2, window_bounds = array<i64: 512, 64>}]} {
    %broadcast_in_dim3A = arith.constant 0.000000e+00 : f32
    %broadcast_in_dim3A_0 = vector.broadcast %broadcast_in_dim3A : f32 to vector<512x64xf32>
    %get3A = arith.constant 0 : index
    %get3A_1 = arith.constant 0 : index
    %get3A_2 = arith.constant 0 : index
    %get3A_3 = arith.constant 0 : index
    %get3A_4 = vector.load %arg2[%get3A, %get3A_1, %get3A_2, %get3A_3] : memref<64x25x8x128xf32, #tpu.memory_space<vmem>>, vector<64x1x8x128xf32>
    %get3A_5 = vector.shape_cast %get3A_4 : vector<64x1x8x128xf32> to vector<64x8x128xf32>
    %convert_element_type3A = arith.truncf %get3A_5 : vector<64x8x128xf32> to vector<64x8x128xbf16>
    %reshape3A = vector.shape_cast %convert_element_type3A : vector<64x8x128xbf16> to vector<512x128xbf16>
    %mul3A = arith.constant 25 : i32
    %mul3A_6 = arith.muli %arg1, %mul3A : i32
    %add3A = arith.constant 0 : i32
    %add3A_7 = arith.addi %mul3A_6, %add3A : i32
    %get3A_8 = arith.index_cast %add3A_7 : i32 to index
    %get3A_9 = arith.constant 0 : index
    %get3A_10 = arith.constant 0 : index
    %get3A_11 = vector.load %arg3[%get3A_8, %get3A_9, %get3A_10] : memref<200x128x64xbf16, #tpu.memory_space<vmem>>, vector<1x128x64xbf16>
    %get3A_12 = vector.shape_cast %get3A_11 : vector<1x128x64xbf16> to vector<128x64xbf16>
    %dot_general3A = arith.constant dense<0.000000e+00> : vector<512x64xf32>
    %dot_general3A_13 = tpu.matmul %reshape3A, %get3A_12, %dot_general3A {dimension_numbers = #tpu.dot_dimension_numbers<[1], [0], [0], [1], [0, 0, 1, 1], [], []>, transpose_lhs_hint = false} : vector<512x128xbf16>, vector<128x64xbf16>, vector<512x64xf32> -> vector<512x64xf32>
    %add3A_14 = arith.addf %broadcast_in_dim3A_0, %dot_general3A_13 : vector<512x64xf32>
    %get3A_15 = arith.constant 0 : index
    %get3A_16 = arith.constant 1 : index
    %get3A_17 = arith.constant 0 : index
    %get3A_18 = arith.constant 0 : index
    %get3A_19 = vector.load %arg2[%get3A_15, %get3A_16, %get3A_17, %get3A_18] : memref<64x25x8x128xf32, #tpu.memory_space<vmem>>, vector<64x1x8x128xf32>
    %get3A_20 = vector.shape_cast %get3A_19 : vector<64x1x8x128xf32> to vector<64x8x128xf32>
    %convert_element_type3A_21 = arith.truncf %get3A_20 : vector<64x8x128xf32> to vector<64x8x128xbf16>
    %reshape3A_22 = vector.shape_cast %convert_element_type3A_21 : vector<64x8x128xbf16> to vector<512x128xbf16>
    %mul3A_23 = arith.constant 25 : i32
    %mul3A_24 = arith.muli %arg1, %mul3A_23 : i32
    %add3A_25 = arith.constant 1 : i32
    %add3A_26 = arith.addi %mul3A_24, %add3A_25 : i32
    %get3A_27 = arith.index_cast %add3A_26 : i32 to index
    %get3A_28 = arith.constant 0 : index
    %get3A_29 = arith.constant 0 : index
    %get3A_30 = vector.load %arg3[%get3A_27, %get3A_28, %get3A_29] : memref<200x128x64xbf16, #tpu.memory_space<vmem>>, vector<1x128x64xbf16>
    %get3A_31 = vector.shape_cast %get3A_30 : vector<1x128x64xbf16> to vector<128x64xbf16>
    %dot_general3A_32 = arith.constant dense<0.000000e+00> : vector<512x64xf32>
    %dot_general3A_33 = tpu.matmul %reshape3A_22, %get3A_31, %dot_general3A_32 {dimension_numbers = #tpu.dot_dimension_numbers<[1], [0], [0], [1], [0, 0, 1, 1], [], []>, transpose_lhs_hint = false} : vector<512x128xbf16>, vector<128x64xbf16>, vector<512x64xf32> -> vector<512x64xf32>
    %add3A_34 = arith.addf %add3A_14, %dot_general3A_33 : vector<512x64xf32>
    %get3A_35 = arith.constant 0 : index
    %get3A_36 = arith.constant 2 : index
    %get3A_37 = arith.constant 0 : index
    %get3A_38 = arith.constant 0 : index
    %get3A_39 = vector.load %arg2[%get3A_35, %get3A_36, %get3A_37, %get3A_38] : memref<64x25x8x128xf32, #tpu.memory_space<vmem>>, vector<64x1x8x128xf32>
    %get3A_40 = vector.shape_cast %get3A_39 : vector<64x1x8x128xf32> to vector<64x8x128xf32>
    %convert_element_type3A_41 = arith.truncf %get3A_40 : vector<64x8x128xf32> to vector<64x8x128xbf16>
    %reshape3A_42 = vector.shape_cast %convert_element_type3A_41 : vector<64x8x128xbf16> to vector<512x128xbf16>
    %mul3A_43 = arith.constant 25 : i32
    %mul3A_44 = arith.muli %arg1, %mul3A_43 : i32
    %add3A_45 = arith.constant 2 : i32
    %add3A_46 = arith.addi %mul3A_44, %add3A_45 : i32
    %get3A_47 = arith.index_cast %add3A_46 : i32 to index
    %get3A_48 = arith.constant 0 : index
    %get3A_49 = arith.constant 0 : index
    %get3A_50 = vector.load %arg3[%get3A_47, %get3A_48, %get3A_49] : memref<200x128x64xbf16, #tpu.memory_space<vmem>>, vector<1x128x64xbf16>
    %get3A_51 = vector.shape_cast %get3A_50 : vector<1x128x64xbf16> to vector<128x64xbf16>
    %dot_general3A_52 = arith.constant dense<0.000000e+00> : vector<512x64xf32>
    %dot_general3A_53 = tpu.matmul %reshape3A_42, %get3A_51, %dot_general3A_52 {dimension_numbers = #tpu.dot_dimension_numbers<[1], [0], [0], [1], [0, 0, 1, 1], [], []>, transpose_lhs_hint = false} : vector<512x128xbf16>, vector<128x64xbf16>, vector<512x64xf32> -> vector<512x64xf32>
    %add3A_54 = arith.addf %add3A_34, %dot_general3A_53 : vector<512x64xf32>
    %get3A_55 = arith.constant 0 : index
    %get3A_56 = arith.constant 3 : index
    %get3A_57 = arith.constant 0 : index
    %get3A_58 = arith.constant 0 : index
    %get3A_59 = vector.load %arg2[%get3A_55, %get3A_56, %get3A_57, %get3A_58] : memref<64x25x8x128xf32, #tpu.memory_space<vmem>>, vector<64x1x8x128xf32>
    %get3A_60 = vector.shape_cast %get3A_59 : vector<64x1x8x128xf32> to vector<64x8x128xf32>
    %convert_element_type3A_61 = arith.truncf %get3A_60 : vector<64x8x128xf32> to vector<64x8x128xbf16>
    %reshape3A_62 = vector.shape_cast %convert_element_type3A_61 : vector<64x8x128xbf16> to vector<512x128xbf16>
    %mul3A_63 = arith.constant 25 : i32
    %mul3A_64 = arith.muli %arg1, %mul3A_63 : i32
    %add3A_65 = arith.constant 3 : i32
    %add3A_66 = arith.addi %mul3A_64, %add3A_65 : i32
    %get3A_67 = arith.index_cast %add3A_66 : i32 to index
    %get3A_68 = arith.constant 0 : index
    %get3A_69 = arith.constant 0 : index
    %get3A_70 = vector.load %arg3[%get3A_67, %get3A_68, %get3A_69] : memref<200x128x64xbf16, #tpu.memory_space<vmem>>, vector<1x128x64xbf16>
    %get3A_71 = vector.shape_cast %get3A_70 : vector<1x128x64xbf16> to vector<128x64xbf16>
    %dot_general3A_72 = arith.constant dense<0.000000e+00> : vector<512x64xf32>
    %dot_general3A_73 = tpu.matmul %reshape3A_62, %get3A_71, %dot_general3A_72 {dimension_numbers = #tpu.dot_dimension_numbers<[1], [0], [0], [1], [0, 0, 1, 1], [], []>, transpose_lhs_hint = false} : vector<512x128xbf16>, vector<128x64xbf16>, vector<512x64xf32> -> vector<512x64xf32>
    %add3A_74 = arith.addf %add3A_54, %dot_general3A_73 : vector<512x64xf32>
    %get3A_75 = arith.constant 0 : index
    %get3A_76 = arith.constant 4 : index
    %get3A_77 = arith.constant 0 : index
    %get3A_78 = arith.constant 0 : index
    %get3A_79 = vector.load %arg2[%get3A_75, %get3A_76, %get3A_77, %get3A_78] : memref<64x25x8x128xf32, #tpu.memory_space<vmem>>, vector<64x1x8x128xf32>
    %get3A_80 = vector.shape_cast %get3A_79 : vector<64x1x8x128xf32> to vector<64x8x128xf32>
    %convert_element_type3A_81 = arith.truncf %get3A_80 : vector<64x8x128xf32> to vector<64x8x128xbf16>
    %reshape3A_82 = vector.shape_cast %convert_element_type3A_81 : vector<64x8x128xbf16> to vector<512x128xbf16>
    %mul3A_83 = arith.constant 25 : i32
    %mul3A_84 = arith.muli %arg1, %mul3A_83 : i32
    %add3A_85 = arith.constant 4 : i32
    %add3A_86 = arith.addi %mul3A_84, %add3A_85 : i32
    %get3A_87 = arith.index_cast %add3A_86 : i32 to index
    %get3A_88 = arith.constant 0 : index
    %get3A_89 = arith.constant 0 : index
    %get3A_90 = vector.load %arg3[%get3A_87, %get3A_88, %get3A_89] : memref<200x128x64xbf16, #tpu.memory_space<vmem>>, vector<1x128x64xbf16>
    %get3A_91 = vector.shape_cast %get3A_90 : vector<1x128x64xbf16> to vector<128x64xbf16>
    %dot_general3A_92 = arith.constant dense<0.000000e+00> : vector<512x64xf32>
    %dot_general3A_93 = tpu.matmul %reshape3A_82, %get3A_91, %dot_general3A_92 {dimension_numbers = #tpu.dot_dimension_numbers<[1], [0], [0], [1], [0, 0, 1, 1], [], []>, transpose_lhs_hint = false} : vector<512x128xbf16>, vector<128x64xbf16>, vector<512x64xf32> -> vector<512x64xf32>
    %add3A_94 = arith.addf %add3A_74, %dot_general3A_93 : vector<512x64xf32>
    %get3A_95 = arith.constant 0 : index
    %get3A_96 = arith.constant 5 : index
    %get3A_97 = arith.constant 0 : index
    %get3A_98 = arith.constant 0 : index
    %get3A_99 = vector.load %arg2[%get3A_95, %get3A_96, %get3A_97, %get3A_98] : memref<64x25x8x128xf32, #tpu.memory_space<vmem>>, vector<64x1x8x128xf32>
    %get3A_100 = vector.shape_cast %get3A_99 : vector<64x1x8x128xf32> to vector<64x8x128xf32>
    %convert_element_type3A_101 = arith.truncf %get3A_100 : vector<64x8x128xf32> to vector<64x8x128xbf16>
    %reshape3A_102 = vector.shape_cast %convert_element_type3A_101 : vector<64x8x128xbf16> to vector<512x128xbf16>
    %mul3A_103 = arith.constant 25 : i32
    %mul3A_104 = arith.muli %arg1, %mul3A_103 : i32
    %add3A_105 = arith.constant 5 : i32
    %add3A_106 = arith.addi %mul3A_104, %add3A_105 : i32
    %get3A_107 = arith.index_cast %add3A_106 : i32 to index
    %get3A_108 = arith.constant 0 : index
    %get3A_109 = arith.constant 0 : index
    %get3A_110 = vector.load %arg3[%get3A_107, %get3A_108, %get3A_109] : memref<200x128x64xbf16, #tpu.memory_space<vmem>>, vector<1x128x64xbf16>
    %get3A_111 = vector.shape_cast %get3A_110 : vector<1x128x64xbf16> to vector<128x64xbf16>
    %dot_general3A_112 = arith.constant dense<0.000000e+00> : vector<512x64xf32>
    %dot_general3A_113 = tpu.matmul %reshape3A_102, %get3A_111, %dot_general3A_112 {dimension_numbers = #tpu.dot_dimension_numbers<[1], [0], [0], [1], [0, 0, 1, 1], [], []>, transpose_lhs_hint = false} : vector<512x128xbf16>, vector<128x64xbf16>, vector<512x64xf32> -> vector<512x64xf32>
    %add3A_114 = arith.addf %add3A_94, %dot_general3A_113 : vector<512x64xf32>
    %get3A_115 = arith.constant 0 : index
    %get3A_116 = arith.constant 6 : index
    %get3A_117 = arith.constant 0 : index
    %get3A_118 = arith.constant 0 : index
    %get3A_119 = vector.load %arg2[%get3A_115, %get3A_116, %get3A_117, %get3A_118] : memref<64x25x8x128xf32, #tpu.memory_space<vmem>>, vector<64x1x8x128xf32>
    %get3A_120 = vector.shape_cast %get3A_119 : vector<64x1x8x128xf32> to vector<64x8x128xf32>
    %convert_element_type3A_121 = arith.truncf %get3A_120 : vector<64x8x128xf32> to vector<64x8x128xbf16>
    %reshape3A_122 = vector.shape_cast %convert_element_type3A_121 : vector<64x8x128xbf16> to vector<512x128xbf16>
    %mul3A_123 = arith.constant 25 : i32
    %mul3A_124 = arith.muli %arg1, %mul3A_123 : i32
    %add3A_125 = arith.constant 6 : i32
    %add3A_126 = arith.addi %mul3A_124, %add3A_125 : i32
    %get3A_127 = arith.index_cast %add3A_126 : i32 to index
    %get3A_128 = arith.constant 0 : index
    %get3A_129 = arith.constant 0 : index
    %get3A_130 = vector.load %arg3[%get3A_127, %get3A_128, %get3A_129] : memref<200x128x64xbf16, #tpu.memory_space<vmem>>, vector<1x128x64xbf16>
    %get3A_131 = vector.shape_cast %get3A_130 : vector<1x128x64xbf16> to vector<128x64xbf16>
    %dot_general3A_132 = arith.constant dense<0.000000e+00> : vector<512x64xf32>
    %dot_general3A_133 = tpu.matmul %reshape3A_122, %get3A_131, %dot_general3A_132 {dimension_numbers = #tpu.dot_dimension_numbers<[1], [0], [0], [1], [0, 0, 1, 1], [], []>, transpose_lhs_hint = false} : vector<512x128xbf16>, vector<128x64xbf16>, vector<512x64xf32> -> vector<512x64xf32>
    %add3A_134 = arith.addf %add3A_114, %dot_general3A_133 : vector<512x64xf32>
    %get3A_135 = arith.constant 0 : index
    %get3A_136 = arith.constant 7 : index
    %get3A_137 = arith.constant 0 : index
    %get3A_138 = arith.constant 0 : index
    %get3A_139 = vector.load %arg2[%get3A_135, %get3A_136, %get3A_137, %get3A_138] : memref<64x25x8x128xf32, #tpu.memory_space<vmem>>, vector<64x1x8x128xf32>
    %get3A_140 = vector.shape_cast %get3A_139 : vector<64x1x8x128xf32> to vector<64x8x128xf32>
    %convert_element_type3A_141 = arith.truncf %get3A_140 : vector<64x8x128xf32> to vector<64x8x128xbf16>
    %reshape3A_142 = vector.shape_cast %convert_element_type3A_141 : vector<64x8x128xbf16> to vector<512x128xbf16>
    %mul3A_143 = arith.constant 25 : i32
    %mul3A_144 = arith.muli %arg1, %mul3A_143 : i32
    %add3A_145 = arith.constant 7 : i32
    %add3A_146 = arith.addi %mul3A_144, %add3A_145 : i32
    %get3A_147 = arith.index_cast %add3A_146 : i32 to index
    %get3A_148 = arith.constant 0 : index
    %get3A_149 = arith.constant 0 : index
    %get3A_150 = vector.load %arg3[%get3A_147, %get3A_148, %get3A_149] : memref<200x128x64xbf16, #tpu.memory_space<vmem>>, vector<1x128x64xbf16>
    %get3A_151 = vector.shape_cast %get3A_150 : vector<1x128x64xbf16> to vector<128x64xbf16>
    %dot_general3A_152 = arith.constant dense<0.000000e+00> : vector<512x64xf32>
    %dot_general3A_153 = tpu.matmul %reshape3A_142, %get3A_151, %dot_general3A_152 {dimension_numbers = #tpu.dot_dimension_numbers<[1], [0], [0], [1], [0, 0, 1, 1], [], []>, transpose_lhs_hint = false} : vector<512x128xbf16>, vector<128x64xbf16>, vector<512x64xf32> -> vector<512x64xf32>
    %add3A_154 = arith.addf %add3A_134, %dot_general3A_153 : vector<512x64xf32>
    %get3A_155 = arith.constant 0 : index
    %get3A_156 = arith.constant 8 : index
    %get3A_157 = arith.constant 0 : index
    %get3A_158 = arith.constant 0 : index
    %get3A_159 = vector.load %arg2[%get3A_155, %get3A_156, %get3A_157, %get3A_158] : memref<64x25x8x128xf32, #tpu.memory_space<vmem>>, vector<64x1x8x128xf32>
    %get3A_160 = vector.shape_cast %get3A_159 : vector<64x1x8x128xf32> to vector<64x8x128xf32>
    %convert_element_type3A_161 = arith.truncf %get3A_160 : vector<64x8x128xf32> to vector<64x8x128xbf16>
    %reshape3A_162 = vector.shape_cast %convert_element_type3A_161 : vector<64x8x128xbf16> to vector<512x128xbf16>
    %mul3A_163 = arith.constant 25 : i32
    %mul3A_164 = arith.muli %arg1, %mul3A_163 : i32
    %add3A_165 = arith.constant 8 : i32
    %add3A_166 = arith.addi %mul3A_164, %add3A_165 : i32
    %get3A_167 = arith.index_cast %add3A_166 : i32 to index
    %get3A_168 = arith.constant 0 : index
    %get3A_169 = arith.constant 0 : index
    %get3A_170 = vector.load %arg3[%get3A_167, %get3A_168, %get3A_169] : memref<200x128x64xbf16, #tpu.memory_space<vmem>>, vector<1x128x64xbf16>
    %get3A_171 = vector.shape_cast %get3A_170 : vector<1x128x64xbf16> to vector<128x64xbf16>
    %dot_general3A_172 = arith.constant dense<0.000000e+00> : vector<512x64xf32>
    %dot_general3A_173 = tpu.matmul %reshape3A_162, %get3A_171, %dot_general3A_172 {dimension_numbers = #tpu.dot_dimension_numbers<[1], [0], [0], [1], [0, 0, 1, 1], [], []>, transpose_lhs_hint = false} : vector<512x128xbf16>, vector<128x64xbf16>, vector<512x64xf32> -> vector<512x64xf32>
    %add3A_174 = arith.addf %add3A_154, %dot_general3A_173 : vector<512x64xf32>
    %get3A_175 = arith.constant 0 : index
    %get3A_176 = arith.constant 9 : index
    %get3A_177 = arith.constant 0 : index
    %get3A_178 = arith.constant 0 : index
    %get3A_179 = vector.load %arg2[%get3A_175, %get3A_176, %get3A_177, %get3A_178] : memref<64x25x8x128xf32, #tpu.memory_space<vmem>>, vector<64x1x8x128xf32>
    %get3A_180 = vector.shape_cast %get3A_179 : vector<64x1x8x128xf32> to vector<64x8x128xf32>
    %convert_element_type3A_181 = arith.truncf %get3A_180 : vector<64x8x128xf32> to vector<64x8x128xbf16>
    %reshape3A_182 = vector.shape_cast %convert_element_type3A_181 : vector<64x8x128xbf16> to vector<512x128xbf16>
    %mul3A_183 = arith.constant 25 : i32
    %mul3A_184 = arith.muli %arg1, %mul3A_183 : i32
    %add3A_185 = arith.constant 9 : i32
    %add3A_186 = arith.addi %mul3A_184, %add3A_185 : i32
    %get3A_187 = arith.index_cast %add3A_186 : i32 to index
    %get3A_188 = arith.constant 0 : index
    %get3A_189 = arith.constant 0 : index
    %get3A_190 = vector.load %arg3[%get3A_187, %get3A_188, %get3A_189] : memref<200x128x64xbf16, #tpu.memory_space<vmem>>, vector<1x128x64xbf16>
    %get3A_191 = vector.shape_cast %get3A_190 : vector<1x128x64xbf16> to vector<128x64xbf16>
    %dot_general3A_192 = arith.constant dense<0.000000e+00> : vector<512x64xf32>
    %dot_general3A_193 = tpu.matmul %reshape3A_182, %get3A_191, %dot_general3A_192 {dimension_numbers = #tpu.dot_dimension_numbers<[1], [0], [0], [1], [0, 0, 1, 1], [], []>, transpose_lhs_hint = false} : vector<512x128xbf16>, vector<128x64xbf16>, vector<512x64xf32> -> vector<512x64xf32>
    %add3A_194 = arith.addf %add3A_174, %dot_general3A_193 : vector<512x64xf32>
    %get3A_195 = arith.constant 0 : index
    %get3A_196 = arith.constant 10 : index
    %get3A_197 = arith.constant 0 : index
    %get3A_198 = arith.constant 0 : index
    %get3A_199 = vector.load %arg2[%get3A_195, %get3A_196, %get3A_197, %get3A_198] : memref<64x25x8x128xf32, #tpu.memory_space<vmem>>, vector<64x1x8x128xf32>
    %get3A_200 = vector.shape_cast %get3A_199 : vector<64x1x8x128xf32> to vector<64x8x128xf32>
    %convert_element_type3A_201 = arith.truncf %get3A_200 : vector<64x8x128xf32> to vector<64x8x128xbf16>
    %reshape3A_202 = vector.shape_cast %convert_element_type3A_201 : vector<64x8x128xbf16> to vector<512x128xbf16>
    %mul3A_203 = arith.constant 25 : i32
    %mul3A_204 = arith.muli %arg1, %mul3A_203 : i32
    %add3A_205 = arith.constant 10 : i32
    %add3A_206 = arith.addi %mul3A_204, %add3A_205 : i32
    %get3A_207 = arith.index_cast %add3A_206 : i32 to index
    %get3A_208 = arith.constant 0 : index
    %get3A_209 = arith.constant 0 : index
    %get3A_210 = vector.load %arg3[%get3A_207, %get3A_208, %get3A_209] : memref<200x128x64xbf16, #tpu.memory_space<vmem>>, vector<1x128x64xbf16>
    %get3A_211 = vector.shape_cast %get3A_210 : vector<1x128x64xbf16> to vector<128x64xbf16>
    %dot_general3A_212 = arith.constant dense<0.000000e+00> : vector<512x64xf32>
    %dot_general3A_213 = tpu.matmul %reshape3A_202, %get3A_211, %dot_general3A_212 {dimension_numbers = #tpu.dot_dimension_numbers<[1], [0], [0], [1], [0, 0, 1, 1], [], []>, transpose_lhs_hint = false} : vector<512x128xbf16>, vector<128x64xbf16>, vector<512x64xf32> -> vector<512x64xf32>
    %add3A_214 = arith.addf %add3A_194, %dot_general3A_213 : vector<512x64xf32>
    %get3A_215 = arith.constant 0 : index
    %get3A_216 = arith.constant 11 : index
    %get3A_217 = arith.constant 0 : index
    %get3A_218 = arith.constant 0 : index
    %get3A_219 = vector.load %arg2[%get3A_215, %get3A_216, %get3A_217, %get3A_218] : memref<64x25x8x128xf32, #tpu.memory_space<vmem>>, vector<64x1x8x128xf32>
    %get3A_220 = vector.shape_cast %get3A_219 : vector<64x1x8x128xf32> to vector<64x8x128xf32>
    %convert_element_type3A_221 = arith.truncf %get3A_220 : vector<64x8x128xf32> to vector<64x8x128xbf16>
    %reshape3A_222 = vector.shape_cast %convert_element_type3A_221 : vector<64x8x128xbf16> to vector<512x128xbf16>
    %mul3A_223 = arith.constant 25 : i32
    %mul3A_224 = arith.muli %arg1, %mul3A_223 : i32
    %add3A_225 = arith.constant 11 : i32
    %add3A_226 = arith.addi %mul3A_224, %add3A_225 : i32
    %get3A_227 = arith.index_cast %add3A_226 : i32 to index
    %get3A_228 = arith.constant 0 : index
    %get3A_229 = arith.constant 0 : index
    %get3A_230 = vector.load %arg3[%get3A_227, %get3A_228, %get3A_229] : memref<200x128x64xbf16, #tpu.memory_space<vmem>>, vector<1x128x64xbf16>
    %get3A_231 = vector.shape_cast %get3A_230 : vector<1x128x64xbf16> to vector<128x64xbf16>
    %dot_general3A_232 = arith.constant dense<0.000000e+00> : vector<512x64xf32>
    %dot_general3A_233 = tpu.matmul %reshape3A_222, %get3A_231, %dot_general3A_232 {dimension_numbers = #tpu.dot_dimension_numbers<[1], [0], [0], [1], [0, 0, 1, 1], [], []>, transpose_lhs_hint = false} : vector<512x128xbf16>, vector<128x64xbf16>, vector<512x64xf32> -> vector<512x64xf32>
    %add3A_234 = arith.addf %add3A_214, %dot_general3A_233 : vector<512x64xf32>
    %get3A_235 = arith.constant 0 : index
    %get3A_236 = arith.constant 12 : index
    %get3A_237 = arith.constant 0 : index
    %get3A_238 = arith.constant 0 : index
    %get3A_239 = vector.load %arg2[%get3A_235, %get3A_236, %get3A_237, %get3A_238] : memref<64x25x8x128xf32, #tpu.memory_space<vmem>>, vector<64x1x8x128xf32>
    %get3A_240 = vector.shape_cast %get3A_239 : vector<64x1x8x128xf32> to vector<64x8x128xf32>
    %convert_element_type3A_241 = arith.truncf %get3A_240 : vector<64x8x128xf32> to vector<64x8x128xbf16>
    %reshape3A_242 = vector.shape_cast %convert_element_type3A_241 : vector<64x8x128xbf16> to vector<512x128xbf16>
    %mul3A_243 = arith.constant 25 : i32
    %mul3A_244 = arith.muli %arg1, %mul3A_243 : i32
    %add3A_245 = arith.constant 12 : i32
    %add3A_246 = arith.addi %mul3A_244, %add3A_245 : i32
    %get3A_247 = arith.index_cast %add3A_246 : i32 to index
    %get3A_248 = arith.constant 0 : index
    %get3A_249 = arith.constant 0 : index
    %get3A_250 = vector.load %arg3[%get3A_247, %get3A_248, %get3A_249] : memref<200x128x64xbf16, #tpu.memory_space<vmem>>, vector<1x128x64xbf16>
    %get3A_251 = vector.shape_cast %get3A_250 : vector<1x128x64xbf16> to vector<128x64xbf16>
    %dot_general3A_252 = arith.constant dense<0.000000e+00> : vector<512x64xf32>
    %dot_general3A_253 = tpu.matmul %reshape3A_242, %get3A_251, %dot_general3A_252 {dimension_numbers = #tpu.dot_dimension_numbers<[1], [0], [0], [1], [0, 0, 1, 1], [], []>, transpose_lhs_hint = false} : vector<512x128xbf16>, vector<128x64xbf16>, vector<512x64xf32> -> vector<512x64xf32>
    %add3A_254 = arith.addf %add3A_234, %dot_general3A_253 : vector<512x64xf32>
    %get3A_255 = arith.constant 0 : index
    %get3A_256 = arith.constant 13 : index
    %get3A_257 = arith.constant 0 : index
    %get3A_258 = arith.constant 0 : index
    %get3A_259 = vector.load %arg2[%get3A_255, %get3A_256, %get3A_257, %get3A_258] : memref<64x25x8x128xf32, #tpu.memory_space<vmem>>, vector<64x1x8x128xf32>
    %get3A_260 = vector.shape_cast %get3A_259 : vector<64x1x8x128xf32> to vector<64x8x128xf32>
    %convert_element_type3A_261 = arith.truncf %get3A_260 : vector<64x8x128xf32> to vector<64x8x128xbf16>
    %reshape3A_262 = vector.shape_cast %convert_element_type3A_261 : vector<64x8x128xbf16> to vector<512x128xbf16>
    %mul3A_263 = arith.constant 25 : i32
    %mul3A_264 = arith.muli %arg1, %mul3A_263 : i32
    %add3A_265 = arith.constant 13 : i32
    %add3A_266 = arith.addi %mul3A_264, %add3A_265 : i32
    %get3A_267 = arith.index_cast %add3A_266 : i32 to index
    %get3A_268 = arith.constant 0 : index
    %get3A_269 = arith.constant 0 : index
    %get3A_270 = vector.load %arg3[%get3A_267, %get3A_268, %get3A_269] : memref<200x128x64xbf16, #tpu.memory_space<vmem>>, vector<1x128x64xbf16>
    %get3A_271 = vector.shape_cast %get3A_270 : vector<1x128x64xbf16> to vector<128x64xbf16>
    %dot_general3A_272 = arith.constant dense<0.000000e+00> : vector<512x64xf32>
    %dot_general3A_273 = tpu.matmul %reshape3A_262, %get3A_271, %dot_general3A_272 {dimension_numbers = #tpu.dot_dimension_numbers<[1], [0], [0], [1], [0, 0, 1, 1], [], []>, transpose_lhs_hint = false} : vector<512x128xbf16>, vector<128x64xbf16>, vector<512x64xf32> -> vector<512x64xf32>
    %add3A_274 = arith.addf %add3A_254, %dot_general3A_273 : vector<512x64xf32>
    %get3A_275 = arith.constant 0 : index
    %get3A_276 = arith.constant 14 : index
    %get3A_277 = arith.constant 0 : index
    %get3A_278 = arith.constant 0 : index
    %get3A_279 = vector.load %arg2[%get3A_275, %get3A_276, %get3A_277, %get3A_278] : memref<64x25x8x128xf32, #tpu.memory_space<vmem>>, vector<64x1x8x128xf32>
    %get3A_280 = vector.shape_cast %get3A_279 : vector<64x1x8x128xf32> to vector<64x8x128xf32>
    %convert_element_type3A_281 = arith.truncf %get3A_280 : vector<64x8x128xf32> to vector<64x8x128xbf16>
    %reshape3A_282 = vector.shape_cast %convert_element_type3A_281 : vector<64x8x128xbf16> to vector<512x128xbf16>
    %mul3A_283 = arith.constant 25 : i32
    %mul3A_284 = arith.muli %arg1, %mul3A_283 : i32
    %add3A_285 = arith.constant 14 : i32
    %add3A_286 = arith.addi %mul3A_284, %add3A_285 : i32
    %get3A_287 = arith.index_cast %add3A_286 : i32 to index
    %get3A_288 = arith.constant 0 : index
    %get3A_289 = arith.constant 0 : index
    %get3A_290 = vector.load %arg3[%get3A_287, %get3A_288, %get3A_289] : memref<200x128x64xbf16, #tpu.memory_space<vmem>>, vector<1x128x64xbf16>
    %get3A_291 = vector.shape_cast %get3A_290 : vector<1x128x64xbf16> to vector<128x64xbf16>
    %dot_general3A_292 = arith.constant dense<0.000000e+00> : vector<512x64xf32>
    %dot_general3A_293 = tpu.matmul %reshape3A_282, %get3A_291, %dot_general3A_292 {dimension_numbers = #tpu.dot_dimension_numbers<[1], [0], [0], [1], [0, 0, 1, 1], [], []>, transpose_lhs_hint = false} : vector<512x128xbf16>, vector<128x64xbf16>, vector<512x64xf32> -> vector<512x64xf32>
    %add3A_294 = arith.addf %add3A_274, %dot_general3A_293 : vector<512x64xf32>
    %get3A_295 = arith.constant 0 : index
    %get3A_296 = arith.constant 15 : index
    %get3A_297 = arith.constant 0 : index
    %get3A_298 = arith.constant 0 : index
    %get3A_299 = vector.load %arg2[%get3A_295, %get3A_296, %get3A_297, %get3A_298] : memref<64x25x8x128xf32, #tpu.memory_space<vmem>>, vector<64x1x8x128xf32>
    %get3A_300 = vector.shape_cast %get3A_299 : vector<64x1x8x128xf32> to vector<64x8x128xf32>
    %convert_element_type3A_301 = arith.truncf %get3A_300 : vector<64x8x128xf32> to vector<64x8x128xbf16>
    %reshape3A_302 = vector.shape_cast %convert_element_type3A_301 : vector<64x8x128xbf16> to vector<512x128xbf16>
    %mul3A_303 = arith.constant 25 : i32
    %mul3A_304 = arith.muli %arg1, %mul3A_303 : i32
    %add3A_305 = arith.constant 15 : i32
    %add3A_306 = arith.addi %mul3A_304, %add3A_305 : i32
    %get3A_307 = arith.index_cast %add3A_306 : i32 to index
    %get3A_308 = arith.constant 0 : index
    %get3A_309 = arith.constant 0 : index
    %get3A_310 = vector.load %arg3[%get3A_307, %get3A_308, %get3A_309] : memref<200x128x64xbf16, #tpu.memory_space<vmem>>, vector<1x128x64xbf16>
    %get3A_311 = vector.shape_cast %get3A_310 : vector<1x128x64xbf16> to vector<128x64xbf16>
    %dot_general3A_312 = arith.constant dense<0.000000e+00> : vector<512x64xf32>
    %dot_general3A_313 = tpu.matmul %reshape3A_302, %get3A_311, %dot_general3A_312 {dimension_numbers = #tpu.dot_dimension_numbers<[1], [0], [0], [1], [0, 0, 1, 1], [], []>, transpose_lhs_hint = false} : vector<512x128xbf16>, vector<128x64xbf16>, vector<512x64xf32> -> vector<512x64xf32>
    %add3A_314 = arith.addf %add3A_294, %dot_general3A_313 : vector<512x64xf32>
    %get3A_315 = arith.constant 0 : index
    %get3A_316 = arith.constant 16 : index
    %get3A_317 = arith.constant 0 : index
    %get3A_318 = arith.constant 0 : index
    %get3A_319 = vector.load %arg2[%get3A_315, %get3A_316, %get3A_317, %get3A_318] : memref<64x25x8x128xf32, #tpu.memory_space<vmem>>, vector<64x1x8x128xf32>
    %get3A_320 = vector.shape_cast %get3A_319 : vector<64x1x8x128xf32> to vector<64x8x128xf32>
    %convert_element_type3A_321 = arith.truncf %get3A_320 : vector<64x8x128xf32> to vector<64x8x128xbf16>
    %reshape3A_322 = vector.shape_cast %convert_element_type3A_321 : vector<64x8x128xbf16> to vector<512x128xbf16>
    %mul3A_323 = arith.constant 25 : i32
    %mul3A_324 = arith.muli %arg1, %mul3A_323 : i32
    %add3A_325 = arith.constant 16 : i32
    %add3A_326 = arith.addi %mul3A_324, %add3A_325 : i32
    %get3A_327 = arith.index_cast %add3A_326 : i32 to index
    %get3A_328 = arith.constant 0 : index
    %get3A_329 = arith.constant 0 : index
    %get3A_330 = vector.load %arg3[%get3A_327, %get3A_328, %get3A_329] : memref<200x128x64xbf16, #tpu.memory_space<vmem>>, vector<1x128x64xbf16>
    %get3A_331 = vector.shape_cast %get3A_330 : vector<1x128x64xbf16> to vector<128x64xbf16>
    %dot_general3A_332 = arith.constant dense<0.000000e+00> : vector<512x64xf32>
    %dot_general3A_333 = tpu.matmul %reshape3A_322, %get3A_331, %dot_general3A_332 {dimension_numbers = #tpu.dot_dimension_numbers<[1], [0], [0], [1], [0, 0, 1, 1], [], []>, transpose_lhs_hint = false} : vector<512x128xbf16>, vector<128x64xbf16>, vector<512x64xf32> -> vector<512x64xf32>
    %add3A_334 = arith.addf %add3A_314, %dot_general3A_333 : vector<512x64xf32>
    %get3A_335 = arith.constant 0 : index
    %get3A_336 = arith.constant 17 : index
    %get3A_337 = arith.constant 0 : index
    %get3A_338 = arith.constant 0 : index
    %get3A_339 = vector.load %arg2[%get3A_335, %get3A_336, %get3A_337, %get3A_338] : memref<64x25x8x128xf32, #tpu.memory_space<vmem>>, vector<64x1x8x128xf32>
    %get3A_340 = vector.shape_cast %get3A_339 : vector<64x1x8x128xf32> to vector<64x8x128xf32>
    %convert_element_type3A_341 = arith.truncf %get3A_340 : vector<64x8x128xf32> to vector<64x8x128xbf16>
    %reshape3A_342 = vector.shape_cast %convert_element_type3A_341 : vector<64x8x128xbf16> to vector<512x128xbf16>
    %mul3A_343 = arith.constant 25 : i32
    %mul3A_344 = arith.muli %arg1, %mul3A_343 : i32
    %add3A_345 = arith.constant 17 : i32
    %add3A_346 = arith.addi %mul3A_344, %add3A_345 : i32
    %get3A_347 = arith.index_cast %add3A_346 : i32 to index
    %get3A_348 = arith.constant 0 : index
    %get3A_349 = arith.constant 0 : index
    %get3A_350 = vector.load %arg3[%get3A_347, %get3A_348, %get3A_349] : memref<200x128x64xbf16, #tpu.memory_space<vmem>>, vector<1x128x64xbf16>
    %get3A_351 = vector.shape_cast %get3A_350 : vector<1x128x64xbf16> to vector<128x64xbf16>
    %dot_general3A_352 = arith.constant dense<0.000000e+00> : vector<512x64xf32>
    %dot_general3A_353 = tpu.matmul %reshape3A_342, %get3A_351, %dot_general3A_352 {dimension_numbers = #tpu.dot_dimension_numbers<[1], [0], [0], [1], [0, 0, 1, 1], [], []>, transpose_lhs_hint = false} : vector<512x128xbf16>, vector<128x64xbf16>, vector<512x64xf32> -> vector<512x64xf32>
    %add3A_354 = arith.addf %add3A_334, %dot_general3A_353 : vector<512x64xf32>
    %get3A_355 = arith.constant 0 : index
    %get3A_356 = arith.constant 18 : index
    %get3A_357 = arith.constant 0 : index
    %get3A_358 = arith.constant 0 : index
    %get3A_359 = vector.load %arg2[%get3A_355, %get3A_356, %get3A_357, %get3A_358] : memref<64x25x8x128xf32, #tpu.memory_space<vmem>>, vector<64x1x8x128xf32>
    %get3A_360 = vector.shape_cast %get3A_359 : vector<64x1x8x128xf32> to vector<64x8x128xf32>
    %convert_element_type3A_361 = arith.truncf %get3A_360 : vector<64x8x128xf32> to vector<64x8x128xbf16>
    %reshape3A_362 = vector.shape_cast %convert_element_type3A_361 : vector<64x8x128xbf16> to vector<512x128xbf16>
    %mul3A_363 = arith.constant 25 : i32
    %mul3A_364 = arith.muli %arg1, %mul3A_363 : i32
    %add3A_365 = arith.constant 18 : i32
    %add3A_366 = arith.addi %mul3A_364, %add3A_365 : i32
    %get3A_367 = arith.index_cast %add3A_366 : i32 to index
    %get3A_368 = arith.constant 0 : index
    %get3A_369 = arith.constant 0 : index
    %get3A_370 = vector.load %arg3[%get3A_367, %get3A_368, %get3A_369] : memref<200x128x64xbf16, #tpu.memory_space<vmem>>, vector<1x128x64xbf16>
    %get3A_371 = vector.shape_cast %get3A_370 : vector<1x128x64xbf16> to vector<128x64xbf16>
    %dot_general3A_372 = arith.constant dense<0.000000e+00> : vector<512x64xf32>
    %dot_general3A_373 = tpu.matmul %reshape3A_362, %get3A_371, %dot_general3A_372 {dimension_numbers = #tpu.dot_dimension_numbers<[1], [0], [0], [1], [0, 0, 1, 1], [], []>, transpose_lhs_hint = false} : vector<512x128xbf16>, vector<128x64xbf16>, vector<512x64xf32> -> vector<512x64xf32>
    %add3A_374 = arith.addf %add3A_354, %dot_general3A_373 : vector<512x64xf32>
    %get3A_375 = arith.constant 0 : index
    %get3A_376 = arith.constant 19 : index
    %get3A_377 = arith.constant 0 : index
    %get3A_378 = arith.constant 0 : index
    %get3A_379 = vector.load %arg2[%get3A_375, %get3A_376, %get3A_377, %get3A_378] : memref<64x25x8x128xf32, #tpu.memory_space<vmem>>, vector<64x1x8x128xf32>
    %get3A_380 = vector.shape_cast %get3A_379 : vector<64x1x8x128xf32> to vector<64x8x128xf32>
    %convert_element_type3A_381 = arith.truncf %get3A_380 : vector<64x8x128xf32> to vector<64x8x128xbf16>
    %reshape3A_382 = vector.shape_cast %convert_element_type3A_381 : vector<64x8x128xbf16> to vector<512x128xbf16>
    %mul3A_383 = arith.constant 25 : i32
    %mul3A_384 = arith.muli %arg1, %mul3A_383 : i32
    %add3A_385 = arith.constant 19 : i32
    %add3A_386 = arith.addi %mul3A_384, %add3A_385 : i32
    %get3A_387 = arith.index_cast %add3A_386 : i32 to index
    %get3A_388 = arith.constant 0 : index
    %get3A_389 = arith.constant 0 : index
    %get3A_390 = vector.load %arg3[%get3A_387, %get3A_388, %get3A_389] : memref<200x128x64xbf16, #tpu.memory_space<vmem>>, vector<1x128x64xbf16>
    %get3A_391 = vector.shape_cast %get3A_390 : vector<1x128x64xbf16> to vector<128x64xbf16>
    %dot_general3A_392 = arith.constant dense<0.000000e+00> : vector<512x64xf32>
    %dot_general3A_393 = tpu.matmul %reshape3A_382, %get3A_391, %dot_general3A_392 {dimension_numbers = #tpu.dot_dimension_numbers<[1], [0], [0], [1], [0, 0, 1, 1], [], []>, transpose_lhs_hint = false} : vector<512x128xbf16>, vector<128x64xbf16>, vector<512x64xf32> -> vector<512x64xf32>
    %add3A_394 = arith.addf %add3A_374, %dot_general3A_393 : vector<512x64xf32>
    %get3A_395 = arith.constant 0 : index
    %get3A_396 = arith.constant 20 : index
    %get3A_397 = arith.constant 0 : index
    %get3A_398 = arith.constant 0 : index
    %get3A_399 = vector.load %arg2[%get3A_395, %get3A_396, %get3A_397, %get3A_398] : memref<64x25x8x128xf32, #tpu.memory_space<vmem>>, vector<64x1x8x128xf32>
    %get3A_400 = vector.shape_cast %get3A_399 : vector<64x1x8x128xf32> to vector<64x8x128xf32>
    %convert_element_type3A_401 = arith.truncf %get3A_400 : vector<64x8x128xf32> to vector<64x8x128xbf16>
    %reshape3A_402 = vector.shape_cast %convert_element_type3A_401 : vector<64x8x128xbf16> to vector<512x128xbf16>
    %mul3A_403 = arith.constant 25 : i32
    %mul3A_404 = arith.muli %arg1, %mul3A_403 : i32
    %add3A_405 = arith.constant 20 : i32
    %add3A_406 = arith.addi %mul3A_404, %add3A_405 : i32
    %get3A_407 = arith.index_cast %add3A_406 : i32 to index
    %get3A_408 = arith.constant 0 : index
    %get3A_409 = arith.constant 0 : index
    %get3A_410 = vector.load %arg3[%get3A_407, %get3A_408, %get3A_409] : memref<200x128x64xbf16, #tpu.memory_space<vmem>>, vector<1x128x64xbf16>
    %get3A_411 = vector.shape_cast %get3A_410 : vector<1x128x64xbf16> to vector<128x64xbf16>
    %dot_general3A_412 = arith.constant dense<0.000000e+00> : vector<512x64xf32>
    %dot_general3A_413 = tpu.matmul %reshape3A_402, %get3A_411, %dot_general3A_412 {dimension_numbers = #tpu.dot_dimension_numbers<[1], [0], [0], [1], [0, 0, 1, 1], [], []>, transpose_lhs_hint = false} : vector<512x128xbf16>, vector<128x64xbf16>, vector<512x64xf32> -> vector<512x64xf32>
    %add3A_414 = arith.addf %add3A_394, %dot_general3A_413 : vector<512x64xf32>
    %get3A_415 = arith.constant 0 : index
    %get3A_416 = arith.constant 21 : index
    %get3A_417 = arith.constant 0 : index
    %get3A_418 = arith.constant 0 : index
    %get3A_419 = vector.load %arg2[%get3A_415, %get3A_416, %get3A_417, %get3A_418] : memref<64x25x8x128xf32, #tpu.memory_space<vmem>>, vector<64x1x8x128xf32>
    %get3A_420 = vector.shape_cast %get3A_419 : vector<64x1x8x128xf32> to vector<64x8x128xf32>
    %convert_element_type3A_421 = arith.truncf %get3A_420 : vector<64x8x128xf32> to vector<64x8x128xbf16>
    %reshape3A_422 = vector.shape_cast %convert_element_type3A_421 : vector<64x8x128xbf16> to vector<512x128xbf16>
    %mul3A_423 = arith.constant 25 : i32
    %mul3A_424 = arith.muli %arg1, %mul3A_423 : i32
    %add3A_425 = arith.constant 21 : i32
    %add3A_426 = arith.addi %mul3A_424, %add3A_425 : i32
    %get3A_427 = arith.index_cast %add3A_426 : i32 to index
    %get3A_428 = arith.constant 0 : index
    %get3A_429 = arith.constant 0 : index
    %get3A_430 = vector.load %arg3[%get3A_427, %get3A_428, %get3A_429] : memref<200x128x64xbf16, #tpu.memory_space<vmem>>, vector<1x128x64xbf16>
    %get3A_431 = vector.shape_cast %get3A_430 : vector<1x128x64xbf16> to vector<128x64xbf16>
    %dot_general3A_432 = arith.constant dense<0.000000e+00> : vector<512x64xf32>
    %dot_general3A_433 = tpu.matmul %reshape3A_422, %get3A_431, %dot_general3A_432 {dimension_numbers = #tpu.dot_dimension_numbers<[1], [0], [0], [1], [0, 0, 1, 1], [], []>, transpose_lhs_hint = false} : vector<512x128xbf16>, vector<128x64xbf16>, vector<512x64xf32> -> vector<512x64xf32>
    %add3A_434 = arith.addf %add3A_414, %dot_general3A_433 : vector<512x64xf32>
    %get3A_435 = arith.constant 0 : index
    %get3A_436 = arith.constant 22 : index
    %get3A_437 = arith.constant 0 : index
    %get3A_438 = arith.constant 0 : index
    %get3A_439 = vector.load %arg2[%get3A_435, %get3A_436, %get3A_437, %get3A_438] : memref<64x25x8x128xf32, #tpu.memory_space<vmem>>, vector<64x1x8x128xf32>
    %get3A_440 = vector.shape_cast %get3A_439 : vector<64x1x8x128xf32> to vector<64x8x128xf32>
    %convert_element_type3A_441 = arith.truncf %get3A_440 : vector<64x8x128xf32> to vector<64x8x128xbf16>
    %reshape3A_442 = vector.shape_cast %convert_element_type3A_441 : vector<64x8x128xbf16> to vector<512x128xbf16>
    %mul3A_443 = arith.constant 25 : i32
    %mul3A_444 = arith.muli %arg1, %mul3A_443 : i32
    %add3A_445 = arith.constant 22 : i32
    %add3A_446 = arith.addi %mul3A_444, %add3A_445 : i32
    %get3A_447 = arith.index_cast %add3A_446 : i32 to index
    %get3A_448 = arith.constant 0 : index
    %get3A_449 = arith.constant 0 : index
    %get3A_450 = vector.load %arg3[%get3A_447, %get3A_448, %get3A_449] : memref<200x128x64xbf16, #tpu.memory_space<vmem>>, vector<1x128x64xbf16>
    %get3A_451 = vector.shape_cast %get3A_450 : vector<1x128x64xbf16> to vector<128x64xbf16>
    %dot_general3A_452 = arith.constant dense<0.000000e+00> : vector<512x64xf32>
    %dot_general3A_453 = tpu.matmul %reshape3A_442, %get3A_451, %dot_general3A_452 {dimension_numbers = #tpu.dot_dimension_numbers<[1], [0], [0], [1], [0, 0, 1, 1], [], []>, transpose_lhs_hint = false} : vector<512x128xbf16>, vector<128x64xbf16>, vector<512x64xf32> -> vector<512x64xf32>
    %add3A_454 = arith.addf %add3A_434, %dot_general3A_453 : vector<512x64xf32>
    %get3A_455 = arith.constant 0 : index
    %get3A_456 = arith.constant 23 : index
    %get3A_457 = arith.constant 0 : index
    %get3A_458 = arith.constant 0 : index
    %get3A_459 = vector.load %arg2[%get3A_455, %get3A_456, %get3A_457, %get3A_458] : memref<64x25x8x128xf32, #tpu.memory_space<vmem>>, vector<64x1x8x128xf32>
    %get3A_460 = vector.shape_cast %get3A_459 : vector<64x1x8x128xf32> to vector<64x8x128xf32>
    %convert_element_type3A_461 = arith.truncf %get3A_460 : vector<64x8x128xf32> to vector<64x8x128xbf16>
    %reshape3A_462 = vector.shape_cast %convert_element_type3A_461 : vector<64x8x128xbf16> to vector<512x128xbf16>
    %mul3A_463 = arith.constant 25 : i32
    %mul3A_464 = arith.muli %arg1, %mul3A_463 : i32
    %add3A_465 = arith.constant 23 : i32
    %add3A_466 = arith.addi %mul3A_464, %add3A_465 : i32
    %get3A_467 = arith.index_cast %add3A_466 : i32 to index
    %get3A_468 = arith.constant 0 : index
    %get3A_469 = arith.constant 0 : index
    %get3A_470 = vector.load %arg3[%get3A_467, %get3A_468, %get3A_469] : memref<200x128x64xbf16, #tpu.memory_space<vmem>>, vector<1x128x64xbf16>
    %get3A_471 = vector.shape_cast %get3A_470 : vector<1x128x64xbf16> to vector<128x64xbf16>
    %dot_general3A_472 = arith.constant dense<0.000000e+00> : vector<512x64xf32>
    %dot_general3A_473 = tpu.matmul %reshape3A_462, %get3A_471, %dot_general3A_472 {dimension_numbers = #tpu.dot_dimension_numbers<[1], [0], [0], [1], [0, 0, 1, 1], [], []>, transpose_lhs_hint = false} : vector<512x128xbf16>, vector<128x64xbf16>, vector<512x64xf32> -> vector<512x64xf32>
    %add3A_474 = arith.addf %add3A_454, %dot_general3A_473 : vector<512x64xf32>
    %get3A_475 = arith.constant 0 : index
    %get3A_476 = arith.constant 24 : index
    %get3A_477 = arith.constant 0 : index
    %get3A_478 = arith.constant 0 : index
    %get3A_479 = vector.load %arg2[%get3A_475, %get3A_476, %get3A_477, %get3A_478] : memref<64x25x8x128xf32, #tpu.memory_space<vmem>>, vector<64x1x8x128xf32>
    %get3A_480 = vector.shape_cast %get3A_479 : vector<64x1x8x128xf32> to vector<64x8x128xf32>
    %convert_element_type3A_481 = arith.truncf %get3A_480 : vector<64x8x128xf32> to vector<64x8x128xbf16>
    %reshape3A_482 = vector.shape_cast %convert_element_type3A_481 : vector<64x8x128xbf16> to vector<512x128xbf16>
    %mul3A_483 = arith.constant 25 : i32
    %mul3A_484 = arith.muli %arg1, %mul3A_483 : i32
    %add3A_485 = arith.constant 24 : i32
    %add3A_486 = arith.addi %mul3A_484, %add3A_485 : i32
    %get3A_487 = arith.index_cast %add3A_486 : i32 to index
    %get3A_488 = arith.constant 0 : index
    %get3A_489 = arith.constant 0 : index
    %get3A_490 = vector.load %arg3[%get3A_487, %get3A_488, %get3A_489] : memref<200x128x64xbf16, #tpu.memory_space<vmem>>, vector<1x128x64xbf16>
    %get3A_491 = vector.shape_cast %get3A_490 : vector<1x128x64xbf16> to vector<128x64xbf16>
    %dot_general3A_492 = arith.constant dense<0.000000e+00> : vector<512x64xf32>
    %dot_general3A_493 = tpu.matmul %reshape3A_482, %get3A_491, %dot_general3A_492 {dimension_numbers = #tpu.dot_dimension_numbers<[1], [0], [0], [1], [0, 0, 1, 1], [], []>, transpose_lhs_hint = false} : vector<512x128xbf16>, vector<128x64xbf16>, vector<512x64xf32> -> vector<512x64xf32>
    %add3A_494 = arith.addf %add3A_474, %dot_general3A_493 : vector<512x64xf32>
    %eq3A = arith.constant 0 : i32
    %eq3A_495 = arith.cmpi eq, %arg1, %eq3A : i32
    %convert_element_type3A_496 = arith.extui %eq3A_495 : i1 to i32
    %cond3A = arith.constant 0 : i32
    %cond3A_497 = arith.cmpi ne, %convert_element_type3A_496, %cond3A : i32
    scf.if %cond3A_497 {
      %swap3A = arith.constant 0 : index
      %swap3A_502 = arith.constant 0 : index
      %swap3A_503 = vector.load %arg4[%swap3A, %swap3A_502] : memref<512x64xf32, #tpu.memory_space<vmem>>, vector<512x64xf32>
      tpu.vector_store %arg4[%swap3A, %swap3A_502], %add3A_494 {strides = array<i32>} : memref<512x64xf32, #tpu.memory_space<vmem>>, vector<512x64xf32>,
    } else {
    }
    %gt3A = arith.constant 0 : i32
    %gt3A_498 = arith.cmpi sgt, %arg1, %gt3A : i32
    %convert_element_type3A_499 = arith.extui %gt3A_498 : i1 to i32
    %cond3A_500 = arith.constant 0 : i32
    %cond3A_501 = arith.cmpi ne, %convert_element_type3A_499, %cond3A_500 : i32
    scf.if %cond3A_501 {
      %get3A_502 = arith.constant 0 : index
      %get3A_503 = arith.constant 0 : index
      %get3A_504 = vector.load %arg4[%get3A_502, %get3A_503] : memref<512x64xf32, #tpu.memory_space<vmem>>, vector<512x64xf32>
      %add3A_505 = arith.addf %get3A_504, %add3A_494 : vector<512x64xf32>
      %swap3A = arith.constant 0 : index
      %swap3A_506 = arith.constant 0 : index
      %swap3A_507 = vector.load %arg4[%swap3A, %swap3A_506] : memref<512x64xf32, #tpu.memory_space<vmem>>, vector<512x64xf32>
      tpu.vector_store %arg4[%swap3A, %swap3A_506], %add3A_505 {strides = array<i32>} : memref<512x64xf32, #tpu.memory_space<vmem>>, vector<512x64xf32>,
    } else {
    }
    return
  }
  func.func @transform_0(%arg0: i32, %arg1: i32) -> (i32, i32, i32, i32) {
    %c0_i32 = arith.constant 0 : i32
    %c0_i32_0 = arith.constant 0 : i32
    %c0_i32_1 = arith.constant 0 : i32
    return %arg0, %arg1, %c0_i32, %c0_i32_0 : i32, i32, i32, i32
  }
  func.func @transform_1(%arg0: i32, %arg1: i32) -> (i32, i32, i32) {
    %c0_i32 = arith.constant 0 : i32
    %c0_i32_0 = arith.constant 0 : i32
    %c0_i32_1 = arith.constant 0 : i32
    %c0_i32_2 = arith.constant 0 : i32
    return %c0_i32, %c0_i32_0, %c0_i32_1 : i32, i32, i32
  }
  func.func @transform_2(%arg0: i32, %arg1: i32) -> (i32, i32) {
    %c0_i32 = arith.constant 0 : i32
    %c0_i32_0 = arith.constant 0 : i32
    return %arg0, %c0_i32 : i32, i32
  }
}

module attributes {stable_mosaic.version = 14 : i64} {
  func.func @_tail_body(%arg0: memref<4096x64xf32, #tpu.memory_space<vmem>>, %arg1: memref<1x64xf32, #tpu.memory_space<vmem>>, %arg2: memref<1x64xf32, #tpu.memory_space<vmem>>, %arg3: memref<1x64xf32, #tpu.memory_space<vmem>>, %arg4: memref<64x16xf32, #tpu.memory_space<vmem>>, %arg5: memref<1x16xf32, #tpu.memory_space<vmem>>, %arg6: memref<1x16xf32, #tpu.memory_space<vmem>>, %arg7: memref<1x16xf32, #tpu.memory_space<vmem>>, %arg8: memref<1x16xf32, #tpu.memory_space<vmem>>, %arg9: memref<1x1xf32, #tpu.memory_space<vmem>>, %arg10: memref<4096x1xf32, #tpu.memory_space<vmem>>) attributes {dimension_semantics = [], scalar_prefetch = 0 : i64, scratch_operands = 0 : i64, tpu.core_type = #tpu.core_type<tc>} {
    %get3A = arith.constant 0 : index
    %get3A_0 = arith.constant 0 : index
    %get3A_1 = vector.load %arg0[%get3A, %get3A_0] : memref<4096x64xf32, #tpu.memory_space<vmem>>, vector<4096x64xf32>
    %get3A_2 = arith.constant 0 : index
    %get3A_3 = arith.constant 0 : index
    %get3A_4 = vector.load %arg1[%get3A_2, %get3A_3] : memref<1x64xf32, #tpu.memory_space<vmem>>, vector<1x64xf32>
    %add3A = vector.broadcast %get3A_4 : vector<1x64xf32> to vector<4096x64xf32>
    %add3A_5 = arith.addf %get3A_1, %add3A : vector<4096x64xf32>
    %reduce_sum3A = arith.constant dense<0.000000e+00> : vector<64xf32>
    %reduce_sum3A_6 = vector.multi_reduction <add>, %add3A_5, %reduce_sum3A [0] : vector<4096x64xf32> to vector<64xf32>
    %broadcast_in_dim3A = vector.shape_cast %reduce_sum3A_6 : vector<64xf32> to vector<1x64xf32>
    %div3A = arith.constant 4.096000e+03 : f32
    %div3A_7 = vector.broadcast %div3A : f32 to vector<1x64xf32>
    %div3A_8 = arith.divf %broadcast_in_dim3A, %div3A_7 : vector<1x64xf32>
    %sub3A = vector.broadcast %div3A_8 : vector<1x64xf32> to vector<4096x64xf32>
    %sub3A_9 = arith.subf %add3A_5, %sub3A : vector<4096x64xf32>
    %mul3A = arith.mulf %sub3A_9, %sub3A_9 : vector<4096x64xf32>
    %reduce_sum3A_10 = arith.constant dense<0.000000e+00> : vector<64xf32>
    %reduce_sum3A_11 = vector.multi_reduction <add>, %mul3A, %reduce_sum3A_10 [0] : vector<4096x64xf32> to vector<64xf32>
    %broadcast_in_dim3A_12 = vector.shape_cast %reduce_sum3A_11 : vector<64xf32> to vector<1x64xf32>
    %div3A_13 = arith.constant 4.096000e+03 : f32
    %div3A_14 = vector.broadcast %div3A_13 : f32 to vector<1x64xf32>
    %div3A_15 = arith.divf %broadcast_in_dim3A_12, %div3A_14 : vector<1x64xf32>
    %get3A_16 = arith.constant 0 : index
    %get3A_17 = arith.constant 0 : index
    %get3A_18 = vector.load %arg2[%get3A_16, %get3A_17] : memref<1x64xf32, #tpu.memory_space<vmem>>, vector<1x64xf32>
    %add3A_19 = arith.constant 9.99999974E-6 : f32
    %add3A_20 = vector.broadcast %add3A_19 : f32 to vector<1x64xf32>
    %add3A_21 = arith.addf %div3A_15, %add3A_20 : vector<1x64xf32>
    %rsqrt3A = math.rsqrt %add3A_21 : vector<1x64xf32>
    %mul3A_22 = arith.mulf %get3A_18, %rsqrt3A : vector<1x64xf32>
    %mul3A_23 = vector.broadcast %mul3A_22 : vector<1x64xf32> to vector<4096x64xf32>
    %mul3A_24 = arith.mulf %sub3A_9, %mul3A_23 : vector<4096x64xf32>
    %get3A_25 = arith.constant 0 : index
    %get3A_26 = arith.constant 0 : index
    %get3A_27 = vector.load %arg3[%get3A_25, %get3A_26] : memref<1x64xf32, #tpu.memory_space<vmem>>, vector<1x64xf32>
    %add3A_28 = vector.broadcast %get3A_27 : vector<1x64xf32> to vector<4096x64xf32>
    %add3A_29 = arith.addf %mul3A_24, %add3A_28 : vector<4096x64xf32>
    %max3A = arith.constant 0.000000e+00 : f32
    %max3A_30 = vector.broadcast %max3A : f32 to vector<4096x64xf32>
    %max3A_31 = arith.maximumf %add3A_29, %max3A_30 : vector<4096x64xf32>
    %get3A_32 = arith.constant 0 : index
    %get3A_33 = arith.constant 0 : index
    %get3A_34 = vector.load %arg4[%get3A_32, %get3A_33] : memref<64x16xf32, #tpu.memory_space<vmem>>, vector<64x16xf32>
    %dot_general3A = arith.constant dense<0.000000e+00> : vector<4096x16xf32>
    %dot_general3A_35 = tpu.matmul %max3A_31, %get3A_34, %dot_general3A {dimension_numbers = #tpu.dot_dimension_numbers<[1], [0], [0], [1], [0, 0, 1, 1], [], []>, transpose_lhs_hint = false} : vector<4096x64xf32>, vector<64x16xf32>, vector<4096x16xf32> -> vector<4096x16xf32>
    %get3A_36 = arith.constant 0 : index
    %get3A_37 = arith.constant 0 : index
    %get3A_38 = vector.load %arg5[%get3A_36, %get3A_37] : memref<1x16xf32, #tpu.memory_space<vmem>>, vector<1x16xf32>
    %add3A_39 = vector.broadcast %get3A_38 : vector<1x16xf32> to vector<4096x16xf32>
    %add3A_40 = arith.addf %dot_general3A_35, %add3A_39 : vector<4096x16xf32>
    %reduce_sum3A_41 = arith.constant dense<0.000000e+00> : vector<16xf32>
    %reduce_sum3A_42 = vector.multi_reduction <add>, %add3A_40, %reduce_sum3A_41 [0] : vector<4096x16xf32> to vector<16xf32>
    %broadcast_in_dim3A_43 = vector.shape_cast %reduce_sum3A_42 : vector<16xf32> to vector<1x16xf32>
    %div3A_44 = arith.constant 4.096000e+03 : f32
    %div3A_45 = vector.broadcast %div3A_44 : f32 to vector<1x16xf32>
    %div3A_46 = arith.divf %broadcast_in_dim3A_43, %div3A_45 : vector<1x16xf32>
    %sub3A_47 = vector.broadcast %div3A_46 : vector<1x16xf32> to vector<4096x16xf32>
    %sub3A_48 = arith.subf %add3A_40, %sub3A_47 : vector<4096x16xf32>
    %mul3A_49 = arith.mulf %sub3A_48, %sub3A_48 : vector<4096x16xf32>
    %reduce_sum3A_50 = arith.constant dense<0.000000e+00> : vector<16xf32>
    %reduce_sum3A_51 = vector.multi_reduction <add>, %mul3A_49, %reduce_sum3A_50 [0] : vector<4096x16xf32> to vector<16xf32>
    %broadcast_in_dim3A_52 = vector.shape_cast %reduce_sum3A_51 : vector<16xf32> to vector<1x16xf32>
    %div3A_53 = arith.constant 4.096000e+03 : f32
    %div3A_54 = vector.broadcast %div3A_53 : f32 to vector<1x16xf32>
    %div3A_55 = arith.divf %broadcast_in_dim3A_52, %div3A_54 : vector<1x16xf32>
    %get3A_56 = arith.constant 0 : index
    %get3A_57 = arith.constant 0 : index
    %get3A_58 = vector.load %arg6[%get3A_56, %get3A_57] : memref<1x16xf32, #tpu.memory_space<vmem>>, vector<1x16xf32>
    %add3A_59 = arith.constant 9.99999974E-6 : f32
    %add3A_60 = vector.broadcast %add3A_59 : f32 to vector<1x16xf32>
    %add3A_61 = arith.addf %div3A_55, %add3A_60 : vector<1x16xf32>
    %rsqrt3A_62 = math.rsqrt %add3A_61 : vector<1x16xf32>
    %mul3A_63 = arith.mulf %get3A_58, %rsqrt3A_62 : vector<1x16xf32>
    %mul3A_64 = vector.broadcast %mul3A_63 : vector<1x16xf32> to vector<4096x16xf32>
    %mul3A_65 = arith.mulf %sub3A_48, %mul3A_64 : vector<4096x16xf32>
    %get3A_66 = arith.constant 0 : index
    %get3A_67 = arith.constant 0 : index
    %get3A_68 = vector.load %arg7[%get3A_66, %get3A_67] : memref<1x16xf32, #tpu.memory_space<vmem>>, vector<1x16xf32>
    %add3A_69 = vector.broadcast %get3A_68 : vector<1x16xf32> to vector<4096x16xf32>
    %add3A_70 = arith.addf %mul3A_65, %add3A_69 : vector<4096x16xf32>
    %max3A_71 = arith.constant 0.000000e+00 : f32
    %max3A_72 = vector.broadcast %max3A_71 : f32 to vector<4096x16xf32>
    %max3A_73 = arith.maximumf %add3A_70, %max3A_72 : vector<4096x16xf32>
    %get3A_74 = arith.constant 0 : index
    %get3A_75 = arith.constant 0 : index
    %get3A_76 = vector.load %arg8[%get3A_74, %get3A_75] : memref<1x16xf32, #tpu.memory_space<vmem>>, vector<1x16xf32>
    %mul3A_77 = vector.broadcast %get3A_76 : vector<1x16xf32> to vector<4096x16xf32>
    %mul3A_78 = arith.mulf %max3A_73, %mul3A_77 : vector<4096x16xf32>
    %reduce_sum3A_79 = arith.constant dense<0.000000e+00> : vector<4096xf32>
    %reduce_sum3A_80 = vector.multi_reduction <add>, %mul3A_78, %reduce_sum3A_79 [1] : vector<4096x16xf32> to vector<4096xf32>
    %broadcast_in_dim3A_81 = vector.shape_cast %reduce_sum3A_80 : vector<4096xf32> to vector<4096x1xf32>
    %get3A_82 = arith.constant 0 : index
    %get3A_83 = arith.constant 0 : index
    %get3A_84 = vector.load %arg9[%get3A_82, %get3A_83] : memref<1x1xf32, #tpu.memory_space<vmem>>, vector<1x1xf32>
    %add3A_85 = vector.broadcast %get3A_84 : vector<1x1xf32> to vector<4096x1xf32>
    %add3A_86 = arith.addf %broadcast_in_dim3A_81, %add3A_85 : vector<4096x1xf32>
    %logistic3A = arith.negf %add3A_86 : vector<4096x1xf32>
    %logistic3A_87 = math.exp %logistic3A : vector<4096x1xf32>
    %logistic3A_88 = arith.constant 1.000000e+00 : f32
    %logistic3A_89 = vector.broadcast %logistic3A_88 : f32 to vector<4096x1xf32>
    %logistic3A_90 = arith.addf %logistic3A_89, %logistic3A_87 : vector<4096x1xf32>
    %logistic3A_91 = arith.divf %logistic3A_89, %logistic3A_90 : vector<4096x1xf32>
    %swap3A = arith.constant 0 : index
    %swap3A_92 = arith.constant 0 : index
    %swap3A_93 = vector.load %arg10[%swap3A, %swap3A_92] : memref<4096x1xf32, #tpu.memory_space<vmem>>, vector<4096x1xf32>
    tpu.vector_store %arg10[%swap3A, %swap3A_92], %logistic3A_91 {strides = array<i32>} : memref<4096x1xf32, #tpu.memory_space<vmem>>, vector<4096x1xf32>,
    return
  }
}

</mosaic_0001>

<sc_bundles>
// kernel: kernel.11.cloned.1.call-start
scs
__scs_entry_jumppad:
0x0: {  	(pc) =	sbr.rel $0x88, $3  }
0x1: {  	(tag) =	ssettag $0x0;
	lr =	simm.s32 $0x1  }
0x2: {  	[smem:$0x3F95] =	sst lr;
	_ =	strace $0xD0000000  }
0x3: {  	_ = 	snop  }
0x4: {  	_ = 	snop  }
0x5: {  	_ = 	snop  }
0x6: {  	_ = 	snop  }
0x7: {  	_ = 	snop  }
__scs_overlays_trampoline_lowered:
0x8: {  	[smem:$0x3FA4] =	sst s0  }
0x9: {  	[smem:$0x3FA5] =	sst s1  }
0xa: {  	[smem:$0x3FA6] =	sst s2  }
0xb: {  	[smem:$0x3FA7] =	sst s3  }
0xc: {  	[smem:$0x3FA8] =	sst s4  }
0xd: {  	[smem:$0x3FA9] =	sst s5  }
0xe: {  	[smem:$0x3FAA] =	sst s6  }
0xf: {  	[smem:$0x3FAB] =	sst s7  }
0x10: {  	[smem:$0x3FAC] =	sst s8  }
0x11: {  	[smem:$0x3FAD] =	sst s9;
	s0 =	simm.s32 @!p0 $0x0  }
0x12: {  	s1 =	sld [smem:$0x3F93];
	s0 =	simm.s32 @p0 $0x1  }
0x13: {  	[smem:$0x3FAE] =	sst s0;
	s0 =	simm.s32 @!p1 $0x0  }
0x14: {  	s2 =	sld [smem:$0x3F92];
	s0 =	simm.s32 @p1 $0x1  }
0x15: {  	[smem:$0x3FAF] =	sst s0;
	s0 =	simm.s32 @!p2 $0x0  }
0x16: {  	s3 =	sld [smem:$0x3FDB];
	s0 =	simm.s32 @p2 $0x1  }
0x17: {  	s4 =	simm.s32 $0x1BF5;
	[smem:$0x3FB1] =	sst s0  }
0x18: {  	s0 =	sld [smem:$0x3F94];
	_ =	swait.ge [sflag:s4], $0x0  }
0x19: {  	s7 =	sld [smem:$0x3F95]  }
0x1a: {  	s8 =	sadd.s32 $0xFFFFE003, lr  }
0x1b: {  	s9 =	sadd.s32 $0xFFFFFEF7, lr;
	s5 =	simm.s32 $0xFFFFFFFF;
	p2 =	slt.u32 s8, $0xFFFFF086  }
0x1c: {  	p1 =	slt.u32 s9, $0xF7A;
	s5 =	simm.s32 @!p2 $0x0  }
0x1d: {  	s5 =	simm.s32 @p1 $0x1;
	p0 =	seq.s32 s7, s2  }
0x1e: {  	s7 =	smul.u32 @!p0 $0xF7A, s2;
	p2 =	seq.s32 @!p0 s5, $0x0  }
0x1f: {  	s9 =	smul.u32 $0xF7A, s1;
	s8 =	simm.s32 @!p0 $0x1BF5;
	p2 =	por !p2, p0  }
0x20: {  	[sflag:s8] =	ssyncset.s32 @!p0 $0xFFFFF086;
	s6 =	sadd.s32 @!p0 s3, s7;
	s7 =	simm.s32 @!p0 $0x108  }
0x21: {  	s3 =	sadd.s32 s3, s9;
	s6 =	sadd.s32 @!p0 $0x88, s6;
	s7 =	simm.s32 @p2 $0x1082  }
0x22: {  	[simem:s7], [sflag:s8] =	dma.local @!p0 [hbm:s6], $0xF7A  }
0x23: {  	s9 =	sor.u32 $0xD0000000, s2;
	s6 =	simm.s32 $0x108;
	_ =	swait.ge @!p0 [sflag:s8], $0x0  }
0x24: {  	s3 =	sadd.s32 $0x88, s3;
	s6 =	simm.s32 @!p1 $0x1082;
	[sflag:s4] =	ssyncset.s32 $0xFFFFF086  }
0x25: {  	[simem:s6], [sflag:s4] =	dma.local [hbm:s3], $0xF7A  }
0x26: {  	[smem:$0x3F95] =	sst s1;
	(tag) =	ssettag s2;
	_ =	strace s9  }
0x27: {  	s1 =	sld [smem:$0x3FA5]  }
0x28: {  	s2 =	sld [smem:$0x3FA6]  }
0x29: {  	s4 =	sld [smem:$0x3FA8]  }
0x2a: {  	p0 =	seq.s32 s5, $0x0;
	s5 =	sld [smem:$0x3FA9]  }
0x2b: {  	s6 =	sld [smem:$0x3FAA]  }
0x2c: {  	s7 =	sld [smem:$0x3FAB]  }
0x2d: {  	s3 =	simm.s32 $0x108;
	s8 =	sld [smem:$0x3FAC]  }
0x2e: {  	s3 =	simm.s32 @!p0 $0x1082;
	s9 =	sld [smem:$0x3FAD]  }
0x2f: {  	lr =	sadd.s32 s0, s3;
	s0 =	sld [smem:$0x3FA4]  }
0x30: {  	s3 =	sld [smem:$0x3FA7]  }
0x31: {  	[smem:$0x3FB0] =	sst s10  }
0x32: {  	s10 =	sld [smem:$0x3FAE];
	_ =	sdelay $0x3  }
0x33: {  	p0 =	seq.s32 s10, $0x1;
	s10 =	sld [smem:$0x3FB0];
	_ =	sdelay $0x3  }
0x34: {  	[smem:$0x3FB0] =	sst s10  }
0x35: {  	s10 =	sld [smem:$0x3FAF];
	_ =	sdelay $0x3  }
0x36: {  	p1 =	seq.s32 s10, $0x1;
	s10 =	sld [smem:$0x3FB0];
	_ =	sdelay $0x3  }
0x37: {  	[smem:$0x3FB0] =	sst s10  }
0x38: {  	s10 =	sld [smem:$0x3FB1]  }
0x39: {  	_ = 	snop;
	(pc) =	sbr.ind lr, $3  }
0x3a: {  	_ = 	snop  }
0x3b: {  	_ = 	snop  }
0x3c: {  	p2 =	seq.s32 s10, $0x1;
	s10 =	sld [smem:$0x3FB0]  }
0x3d: {  	_ =	shalt  }
0x3e: {  	_ =	shalt  }
0x3f: {  	_ =	shalt  }
0x40: {  	_ =	shalt  }
0x41: {  	_ =	shalt  }
0x42: {  	_ =	shalt  }
0x43: {  	_ =	shalt  }
0x44: {  	_ =	shalt  }
0x45: {  	_ =	shalt  }
0x46: {  	_ =	shalt  }
0x47: {  	_ =	shalt  }
0x48: {  	_ =	shalt  }
0x49: {  	_ =	shalt  }
0x4a: {  	_ =	shalt  }
0x4b: {  	_ =	shalt  }
0x4c: {  	_ =	shalt  }
0x4d: {  	_ =	shalt  }
0x4e: {  	_ =	shalt  }
0x4f: {  	_ =	shalt  }
0x50: {  	_ =	shalt  }
0x51: {  	_ =	shalt  }
0x52: {  	_ =	shalt  }
0x53: {  	_ =	shalt  }
0x54: {  	_ =	shalt  }
0x55: {  	_ =	shalt  }
0x56: {  	_ =	shalt  }
0x57: {  	_ =	shalt  }
0x58: {  	_ =	shalt  }
0x59: {  	_ =	shalt  }
0x5a: {  	_ =	shalt  }
0x5b: {  	_ =	shalt  }
0x5c: {  	_ =	shalt  }
0x5d: {  	_ =	shalt  }
0x5e: {  	_ =	shalt  }
0x5f: {  	_ =	shalt  }
0x60: {  	_ =	shalt  }
0x61: {  	_ =	shalt  }
0x62: {  	_ =	shalt  }
0x63: {  	_ =	shalt  }
0x64: {  	_ =	shalt  }
0x65: {  	_ =	shalt  }
0x66: {  	_ =	shalt  }
0x67: {  	_ =	shalt  }
0x68: {  	_ =	shalt  }
0x69: {  	_ =	shalt  }
0x6a: {  	_ =	shalt  }
0x6b: {  	_ =	shalt  }
0x6c: {  	_ =	shalt  }
0x6d: {  	_ =	shalt  }
0x6e: {  	_ =	shalt  }
0x6f: {  	_ =	shalt  }
0x70: {  	_ =	shalt  }
0x71: {  	_ =	shalt  }
0x72: {  	_ =	shalt  }
0x73: {  	_ =	shalt  }
0x74: {  	_ =	shalt  }
0x75: {  	_ =	shalt  }
0x76: {  	_ =	shalt  }
0x77: {  	_ =	shalt  }
0x78: {  	_ =	shalt  }
0x79: {  	_ =	shalt  }
0x7a: {  	_ =	shalt  }
0x7b: {  	_ =	shalt  }
0x7c: {  	_ =	shalt  }
0x7d: {  	_ =	shalt  }
0x7e: {  	_ =	shalt  }
0x7f: {  	_ =	shalt  }
0x80: {  	_ =	shalt  }
0x81: {  	_ =	shalt  }
0x82: {  	_ =	shalt  }
0x83: {  	_ =	shalt  }
0x84: {  	_ =	shalt  }
0x85: {  	_ =	shalt  }
0x86: {  	_ =	shalt  }
0x87: {  	_ =	shalt  }
.Lfunc_end0:
.L_simem_size_0:
called_computation_lowered:
.L_overlay_start_0:
0x88: {  	s2 =	sld [smem:$0x3FD9]  }
0x89: {  	s3 =	sld [smem:$0x3FFE];
	_ =	sdelay $0x1  }
0x8a: {  	s1 =	srdreg.scid  }
0x8b: {  	s0 =	sand.u32 $0x1, s1  }
0x8c: {  	s17 =	sshll.u32 s0, $0xA;
	s2 =	sadd.s32 s3, s2  }
0x8d: {  	s2 =	sadd.s32 s2, s17  }
0x8e: {  	[smem:$0x3FBC] =	sst s2  }
0x8f: {  	_ = 	snop  }
0x90: {  	s2 =	sld [smem:$0x3FC8];
	(tm) =	ssettm $0x1  }
0x91: {  	s18 =	sld [smem:$0x3FFB];
	_ =	sdelay $0x3  }
0x92: {  	_ =	strace s18  }
0x93: {  	s3 =	sld [smem:$0x3FFC];
	_ =	sdelay $0x3  }
0x94: {  	_ =	strace s3  }
0x95: {  	s3 =	sld [smem:$0x3FFD];
	_ =	sdelay $0x3  }
0x96: {  	_ =	strace s3  }
0x97: {  	_ =	strace $0x8FFFFFFF  }
0x98: {  	s19 =	sld [smem:$0x3FDB];
	_ =	sdelay $0x1  }
0x99: {  	s4 =	simm.s32 $_scs_section_size  }
0x9a: {  	s5 =	simm.s32 $_size__tile_overlayer_lowered;
	s6 =	simm.s32 $_tile_overlayer_lowered  }
0x9b: {  	s22 =	simm.s32 $0x1BFF;
	s21 =	sshll.u32 s6, $0x1;
	s3 =	sadd.s32 s4, s19  }
0x9c: {  	s7 =	simm.s32 $0x0;
	s20 =	sshll.u32 s5, $0x1;
	s5 =	sadd.s32 s21, s3  }
0x9d: {  	[timem:s7], [sflag:s22] =	dma.local [hbm:s5], s20  }
0x9e: {  	_ =	swait.ge [sflag:s22], s20  }
0x9f: {  	s4 =	ssub.s32 $0x0, s20;
	[sflag:s22] =	ssyncset.done $0x0  }
0xa0: {  	[sflag:s22] =	ssyncadd.s32 s4;
	_ =	sdelay $0x1  }
0xa1: {  	s23 =	simm.s32 $0x1B8B  }
0xa2: {  	_ =	swait.ge [sflag:s23], $0x1  }
0xa3: {  	[sflag:s23] =	ssyncset.done $0x0  }
0xa4: {  	s25 =	simm.s32 $0x1B8E;
	s24 =	sld [smem:$0x3FFE];
	[sflag:s23] =	ssyncadd.s32 $0xFFFFFFFF  }
0xa5: {  	s26 =	simm.s32 $execute0_lowered;
	[smem:$0x3FD2] =	sst s25  }
0xa6: {  	s5 =	sshll.u32 s26, $0x1;
	_ =	strace $0x80000046;
	[dreg:$0x1] =	wrdreg $0xFFFFFFFF  }
0xa7: {  	s28 =	simm.s32 $_size_execute0_lowered;
	s3 =	sadd.s32 s3, s5;
	[dreg:$0x0] =	wrdreg $0x0  }
0xa8: {  	s5 =	sshll.u32 s28, $0x1;
	[dreg:$0x2] =	wrdreg s3  }
0xa9: {  	[dreg:$0x3] =	wrdreg s5  }
0xaa: {  	[dreg:$0x4] =	wrdreg $0xC0  }
0xab: {  	_ =	task [dreg:s7], $0x5FFFF  }
0xac: {  	[dreg:$0x1] =	wrdreg $0xFFFFFFFF  }
0xad: {  	[dreg:$0x0] =	wrdreg $0x60  }
0xae: {  	[dreg:$0x2] =	wrdreg s2  }
0xaf: {  	[dreg:$0x3] =	wrdreg s24  }
0xb0: {  	[dreg:$0x4] =	wrdreg $0x9  }
0xb1: {  	_ =	task.clear_ibuf [dreg:s7], $0x5FFFF;
	_ =	strace $0x90000046  }
0xb2: {  	s29 =	simm.s32 $0x9;
	_ =	strace $0x80000048  }
0xb3: {  	_ =	swait.ge [sflag:s29], $0x1  }
0xb4: {  	[sflag:s29] =	ssyncadd.s32 $0xFFFFFFFF  }
0xb5: {  	_ =	strace $0x90000048  }
0xb6: {  	_ =	sfence  }
0xb7: {  	s30 =	sld [smem:$0x0];
	_ =	sdelay $0x2  }
0xb8: {  	s31 =	sshll.u32 s1, $0xD;
	s1 =	sshrl.u32 s1, $0x2  }
0xb9: {  	s3 =	sand.u32 $0x4000, s31;
	s1 =	sadd.s32 s1, s30  }
0xba: {  	s0 =	sor.u32 s3, s0;
	s1 =	sshll.u32 s1, $0x11  }
0xbb: {  	s0 =	sor.u32 s1, s0  }
0xbc: {  	s0 =	sadd.s32 $0x8F2B, s0  }
0xbd: {  	[sflag:s0] =	ssyncadd.remote.s32 $0x1  }
0xbe: {  	_ =	sfence.sel $0xFFFF  }
0xbf: {  	[dreg:$0x0] =	wrdreg $0xFFFFFFFF;
	(pc) =	sbr.abs _section_cstart, $3  }
0xc0: {  	[dreg:$0x1] =	wrdreg $0xFFFFFFFF  }
0xc1: {  	_ =	task.clear_ibuf [dreg:s7], $0x2FFFF;
	_ =	strace $0x9FFFFFFF  }
0xc2: {  	(tm) =	ssettm $0x7FFFFFFF  }
0xc3: {  	_ =	shalt  }
tec
execute0_lowered:
.L_overlay_start_1:
0x0: {  	(tag) =	ssettag $0x1  }
0x1: {  	s1 =	srdreg.scid  }
0x2: {  	s0 =	stileid.u32;
	s2 =	rddreg [dreg:$0x0]  }
0x3: {  	s6 =	rddreg [dreg:$0x1];
	s3 =	simm.s32 $0x0;
	s12 =	simm.s32 $0x5  }
0x4: {  	s13 =	simm.s32 $0x80;
	s14 =	simm.s32 $0x1900;
	s15 =	simm.s32 $0x5900  }
0x5: {  	s16 =	simm.s32 $0x100;
	s17 =	simm.s32 $0x9900;
	s18 =	simm.s32 $0x180  }
0x6: {  	s19 =	simm.s32 $0xD900;
	s20 =	simm.s32 $0x1;
	s21 =	simm.s32 $0x3  }
0x7: {  	s22 =	simm.s32 $0x200;
	s23 =	simm.s32 $0x280;
	s24 =	simm.s32 $0x2  }
0x8: {  	s4 =	sand.u32 $0x1, s1;
	s29 =	sshll.u32 s0, $0x1;
	s8 =	smul.u32 $0x190000, s0  }
0x9: {  	s25 =	simm.s32 $0x4;
	s5 =	sor.u32 s4, s29;
	s10 =	smul.u32 $0xC8000, s4  }
0xa: {  	s26 =	simm.s32 $0x0;
	s9 =	ssub.s32 $0x2, s4;
	s7 =	smul.u32 $0x320, s5  }
0xb: {  	[smem:$0x7FF] =	sst s3;
	s5 =	smul.u32 $0xC8000, s5;
	s30 =	sshrl.u32 s9, $0x1  }
0xc: {  	_ =	strace $0x80000047;
	s4 =	sadd.s32 $0x1B800, s6;
	s9 =	ssub.s32 s9, s30  }
0xd: {  	s10 =	sadd.s32 s10, s8;
	s7 =	sadd.s32 s7, s6;
	s31 =	sshrl.u32 s5, $0x3  }
0xe: {  	s11 =	sadd.s32 $0x18000, s10;
	s8 =	smax.u32 s9, $0x1;
	s10 =	sadd.s32 $0x10000, s10  }
0xf: {  	s5 =	sadd.s32 $0x15400, s7;
	s6 =	sadd.s32 s4, s31;
	s11 =	sshrl.u32 s11, $0x3  }
0x10: {  	s7 =	sadd.s32 $0x18000, s6;
	s9 =	sadd.s32 $0x1000, s6;
	s11 =	sadd.s32 s11, s4  }
.LBB2_1:
0x11: {  	[tilespmem:s3], [sflag:$0x5] =	stream.linear.gather [hbm4b:s5+s3], $0x1900, $0x38;
	[tilespmem:$0x11900] =	vst v63  }
0x12: {  	_ =	swait.ge [sflag:s12], $0x1900  }
0x13: {  	[sflag:s12] =	ssyncset.done $0x0  }
0x14: {  	[sflag:s12] =	ssyncadd.s32 $0xFFFFE700  }
0x15: {  	[tilespmem:s14], [sflag:$0x1] =	stream.indirect.gather [hbm4b:s2+s13], $0x80, s3, s13, $0xb8;
	[tilespmem:$0x11900] =	vst v63  }
0x16: {  	_ = 	snop  }
0x17: {  	[tilespmem:s15], [sflag:$0x1] =	stream.indirect.gather [hbm4b:s2+s13], $0x80, s13, s13, $0xb8;
	[tilespmem:$0x11900] =	vst v63  }
0x18: {  	_ = 	snop  }
0x19: {  	[tilespmem:s17], [sflag:$0x2] =	stream.indirect.gather [hbm4b:s2+s13], $0x80, s16, s13, $0xb8;
	[tilespmem:$0x11900] =	vst v63  }
0x1a: {  	_ = 	snop  }
0x1b: {  	[tilespmem:s19], [sflag:$0x2] =	stream.indirect.gather [hbm4b:s2+s13], $0x80, s18, s13, $0xb8;
	[tilespmem:$0x11900] =	vst v63  }
0x1c: {  	_ =	swait.ge [sflag:s20], $0x4000  }
0x1d: {  	[sflag:s20] =	ssyncset.done $0x0  }
0x1e: {  	[sflag:s20] =	ssyncadd.s32 $0xFFFFC000  }
0x1f: {  	_ =	swait.ge [sflag:s20], $0x4000  }
0x20: {  	[sflag:s20] =	ssyncset.done $0x0  }
0x21: {  	[sflag:s20] =	ssyncadd.s32 $0xFFFFC000  }
0x22: {  	[hbm4b:s6+s3] =	stream.linear.scatter [tilespmem:s14], [sflag:$0x3], $0x8000, $0x38;
	[tilespmem:$0x11900] =	vst v63  }
0x23: {  	_ =	swait.ge [sflag:s21], $0x8000  }
0x24: {  	[sflag:s21] =	ssyncset.done $0x0  }
0x25: {  	[sflag:s21] =	ssyncadd.s32 $0xFFFF8000  }
0x26: {  	[tilespmem:s14], [sflag:$0x1] =	stream.indirect.gather [hbm4b:s2+s13], $0x80, s22, s13, $0xb8;
	[tilespmem:$0x11900] =	vst v63  }
0x27: {  	_ = 	snop  }
0x28: {  	[tilespmem:s15], [sflag:$0x1] =	stream.indirect.gather [hbm4b:s2+s13], $0x80, s23, s13, $0xb8;
	[tilespmem:$0x11900] =	vst v63  }
0x29: {  	_ =	swait.ge [sflag:s24], $0x4000  }
0x2a: {  	[sflag:s24] =	ssyncset.done $0x0  }
0x2b: {  	[sflag:s24] =	ssyncadd.s32 $0xFFFFC000  }
0x2c: {  	_ =	swait.ge [sflag:s24], $0x4000  }
0x2d: {  	[sflag:s24] =	ssyncset.done $0x0  }
0x2e: {  	[sflag:s24] =	ssyncadd.s32 $0xFFFFC000  }
0x2f: {  	[hbm4b:s9+s3] =	stream.linear.scatter [tilespmem:s17], [sflag:$0x4], $0x8000, $0x38;
	[tilespmem:$0x11900] =	vst v63  }
0x30: {  	_ =	swait.ge [sflag:s25], $0x8000  }
0x31: {  	[sflag:s25] =	ssyncset.done $0x0  }
0x32: {  	s28 =	simm.s32 $0x300;
	[sflag:s25] =	ssyncadd.s32 $0xFFFF8000  }
0x33: {  	[tilespmem:s17], [sflag:$0x2] =	stream.indirect.gather [hbm4b:s2+s13], $0x80, s28, s13, $0xb8;
	[tilespmem:$0x11900] =	vst v63  }
0x34: {  	s28 =	simm.s32 $0x380  }
0x35: {  	[tilespmem:s19], [sflag:$0x2] =	stream.indirect.gather [hbm4b:s2+s13], $0x80, s28, s13, $0xb8;
	[tilespmem:$0x11900] =	vst v63  }
0x36: {  	_ =	swait.ge [sflag:s20], $0x4000  }
0x37: {  	[sflag:s20] =	ssyncset.done $0x0  }
0x38: {  	[sflag:s20] =	ssyncadd.s32 $0xFFFFC000  }
0x39: {  	_ =	swait.ge [sflag:s20], $0x4000  }
0x3a: {  	s28 =	sshrl.u32 s10, $0x3;
	[sflag:s20] =	ssyncset.done $0x0  }
0x3b: {  	s28 =	sadd.s32 s4, s28;
	[sflag:s20] =	ssyncadd.s32 $0xFFFFC000  }
0x3c: {  	[hbm4b:s28+s3] =	stream.linear.scatter [tilespmem:s14], [sflag:$0x3], $0x8000, $0x38;
	[tilespmem:$0x11900] =	vst v63  }
0x3d: {  	_ =	swait.ge [sflag:s21], $0x8000  }
0x3e: {  	[sflag:s21] =	ssyncset.done $0x0  }
0x3f: {  	s28 =	simm.s32 $0x400;
	[sflag:s21] =	ssyncadd.s32 $0xFFFF8000  }
0x40: {  	[tilespmem:s14], [sflag:$0x1] =	stream.indirect.gather [hbm4b:s2+s13], $0x80, s28, s13, $0xb8;
	[tilespmem:$0x11900] =	vst v63  }
0x41: {  	s28 =	simm.s32 $0x480  }
0x42: {  	[tilespmem:s15], [sflag:$0x1] =	stream.indirect.gather [hbm4b:s2+s13], $0x80, s28, s13, $0xb8;
	[tilespmem:$0x11900] =	vst v63  }
0x43: {  	_ =	swait.ge [sflag:s24], $0x4000  }
0x44: {  	[sflag:s24] =	ssyncset.done $0x0  }
0x45: {  	[sflag:s24] =	ssyncadd.s32 $0xFFFFC000  }
0x46: {  	_ =	swait.ge [sflag:s24], $0x4000  }
0x47: {  	s29 =	sadd.s32 $0x10000, s10;
	s30 =	sadd.s32 $0x2000, s11;
	[sflag:s24] =	ssyncset.done $0x0  }
0x48: {  	s31 =	smov.u32 s11;
	s28 =	simm.s32 $0x800;
	[sflag:s24] =	ssyncadd.s32 $0xFFFFC000  }
.LBB2_2:
0x49: {  	[hbm4b:s31+s3] =	stream.linear.scatter [tilespmem:s17], [sflag:$0x4], $0x8000, $0x38;
	[tilespmem:$0x11900] =	vst v63  }
0x4a: {  	s1 =	smov.u32 s28;
	s31 =	smov.u32 s30  }
0x4b: {  	p0 =	sne.s32 s28, $0x5000;
	s28 =	sadd.s32 $0x800, s28;
	_ =	swait.ge [sflag:s25], $0x8000  }
0x4c: {  	s1 =	sshra.s32 s1, $0x2;
	[sflag:s25] =	ssyncset.done $0x0  }
0x4d: {  	s0 =	sadd.s32 $0x300, s1;
	[sflag:s25] =	ssyncadd.s32 $0xFFFF8000  }
0x4e: {  	[tilespmem:s17], [sflag:$0x2] =	stream.indirect.gather [hbm4b:s2+s13], $0x80, s0, s13, $0xb8;
	[tilespmem:$0x11900] =	vst v63  }
0x4f: {  	s0 =	sadd.s32 $0x380, s1  }
0x50: {  	[tilespmem:s19], [sflag:$0x2] =	stream.indirect.gather [hbm4b:s2+s13], $0x80, s0, s13, $0xb8;
	[tilespmem:$0x11900] =	vst v63  }
0x51: {  	_ =	swait.ge [sflag:s20], $0x4000  }
0x52: {  	[sflag:s20] =	ssyncset.done $0x0  }
0x53: {  	[sflag:s20] =	ssyncadd.s32 $0xFFFFC000  }
0x54: {  	_ =	swait.ge [sflag:s20], $0x4000  }
0x55: {  	s0 =	sshrl.u32 s29, $0x3;
	[sflag:s20] =	ssyncset.done $0x0  }
0x56: {  	s0 =	sadd.s32 s4, s0;
	[sflag:s20] =	ssyncadd.s32 $0xFFFFC000  }
0x57: {  	[hbm4b:s0+s3] =	stream.linear.scatter [tilespmem:s14], [sflag:$0x3], $0x8000, $0x38;
	[tilespmem:$0x11900] =	vst v63  }
0x58: {  	_ =	swait.ge [sflag:s21], $0x8000  }
0x59: {  	[sflag:s21] =	ssyncset.done $0x0  }
0x5a: {  	s0 =	sadd.s32 $0x400, s1;
	[sflag:s21] =	ssyncadd.s32 $0xFFFF8000  }
0x5b: {  	[tilespmem:s14], [sflag:$0x1] =	stream.indirect.gather [hbm4b:s2+s13], $0x80, s0, s13, $0xb8;
	[tilespmem:$0x11900] =	vst v63  }
0x5c: {  	s0 =	sadd.s32 $0x480, s1  }
0x5d: {  	[tilespmem:s15], [sflag:$0x1] =	stream.indirect.gather [hbm4b:s2+s13], $0x80, s0, s13, $0xb8;
	[tilespmem:$0x11900] =	vst v63  }
0x5e: {  	_ =	swait.ge [sflag:s24], $0x4000  }
.Ltmp0:
0x5f: {  	[sflag:s24] =	ssyncset.done $0x0;
	(pc) =	sbr.rel @p0 .LBB2_2-.Ltmp0, $4  }
0x60: {  	[sflag:s24] =	ssyncadd.s32 $0xFFFFC000  }
0x61: {  	_ =	swait.ge [sflag:s24], $0x4000  }
0x62: {  	[sflag:s24] =	ssyncset.done $0x0  }
0x63: {  	s30 =	sadd.s32 $0x2000, s30;
	s29 =	sadd.s32 $0x10000, s29;
	[sflag:s24] =	ssyncadd.s32 $0xFFFFC000  }
0x64: {  	[hbm4b:s31+s3] =	stream.linear.scatter [tilespmem:s17], [sflag:$0x4], $0x8000, $0x38;
	[tilespmem:$0x11900] =	vst v63  }
0x65: {  	_ =	swait.ge [sflag:s25], $0x8000  }
0x66: {  	[sflag:s25] =	ssyncset.done $0x0  }
0x67: {  	[sflag:s25] =	ssyncadd.s32 $0xFFFF8000  }
0x68: {  	_ =	swait.ge [sflag:s20], $0x4000  }
0x69: {  	[sflag:s20] =	ssyncset.done $0x0  }
0x6a: {  	[sflag:s20] =	ssyncadd.s32 $0xFFFFC000  }
0x6b: {  	s26 =	sadd.s32 $0x1, s26;
	_ =	swait.ge [sflag:s20], $0x4000  }
0x6c: {  	p0 =	sne.s32 s26, s8;
	[sflag:s20] =	ssyncset.done $0x0  }
.Ltmp1:
0x6d: {  	[sflag:s20] =	ssyncadd.s32 $0xFFFFC000;
	(pc) =	sbr.rel @p0 .LBB2_1-.Ltmp1, $4  }
0x6e: {  	[hbm4b:s7+s3] =	stream.linear.scatter [tilespmem:s14], [sflag:$0x3], $0x8000, $0x38;
	[tilespmem:$0x11900] =	vst v63  }
0x6f: {  	_ =	swait.ge [sflag:s21], $0x8000  }
0x70: {  	[sflag:s21] =	ssyncset.done $0x0  }
0x71: {  	[sflag:s21] =	ssyncadd.s32 $0xFFFF8000  }
0x72: {  	_ =	sfence.sel $0x180000  }
0x73: {  	[bflag:$0x0] =	sbarrier.arrive $0xFFFF  }
0x74: {  	_ =	strace $0x90000047  }
0x75: {  	s0 =	stileid.u32;
	[bflag:$0x2] =	sbarrier.arrive $0xFFFF  }
0x76: {  	p0 =	sne.s32 s0, $0x0;
	s0 =	rddreg [dreg:$0x2]  }
0x77: {  	s0 =	sadd.s32 @!p0 $0x100000, s0  }
0x78: {  	[sflag:s0] =	ssyncadd.tile.s32 @!p0 $0x1;
	_ =	shalt  }
.Lfunc_end2:
_tile_overlayer_lowered:
.L_overlay_start_2:
0x79: {  	(tag) =	ssettag $0x2  }
0x7a: {  	s0 =	rddreg [dreg:$0x0];
	s2 =	stileid.u32  }
0x7b: {  	s1 =	rddreg [dreg:$0x1];
	p0 =	sne.s32 s2, $0x0  }
0x7c: {  	s3 =	rddreg [dreg:$0x2];
	[bflag:$0x3] =	sbarrier.arrive $0xFFFF;
	s2 =	simm.s32 @!p0 $0x1C05  }
0x7d: {  	[timem:s3], [sflag:s2] =	dma.local @!p0 [hbm:s0], s1  }
0x7e: {  	s0 =	simm.s32 @!p0 $0x5  }
0x7f: {  	_ =	swait.ge @!p0 [sflag:s0], s1  }
0x80: {  	s1 =	ssub.s32 @!p0 $0x0, s1;
	[sflag:s0] =	ssyncset.done @!p0 $0x0  }
0x81: {  	[sflag:s0] =	ssyncadd.s32 @!p0 s1  }
0x82: {  	[bflag:$0x3] =	sbarrier.arrive $0xFFFF  }
0x83: {  	_ =	shalt  }

// kernel: kernel.14.cloned.1.call-start
scs
__scs_entry_jumppad:
0x0: {  	(pc) =	sbr.rel $0x88, $3  }
0x1: {  	(tag) =	ssettag $0x0;
	lr =	simm.s32 $0x1  }
0x2: {  	[smem:$0x3F95] =	sst lr;
	_ =	strace $0xD0000000  }
0x3: {  	_ = 	snop  }
0x4: {  	_ = 	snop  }
0x5: {  	_ = 	snop  }
0x6: {  	_ = 	snop  }
0x7: {  	_ = 	snop  }
__scs_overlays_trampoline_lowered:
0x8: {  	[smem:$0x3FA4] =	sst s0  }
0x9: {  	[smem:$0x3FA5] =	sst s1  }
0xa: {  	[smem:$0x3FA6] =	sst s2  }
0xb: {  	[smem:$0x3FA7] =	sst s3  }
0xc: {  	[smem:$0x3FA8] =	sst s4  }
0xd: {  	[smem:$0x3FA9] =	sst s5  }
0xe: {  	[smem:$0x3FAA] =	sst s6  }
0xf: {  	[smem:$0x3FAB] =	sst s7  }
0x10: {  	[smem:$0x3FAC] =	sst s8  }
0x11: {  	[smem:$0x3FAD] =	sst s9;
	s0 =	simm.s32 @!p0 $0x0  }
0x12: {  	s1 =	sld [smem:$0x3F93];
	s0 =	simm.s32 @p0 $0x1  }
0x13: {  	[smem:$0x3FAE] =	sst s0;
	s0 =	simm.s32 @!p1 $0x0  }
0x14: {  	s2 =	sld [smem:$0x3F92];
	s0 =	simm.s32 @p1 $0x1  }
0x15: {  	[smem:$0x3FAF] =	sst s0;
	s0 =	simm.s32 @!p2 $0x0  }
0x16: {  	s3 =	sld [smem:$0x3FDB];
	s0 =	simm.s32 @p2 $0x1  }
0x17: {  	s4 =	simm.s32 $0x1BF5;
	[smem:$0x3FB1] =	sst s0  }
0x18: {  	s0 =	sld [smem:$0x3F94];
	_ =	swait.ge [sflag:s4], $0x0  }
0x19: {  	s7 =	sld [smem:$0x3F95]  }
0x1a: {  	s8 =	sadd.s32 $0xFFFFE003, lr  }
0x1b: {  	s9 =	sadd.s32 $0xFFFFFEF7, lr;
	s5 =	simm.s32 $0xFFFFFFFF;
	p2 =	slt.u32 s8, $0xFFFFF086  }
0x1c: {  	p1 =	slt.u32 s9, $0xF7A;
	s5 =	simm.s32 @!p2 $0x0  }
0x1d: {  	s5 =	simm.s32 @p1 $0x1;
	p0 =	seq.s32 s7, s2  }
0x1e: {  	s7 =	smul.u32 @!p0 $0xF7A, s2;
	p2 =	seq.s32 @!p0 s5, $0x0  }
0x1f: {  	s9 =	smul.u32 $0xF7A, s1;
	s8 =	simm.s32 @!p0 $0x1BF5;
	p2 =	por !p2, p0  }
0x20: {  	[sflag:s8] =	ssyncset.s32 @!p0 $0xFFFFF086;
	s6 =	sadd.s32 @!p0 s3, s7;
	s7 =	simm.s32 @!p0 $0x108  }
0x21: {  	s3 =	sadd.s32 s3, s9;
	s6 =	sadd.s32 @!p0 $0x88, s6;
	s7 =	simm.s32 @p2 $0x1082  }
0x22: {  	[simem:s7], [sflag:s8] =	dma.local @!p0 [hbm:s6], $0xF7A  }
0x23: {  	s9 =	sor.u32 $0xD0000000, s2;
	s6 =	simm.s32 $0x108;
	_ =	swait.ge @!p0 [sflag:s8], $0x0  }
0x24: {  	s3 =	sadd.s32 $0x88, s3;
	s6 =	simm.s32 @!p1 $0x1082;
	[sflag:s4] =	ssyncset.s32 $0xFFFFF086  }
0x25: {  	[simem:s6], [sflag:s4] =	dma.local [hbm:s3], $0xF7A  }
0x26: {  	[smem:$0x3F95] =	sst s1;
	(tag) =	ssettag s2;
	_ =	strace s9  }
0x27: {  	s1 =	sld [smem:$0x3FA5]  }
0x28: {  	s2 =	sld [smem:$0x3FA6]  }
0x29: {  	s4 =	sld [smem:$0x3FA8]  }
0x2a: {  	p0 =	seq.s32 s5, $0x0;
	s5 =	sld [smem:$0x3FA9]  }
0x2b: {  	s6 =	sld [smem:$0x3FAA]  }
0x2c: {  	s7 =	sld [smem:$0x3FAB]  }
0x2d: {  	s3 =	simm.s32 $0x108;
	s8 =	sld [smem:$0x3FAC]  }
0x2e: {  	s3 =	simm.s32 @!p0 $0x1082;
	s9 =	sld [smem:$0x3FAD]  }
0x2f: {  	lr =	sadd.s32 s0, s3;
	s0 =	sld [smem:$0x3FA4]  }
0x30: {  	s3 =	sld [smem:$0x3FA7]  }
0x31: {  	[smem:$0x3FB0] =	sst s10  }
0x32: {  	s10 =	sld [smem:$0x3FAE];
	_ =	sdelay $0x3  }
0x33: {  	p0 =	seq.s32 s10, $0x1;
	s10 =	sld [smem:$0x3FB0];
	_ =	sdelay $0x3  }
0x34: {  	[smem:$0x3FB0] =	sst s10  }
0x35: {  	s10 =	sld [smem:$0x3FAF];
	_ =	sdelay $0x3  }
0x36: {  	p1 =	seq.s32 s10, $0x1;
	s10 =	sld [smem:$0x3FB0];
	_ =	sdelay $0x3  }
0x37: {  	[smem:$0x3FB0] =	sst s10  }
0x38: {  	s10 =	sld [smem:$0x3FB1]  }
0x39: {  	_ = 	snop;
	(pc) =	sbr.ind lr, $3  }
0x3a: {  	_ = 	snop  }
0x3b: {  	_ = 	snop  }
0x3c: {  	p2 =	seq.s32 s10, $0x1;
	s10 =	sld [smem:$0x3FB0]  }
0x3d: {  	_ =	shalt  }
0x3e: {  	_ =	shalt  }
0x3f: {  	_ =	shalt  }
0x40: {  	_ =	shalt  }
0x41: {  	_ =	shalt  }
0x42: {  	_ =	shalt  }
0x43: {  	_ =	shalt  }
0x44: {  	_ =	shalt  }
0x45: {  	_ =	shalt  }
0x46: {  	_ =	shalt  }
0x47: {  	_ =	shalt  }
0x48: {  	_ =	shalt  }
0x49: {  	_ =	shalt  }
0x4a: {  	_ =	shalt  }
0x4b: {  	_ =	shalt  }
0x4c: {  	_ =	shalt  }
0x4d: {  	_ =	shalt  }
0x4e: {  	_ =	shalt  }
0x4f: {  	_ =	shalt  }
0x50: {  	_ =	shalt  }
0x51: {  	_ =	shalt  }
0x52: {  	_ =	shalt  }
0x53: {  	_ =	shalt  }
0x54: {  	_ =	shalt  }
0x55: {  	_ =	shalt  }
0x56: {  	_ =	shalt  }
0x57: {  	_ =	shalt  }
0x58: {  	_ =	shalt  }
0x59: {  	_ =	shalt  }
0x5a: {  	_ =	shalt  }
0x5b: {  	_ =	shalt  }
0x5c: {  	_ =	shalt  }
0x5d: {  	_ =	shalt  }
0x5e: {  	_ =	shalt  }
0x5f: {  	_ =	shalt  }
0x60: {  	_ =	shalt  }
0x61: {  	_ =	shalt  }
0x62: {  	_ =	shalt  }
0x63: {  	_ =	shalt  }
0x64: {  	_ =	shalt  }
0x65: {  	_ =	shalt  }
0x66: {  	_ =	shalt  }
0x67: {  	_ =	shalt  }
0x68: {  	_ =	shalt  }
0x69: {  	_ =	shalt  }
0x6a: {  	_ =	shalt  }
0x6b: {  	_ =	shalt  }
0x6c: {  	_ =	shalt  }
0x6d: {  	_ =	shalt  }
0x6e: {  	_ =	shalt  }
0x6f: {  	_ =	shalt  }
0x70: {  	_ =	shalt  }
0x71: {  	_ =	shalt  }
0x72: {  	_ =	shalt  }
0x73: {  	_ =	shalt  }
0x74: {  	_ =	shalt  }
0x75: {  	_ =	shalt  }
0x76: {  	_ =	shalt  }
0x77: {  	_ =	shalt  }
0x78: {  	_ =	shalt  }
0x79: {  	_ =	shalt  }
0x7a: {  	_ =	shalt  }
0x7b: {  	_ =	shalt  }
0x7c: {  	_ =	shalt  }
0x7d: {  	_ =	shalt  }
0x7e: {  	_ =	shalt  }
0x7f: {  	_ =	shalt  }
0x80: {  	_ =	shalt  }
0x81: {  	_ =	shalt  }
0x82: {  	_ =	shalt  }
0x83: {  	_ =	shalt  }
0x84: {  	_ =	shalt  }
0x85: {  	_ =	shalt  }
0x86: {  	_ =	shalt  }
0x87: {  	_ =	shalt  }
.Lfunc_end0:
.L_simem_size_0:
called_computation.1_lowered:
.L_overlay_start_0:
0x88: {  	s2 =	sld [smem:$0x3FD9]  }
0x89: {  	s3 =	sld [smem:$0x3FFE];
	_ =	sdelay $0x1  }
0x8a: {  	s1 =	srdreg.scid  }
0x8b: {  	s0 =	sand.u32 $0x1, s1  }
0x8c: {  	s17 =	sshll.u32 s0, $0xA;
	s2 =	sadd.s32 s3, s2  }
0x8d: {  	s2 =	sadd.s32 s2, s17  }
0x8e: {  	[smem:$0x3FBC] =	sst s2  }
0x8f: {  	_ = 	snop  }
0x90: {  	s18 =	sld [smem:$0x3FC8];
	(tm) =	ssettm $0x1  }
0x91: {  	s19 =	sld [smem:$0x3FFB];
	_ =	sdelay $0x3  }
0x92: {  	_ =	strace s19  }
0x93: {  	s2 =	sld [smem:$0x3FFC];
	_ =	sdelay $0x3  }
0x94: {  	_ =	strace s2  }
0x95: {  	s2 =	sld [smem:$0x3FFD];
	_ =	sdelay $0x3  }
0x96: {  	_ =	strace s2  }
0x97: {  	_ =	strace $0x8FFFFFFF  }
0x98: {  	s20 =	sld [smem:$0x3FDB];
	_ =	sdelay $0x1  }
0x99: {  	s4 =	simm.s32 $_scs_section_size  }
0x9a: {  	s5 =	simm.s32 $_size__tile_overlayer_lowered;
	s6 =	simm.s32 $_tile_overlayer_lowered  }
0x9b: {  	s7 =	simm.s32 $0x1BFF;
	s21 =	sshll.u32 s6, $0x1;
	s4 =	sadd.s32 s4, s20  }
0x9c: {  	s22 =	simm.s32 $0x0;
	s5 =	sshll.u32 s5, $0x1;
	s6 =	sadd.s32 s21, s4  }
0x9d: {  	[timem:s22], [sflag:s7] =	dma.local [hbm:s6], s5  }
0x9e: {  	_ =	swait.ge [sflag:s7], s5  }
0x9f: {  	s5 =	ssub.s32 $0x0, s5;
	[sflag:s7] =	ssyncset.done $0x0  }
0xa0: {  	[sflag:s7] =	ssyncadd.s32 s5;
	_ =	sdelay $0x1  }
0xa1: {  	s23 =	simm.s32 $0x1B8B  }
0xa2: {  	_ =	swait.ge [sflag:s23], $0x1  }
0xa3: {  	[sflag:s23] =	ssyncset.done $0x0  }
0xa4: {  	[sflag:s23] =	ssyncadd.s32 $0xFFFFFFFF  }
0xa5: {  	s5 =	sld [smem:$0x0]  }
0xa6: {  	s6 =	sand.u32 $0xFFFFFFFE, s1  }
0xa7: {  	p0 =	sne.s32 s1, s6  }
0xa8: {  	s6 =	sshll.u32 @p0 s6, $0xE  }
0xa9: {  	s6 =	sadd.s32 @p0 $0x11B8D, s6;
	s7 =	sshll.u32 @p0 s5, $0x11  }
0xaa: {  	s6 =	sor.u32 @p0 s7, s6  }
0xab: {  	[sflag:s6] =	ssyncadd.remote.s32 @p0 $0x1;
	_ =	sdelay $0x1  }
0xac: {  	s6 =	simm.s32 @p0 $0x1B8D  }
0xad: {  	_ =	swait.eq @p0 [sflag:s6], $0x1  }
0xae: {  	[sflag:s6] =	ssyncadd.s32 @p0 $0xFFFFFFFF  }
0xaf: {  	s7 =	sshll.u32 @!p0 s1, $0xE  }
0xb0: {  	s7 =	sor.u32 @!p0 $0x4000, s7;
	s6 =	simm.s32 @!p0 $0x1B8D  }
0xb1: {  	s5 =	sshll.u32 @!p0 s5, $0x11;
	s7 =	sadd.s32 @!p0 $0x11B8D, s7;
	_ =	swait.eq @!p0 [sflag:s6], $0x1  }
0xb2: {  	s5 =	sor.u32 @!p0 s5, s7;
	[sflag:s6] =	ssyncadd.s32 @!p0 $0xFFFFFFFF  }
0xb3: {  	s25 =	simm.s32 $0x1B8E;
	s24 =	sld [smem:$0x3FFE];
	[sflag:s5] =	ssyncadd.remote.s32 @!p0 $0x1  }
0xb4: {  	s26 =	simm.s32 $execute0_lowered;
	[smem:$0x3FD2] =	sst s25  }
0xb5: {  	s6 =	sshll.u32 s26, $0x1;
	_ =	strace $0x8000004F;
	[dreg:$0x1] =	wrdreg $0xFFFFFFFF  }
0xb6: {  	s28 =	simm.s32 $_size_execute0_lowered;
	s4 =	sadd.s32 s4, s6;
	[dreg:$0x0] =	wrdreg $0x0  }
0xb7: {  	s6 =	sshll.u32 s28, $0x1;
	[dreg:$0x2] =	wrdreg s4  }
0xb8: {  	[dreg:$0x3] =	wrdreg s6  }
0xb9: {  	[dreg:$0x4] =	wrdreg $0xC0  }
0xba: {  	_ =	task [dreg:s22], $0x5FFFF  }
0xbb: {  	[dreg:$0x1] =	wrdreg $0xFFFFFFFF  }
0xbc: {  	[dreg:$0x0] =	wrdreg $0x60  }
0xbd: {  	[dreg:$0x2] =	wrdreg s18  }
0xbe: {  	[dreg:$0x3] =	wrdreg s24  }
0xbf: {  	[dreg:$0x4] =	wrdreg $0xA  }
0xc0: {  	_ =	task.clear_ibuf [dreg:s22], $0x5FFFF;
	_ =	strace $0x9000004F  }
0xc1: {  	s29 =	simm.s32 $0xA;
	_ =	strace $0x80000051  }
0xc2: {  	_ =	swait.ge [sflag:s29], $0x1  }
0xc3: {  	[sflag:s29] =	ssyncadd.s32 $0xFFFFFFFF  }
0xc4: {  	_ =	strace $0x90000051  }
0xc5: {  	_ =	sfence  }
0xc6: {  	s30 =	sld [smem:$0x0];
	_ =	sdelay $0x2  }
0xc7: {  	s31 =	sshll.u32 s1, $0xD;
	s1 =	sshrl.u32 s1, $0x2  }
0xc8: {  	s4 =	sand.u32 $0x4000, s31;
	s1 =	sadd.s32 s1, s30  }
0xc9: {  	s0 =	sor.u32 s4, s0;
	s1 =	sshll.u32 s1, $0x11  }
0xca: {  	s0 =	sor.u32 s1, s0  }
0xcb: {  	s0 =	sadd.s32 $0x8F2B, s0  }
0xcc: {  	[sflag:s0] =	ssyncadd.remote.s32 $0x1  }
0xcd: {  	_ =	sfence.sel $0xFFFF  }
0xce: {  	[dreg:$0x0] =	wrdreg $0xFFFFFFFF;
	(pc) =	sbr.abs _section_cstart, $3  }
0xcf: {  	[dreg:$0x1] =	wrdreg $0xFFFFFFFF  }
0xd0: {  	_ =	task.clear_ibuf [dreg:s22], $0x2FFFF;
	_ =	strace $0x9FFFFFFF  }
0xd1: {  	(tm) =	ssettm $0x7FFFFFFF  }
tec
execute0_lowered:
.L_overlay_start_1:
0x0: {  	(tag) =	ssettag $0x1  }
0x1: {  	s1 =	srdreg.scid  }
0x2: {  	s0 =	stileid.u32;
	s2 =	rddreg [dreg:$0x0]  }
0x3: {  	s6 =	rddreg [dreg:$0x1];
	s3 =	simm.s32 $0x0;
	s12 =	simm.s32 $0x5  }
0x4: {  	s13 =	simm.s32 $0x80;
	s14 =	simm.s32 $0x1900;
	s15 =	simm.s32 $0x5900  }
0x5: {  	s16 =	simm.s32 $0x100;
	s17 =	simm.s32 $0x9900;
	s18 =	simm.s32 $0x180  }
0x6: {  	s19 =	simm.s32 $0xD900;
	s20 =	simm.s32 $0x1;
	s21 =	simm.s32 $0x3  }
0x7: {  	s22 =	simm.s32 $0x200;
	s23 =	simm.s32 $0x280;
	s24 =	simm.s32 $0x2  }
0x8: {  	s4 =	sand.u32 $0x1, s1;
	s29 =	sshll.u32 s0, $0x1;
	s8 =	smul.u32 $0x190000, s0  }
0x9: {  	s25 =	simm.s32 $0x4;
	s5 =	sor.u32 s4, s29;
	s10 =	smul.u32 $0xC8000, s4  }
0xa: {  	s26 =	simm.s32 $0x0;
	s9 =	ssub.s32 $0x2, s4;
	s7 =	smul.u32 $0x320, s5  }
0xb: {  	[smem:$0x7FF] =	sst s3;
	s5 =	smul.u32 $0xC8000, s5;
	s30 =	sshrl.u32 s9, $0x1  }
0xc: {  	_ =	strace $0x80000050;
	s4 =	sadd.s32 $0x97B800, s6;
	s9 =	ssub.s32 s9, s30  }
0xd: {  	s10 =	sadd.s32 s10, s8;
	s7 =	sadd.s32 s7, s6;
	s31 =	sshrl.u32 s5, $0x3  }
0xe: {  	s11 =	sadd.s32 $0x18000, s10;
	s8 =	smax.u32 s9, $0x1;
	s10 =	sadd.s32 $0x10000, s10  }
0xf: {  	s5 =	sadd.s32 $0xF000, s7;
	s6 =	sadd.s32 s4, s31;
	s11 =	sshrl.u32 s11, $0x3  }
0x10: {  	s7 =	sadd.s32 $0x18000, s6;
	s9 =	sadd.s32 $0x1000, s6;
	s11 =	sadd.s32 s11, s4  }
.LBB2_1:
0x11: {  	[tilespmem:s3], [sflag:$0x5] =	stream.linear.gather [hbm4b:s5+s3], $0x1900, $0x38;
	[tilespmem:$0x11900] =	vst v63  }
0x12: {  	_ =	swait.ge [sflag:s12], $0x1900  }
0x13: {  	[sflag:s12] =	ssyncset.done $0x0  }
0x14: {  	[sflag:s12] =	ssyncadd.s32 $0xFFFFE700  }
0x15: {  	[tilespmem:s14], [sflag:$0x1] =	stream.indirect.gather [hbm4b:s2+s13], $0x80, s3, s13, $0xb8;
	[tilespmem:$0x11900] =	vst v63  }
0x16: {  	_ = 	snop  }
0x17: {  	[tilespmem:s15], [sflag:$0x1] =	stream.indirect.gather [hbm4b:s2+s13], $0x80, s13, s13, $0xb8;
	[tilespmem:$0x11900] =	vst v63  }
0x18: {  	_ = 	snop  }
0x19: {  	[tilespmem:s17], [sflag:$0x2] =	stream.indirect.gather [hbm4b:s2+s13], $0x80, s16, s13, $0xb8;
	[tilespmem:$0x11900] =	vst v63  }
0x1a: {  	_ = 	snop  }
0x1b: {  	[tilespmem:s19], [sflag:$0x2] =	stream.indirect.gather [hbm4b:s2+s13], $0x80, s18, s13, $0xb8;
	[tilespmem:$0x11900] =	vst v63  }
0x1c: {  	_ =	swait.ge [sflag:s20], $0x4000  }
0x1d: {  	[sflag:s20] =	ssyncset.done $0x0  }
0x1e: {  	[sflag:s20] =	ssyncadd.s32 $0xFFFFC000  }
0x1f: {  	_ =	swait.ge [sflag:s20], $0x4000  }
0x20: {  	[sflag:s20] =	ssyncset.done $0x0  }
0x21: {  	[sflag:s20] =	ssyncadd.s32 $0xFFFFC000  }
0x22: {  	[hbm4b:s6+s3] =	stream.linear.scatter [tilespmem:s14], [sflag:$0x3], $0x8000, $0x38;
	[tilespmem:$0x11900] =	vst v63  }
0x23: {  	_ =	swait.ge [sflag:s21], $0x8000  }
0x24: {  	[sflag:s21] =	ssyncset.done $0x0  }
0x25: {  	[sflag:s21] =	ssyncadd.s32 $0xFFFF8000  }
0x26: {  	[tilespmem:s14], [sflag:$0x1] =	stream.indirect.gather [hbm4b:s2+s13], $0x80, s22, s13, $0xb8;
	[tilespmem:$0x11900] =	vst v63  }
0x27: {  	_ = 	snop  }
0x28: {  	[tilespmem:s15], [sflag:$0x1] =	stream.indirect.gather [hbm4b:s2+s13], $0x80, s23, s13, $0xb8;
	[tilespmem:$0x11900] =	vst v63  }
0x29: {  	_ =	swait.ge [sflag:s24], $0x4000  }
0x2a: {  	[sflag:s24] =	ssyncset.done $0x0  }
0x2b: {  	[sflag:s24] =	ssyncadd.s32 $0xFFFFC000  }
0x2c: {  	_ =	swait.ge [sflag:s24], $0x4000  }
0x2d: {  	[sflag:s24] =	ssyncset.done $0x0  }
0x2e: {  	[sflag:s24] =	ssyncadd.s32 $0xFFFFC000  }
0x2f: {  	[hbm4b:s9+s3] =	stream.linear.scatter [tilespmem:s17], [sflag:$0x4], $0x8000, $0x38;
	[tilespmem:$0x11900] =	vst v63  }
0x30: {  	_ =	swait.ge [sflag:s25], $0x8000  }
0x31: {  	[sflag:s25] =	ssyncset.done $0x0  }
0x32: {  	s28 =	simm.s32 $0x300;
	[sflag:s25] =	ssyncadd.s32 $0xFFFF8000  }
0x33: {  	[tilespmem:s17], [sflag:$0x2] =	stream.indirect.gather [hbm4b:s2+s13], $0x80, s28, s13, $0xb8;
	[tilespmem:$0x11900] =	vst v63  }
0x34: {  	s28 =	simm.s32 $0x380  }
0x35: {  	[tilespmem:s19], [sflag:$0x2] =	stream.indirect.gather [hbm4b:s2+s13], $0x80, s28, s13, $0xb8;
	[tilespmem:$0x11900] =	vst v63  }
0x36: {  	_ =	swait.ge [sflag:s20], $0x4000  }
0x37: {  	[sflag:s20] =	ssyncset.done $0x0  }
0x38: {  	[sflag:s20] =	ssyncadd.s32 $0xFFFFC000  }
0x39: {  	_ =	swait.ge [sflag:s20], $0x4000  }
0x3a: {  	s28 =	sshrl.u32 s10, $0x3;
	[sflag:s20] =	ssyncset.done $0x0  }
0x3b: {  	s28 =	sadd.s32 s4, s28;
	[sflag:s20] =	ssyncadd.s32 $0xFFFFC000  }
0x3c: {  	[hbm4b:s28+s3] =	stream.linear.scatter [tilespmem:s14], [sflag:$0x3], $0x8000, $0x38;
	[tilespmem:$0x11900] =	vst v63  }
0x3d: {  	_ =	swait.ge [sflag:s21], $0x8000  }
0x3e: {  	[sflag:s21] =	ssyncset.done $0x0  }
0x3f: {  	s28 =	simm.s32 $0x400;
	[sflag:s21] =	ssyncadd.s32 $0xFFFF8000  }
0x40: {  	[tilespmem:s14], [sflag:$0x1] =	stream.indirect.gather [hbm4b:s2+s13], $0x80, s28, s13, $0xb8;
	[tilespmem:$0x11900] =	vst v63  }
0x41: {  	s28 =	simm.s32 $0x480  }
0x42: {  	[tilespmem:s15], [sflag:$0x1] =	stream.indirect.gather [hbm4b:s2+s13], $0x80, s28, s13, $0xb8;
	[tilespmem:$0x11900] =	vst v63  }
0x43: {  	_ =	swait.ge [sflag:s24], $0x4000  }
0x44: {  	[sflag:s24] =	ssyncset.done $0x0  }
0x45: {  	[sflag:s24] =	ssyncadd.s32 $0xFFFFC000  }
0x46: {  	_ =	swait.ge [sflag:s24], $0x4000  }
0x47: {  	s29 =	sadd.s32 $0x10000, s10;
	s30 =	sadd.s32 $0x2000, s11;
	[sflag:s24] =	ssyncset.done $0x0  }
0x48: {  	s31 =	smov.u32 s11;
	s28 =	simm.s32 $0x800;
	[sflag:s24] =	ssyncadd.s32 $0xFFFFC000  }
.LBB2_2:
0x49: {  	[hbm4b:s31+s3] =	stream.linear.scatter [tilespmem:s17], [sflag:$0x4], $0x8000, $0x38;
	[tilespmem:$0x11900] =	vst v63  }
0x4a: {  	s1 =	smov.u32 s28;
	s31 =	smov.u32 s30  }
0x4b: {  	p0 =	sne.s32 s28, $0x5000;
	s28 =	sadd.s32 $0x800, s28;
	_ =	swait.ge [sflag:s25], $0x8000  }
0x4c: {  	s1 =	sshra.s32 s1, $0x2;
	[sflag:s25] =	ssyncset.done $0x0  }
0x4d: {  	s0 =	sadd.s32 $0x300, s1;
	[sflag:s25] =	ssyncadd.s32 $0xFFFF8000  }
0x4e: {  	[tilespmem:s17], [sflag:$0x2] =	stream.indirect.gather [hbm4b:s2+s13], $0x80, s0, s13, $0xb8;
	[tilespmem:$0x11900] =	vst v63  }
0x4f: {  	s0 =	sadd.s32 $0x380, s1  }
0x50: {  	[tilespmem:s19], [sflag:$0x2] =	stream.indirect.gather [hbm4b:s2+s13], $0x80, s0, s13, $0xb8;
	[tilespmem:$0x11900] =	vst v63  }
0x51: {  	_ =	swait.ge [sflag:s20], $0x4000  }
0x52: {  	[sflag:s20] =	ssyncset.done $0x0  }
0x53: {  	[sflag:s20] =	ssyncadd.s32 $0xFFFFC000  }
0x54: {  	_ =	swait.ge [sflag:s20], $0x4000  }
0x55: {  	s0 =	sshrl.u32 s29, $0x3;
	[sflag:s20] =	ssyncset.done $0x0  }
0x56: {  	s0 =	sadd.s32 s4, s0;
	[sflag:s20] =	ssyncadd.s32 $0xFFFFC000  }
0x57: {  	[hbm4b:s0+s3] =	stream.linear.scatter [tilespmem:s14], [sflag:$0x3], $0x8000, $0x38;
	[tilespmem:$0x11900] =	vst v63  }
0x58: {  	_ =	swait.ge [sflag:s21], $0x8000  }
0x59: {  	[sflag:s21] =	ssyncset.done $0x0  }
0x5a: {  	s0 =	sadd.s32 $0x400, s1;
	[sflag:s21] =	ssyncadd.s32 $0xFFFF8000  }
0x5b: {  	[tilespmem:s14], [sflag:$0x1] =	stream.indirect.gather [hbm4b:s2+s13], $0x80, s0, s13, $0xb8;
	[tilespmem:$0x11900] =	vst v63  }
0x5c: {  	s0 =	sadd.s32 $0x480, s1  }
0x5d: {  	[tilespmem:s15], [sflag:$0x1] =	stream.indirect.gather [hbm4b:s2+s13], $0x80, s0, s13, $0xb8;
	[tilespmem:$0x11900] =	vst v63  }
0x5e: {  	_ =	swait.ge [sflag:s24], $0x4000  }
.Ltmp0:
0x5f: {  	[sflag:s24] =	ssyncset.done $0x0;
	(pc) =	sbr.rel @p0 .LBB2_2-.Ltmp0, $4  }
0x60: {  	[sflag:s24] =	ssyncadd.s32 $0xFFFFC000  }
0x61: {  	_ =	swait.ge [sflag:s24], $0x4000  }
0x62: {  	[sflag:s24] =	ssyncset.done $0x0  }
0x63: {  	s30 =	sadd.s32 $0x2000, s30;
	s29 =	sadd.s32 $0x10000, s29;
	[sflag:s24] =	ssyncadd.s32 $0xFFFFC000  }
0x64: {  	[hbm4b:s31+s3] =	stream.linear.scatter [tilespmem:s17], [sflag:$0x4], $0x8000, $0x38;
	[tilespmem:$0x11900] =	vst v63  }
0x65: {  	_ =	swait.ge [sflag:s25], $0x8000  }
0x66: {  	[sflag:s25] =	ssyncset.done $0x0  }
0x67: {  	[sflag:s25] =	ssyncadd.s32 $0xFFFF8000  }
0x68: {  	_ =	swait.ge [sflag:s20], $0x4000  }
0x69: {  	[sflag:s20] =	ssyncset.done $0x0  }
0x6a: {  	[sflag:s20] =	ssyncadd.s32 $0xFFFFC000  }
0x6b: {  	s26 =	sadd.s32 $0x1, s26;
	_ =	swait.ge [sflag:s20], $0x4000  }
0x6c: {  	p0 =	sne.s32 s26, s8;
	[sflag:s20] =	ssyncset.done $0x0  }
.Ltmp1:
0x6d: {  	[sflag:s20] =	ssyncadd.s32 $0xFFFFC000;
	(pc) =	sbr.rel @p0 .LBB2_1-.Ltmp1, $4  }
0x6e: {  	[hbm4b:s7+s3] =	stream.linear.scatter [tilespmem:s14], [sflag:$0x3], $0x8000, $0x38;
	[tilespmem:$0x11900] =	vst v63  }
0x6f: {  	_ =	swait.ge [sflag:s21], $0x8000  }
0x70: {  	[sflag:s21] =	ssyncset.done $0x0  }
0x71: {  	[sflag:s21] =	ssyncadd.s32 $0xFFFF8000  }
0x72: {  	_ =	sfence.sel $0x180000  }
0x73: {  	[bflag:$0x0] =	sbarrier.arrive $0xFFFF  }
0x74: {  	_ =	strace $0x90000050  }
0x75: {  	s0 =	stileid.u32;
	[bflag:$0x2] =	sbarrier.arrive $0xFFFF  }
0x76: {  	p0 =	sne.s32 s0, $0x0;
	s0 =	rddreg [dreg:$0x2]  }
0x77: {  	s0 =	sadd.s32 @!p0 $0x100000, s0  }
0x78: {  	[sflag:s0] =	ssyncadd.tile.s32 @!p0 $0x1;
	_ =	shalt  }
.Lfunc_end2:
_tile_overlayer_lowered:
.L_overlay_start_2:
0x79: {  	(tag) =	ssettag $0x2  }
0x7a: {  	s0 =	rddreg [dreg:$0x0];
	s2 =	stileid.u32  }
0x7b: {  	s1 =	rddreg [dreg:$0x1];
	p0 =	sne.s32 s2, $0x0  }
0x7c: {  	s3 =	rddreg [dreg:$0x2];
	[bflag:$0x3] =	sbarrier.arrive $0xFFFF;
	s2 =	simm.s32 @!p0 $0x1C05  }
0x7d: {  	[timem:s3], [sflag:s2] =	dma.local @!p0 [hbm:s0], s1  }
0x7e: {  	s0 =	simm.s32 @!p0 $0x5  }
0x7f: {  	_ =	swait.ge @!p0 [sflag:s0], s1  }
0x80: {  	s1 =	ssub.s32 @!p0 $0x0, s1;
	[sflag:s0] =	ssyncset.done @!p0 $0x0  }
0x81: {  	[sflag:s0] =	ssyncadd.s32 @!p0 s1  }
0x82: {  	[bflag:$0x3] =	sbarrier.arrive $0xFFFF  }
0x83: {  	_ =	shalt  }

// kernel: kernel.17.cloned.1.call-start
scs
__scs_entry_jumppad:
0x0: {  	(pc) =	sbr.rel $0x88, $3  }
0x1: {  	(tag) =	ssettag $0x0;
	lr =	simm.s32 $0x1  }
0x2: {  	[smem:$0x3F95] =	sst lr;
	_ =	strace $0xD0000000  }
0x3: {  	_ = 	snop  }
0x4: {  	_ = 	snop  }
0x5: {  	_ = 	snop  }
0x6: {  	_ = 	snop  }
0x7: {  	_ = 	snop  }
__scs_overlays_trampoline_lowered:
0x8: {  	[smem:$0x3FA4] =	sst s0  }
0x9: {  	[smem:$0x3FA5] =	sst s1  }
0xa: {  	[smem:$0x3FA6] =	sst s2  }
0xb: {  	[smem:$0x3FA7] =	sst s3  }
0xc: {  	[smem:$0x3FA8] =	sst s4  }
0xd: {  	[smem:$0x3FA9] =	sst s5  }
0xe: {  	[smem:$0x3FAA] =	sst s6  }
0xf: {  	[smem:$0x3FAB] =	sst s7  }
0x10: {  	[smem:$0x3FAC] =	sst s8  }
0x11: {  	[smem:$0x3FAD] =	sst s9;
	s0 =	simm.s32 @!p0 $0x0  }
0x12: {  	s1 =	sld [smem:$0x3F93];
	s0 =	simm.s32 @p0 $0x1  }
0x13: {  	[smem:$0x3FAE] =	sst s0;
	s0 =	simm.s32 @!p1 $0x0  }
0x14: {  	s2 =	sld [smem:$0x3F92];
	s0 =	simm.s32 @p1 $0x1  }
0x15: {  	[smem:$0x3FAF] =	sst s0;
	s0 =	simm.s32 @!p2 $0x0  }
0x16: {  	s3 =	sld [smem:$0x3FDB];
	s0 =	simm.s32 @p2 $0x1  }
0x17: {  	s4 =	simm.s32 $0x1BF5;
	[smem:$0x3FB1] =	sst s0  }
0x18: {  	s0 =	sld [smem:$0x3F94];
	_ =	swait.ge [sflag:s4], $0x0  }
0x19: {  	s7 =	sld [smem:$0x3F95]  }
0x1a: {  	s8 =	sadd.s32 $0xFFFFE003, lr  }
0x1b: {  	s9 =	sadd.s32 $0xFFFFFEF7, lr;
	s5 =	simm.s32 $0xFFFFFFFF;
	p2 =	slt.u32 s8, $0xFFFFF086  }
0x1c: {  	p1 =	slt.u32 s9, $0xF7A;
	s5 =	simm.s32 @!p2 $0x0  }
0x1d: {  	s5 =	simm.s32 @p1 $0x1;
	p0 =	seq.s32 s7, s2  }
0x1e: {  	s7 =	smul.u32 @!p0 $0xF7A, s2;
	p2 =	seq.s32 @!p0 s5, $0x0  }
0x1f: {  	s9 =	smul.u32 $0xF7A, s1;
	s8 =	simm.s32 @!p0 $0x1BF5;
	p2 =	por !p2, p0  }
0x20: {  	[sflag:s8] =	ssyncset.s32 @!p0 $0xFFFFF086;
	s6 =	sadd.s32 @!p0 s3, s7;
	s7 =	simm.s32 @!p0 $0x108  }
0x21: {  	s3 =	sadd.s32 s3, s9;
	s6 =	sadd.s32 @!p0 $0x88, s6;
	s7 =	simm.s32 @p2 $0x1082  }
0x22: {  	[simem:s7], [sflag:s8] =	dma.local @!p0 [hbm:s6], $0xF7A  }
0x23: {  	s9 =	sor.u32 $0xD0000000, s2;
	s6 =	simm.s32 $0x108;
	_ =	swait.ge @!p0 [sflag:s8], $0x0  }
0x24: {  	s3 =	sadd.s32 $0x88, s3;
	s6 =	simm.s32 @!p1 $0x1082;
	[sflag:s4] =	ssyncset.s32 $0xFFFFF086  }
0x25: {  	[simem:s6], [sflag:s4] =	dma.local [hbm:s3], $0xF7A  }
0x26: {  	[smem:$0x3F95] =	sst s1;
	(tag) =	ssettag s2;
	_ =	strace s9  }
0x27: {  	s1 =	sld [smem:$0x3FA5]  }
0x28: {  	s2 =	sld [smem:$0x3FA6]  }
0x29: {  	s4 =	sld [smem:$0x3FA8]  }
0x2a: {  	p0 =	seq.s32 s5, $0x0;
	s5 =	sld [smem:$0x3FA9]  }
0x2b: {  	s6 =	sld [smem:$0x3FAA]  }
0x2c: {  	s7 =	sld [smem:$0x3FAB]  }
0x2d: {  	s3 =	simm.s32 $0x108;
	s8 =	sld [smem:$0x3FAC]  }
0x2e: {  	s3 =	simm.s32 @!p0 $0x1082;
	s9 =	sld [smem:$0x3FAD]  }
0x2f: {  	lr =	sadd.s32 s0, s3;
	s0 =	sld [smem:$0x3FA4]  }
0x30: {  	s3 =	sld [smem:$0x3FA7]  }
0x31: {  	[smem:$0x3FB0] =	sst s10  }
0x32: {  	s10 =	sld [smem:$0x3FAE];
	_ =	sdelay $0x3  }
0x33: {  	p0 =	seq.s32 s10, $0x1;
	s10 =	sld [smem:$0x3FB0];
	_ =	sdelay $0x3  }
0x34: {  	[smem:$0x3FB0] =	sst s10  }
0x35: {  	s10 =	sld [smem:$0x3FAF];
	_ =	sdelay $0x3  }
0x36: {  	p1 =	seq.s32 s10, $0x1;
	s10 =	sld [smem:$0x3FB0];
	_ =	sdelay $0x3  }
0x37: {  	[smem:$0x3FB0] =	sst s10  }
0x38: {  	s10 =	sld [smem:$0x3FB1]  }
0x39: {  	_ = 	snop;
	(pc) =	sbr.ind lr, $3  }
0x3a: {  	_ = 	snop  }
0x3b: {  	_ = 	snop  }
0x3c: {  	p2 =	seq.s32 s10, $0x1;
	s10 =	sld [smem:$0x3FB0]  }
0x3d: {  	_ =	shalt  }
0x3e: {  	_ =	shalt  }
0x3f: {  	_ =	shalt  }
0x40: {  	_ =	shalt  }
0x41: {  	_ =	shalt  }
0x42: {  	_ =	shalt  }
0x43: {  	_ =	shalt  }
0x44: {  	_ =	shalt  }
0x45: {  	_ =	shalt  }
0x46: {  	_ =	shalt  }
0x47: {  	_ =	shalt  }
0x48: {  	_ =	shalt  }
0x49: {  	_ =	shalt  }
0x4a: {  	_ =	shalt  }
0x4b: {  	_ =	shalt  }
0x4c: {  	_ =	shalt  }
0x4d: {  	_ =	shalt  }
0x4e: {  	_ =	shalt  }
0x4f: {  	_ =	shalt  }
0x50: {  	_ =	shalt  }
0x51: {  	_ =	shalt  }
0x52: {  	_ =	shalt  }
0x53: {  	_ =	shalt  }
0x54: {  	_ =	shalt  }
0x55: {  	_ =	shalt  }
0x56: {  	_ =	shalt  }
0x57: {  	_ =	shalt  }
0x58: {  	_ =	shalt  }
0x59: {  	_ =	shalt  }
0x5a: {  	_ =	shalt  }
0x5b: {  	_ =	shalt  }
0x5c: {  	_ =	shalt  }
0x5d: {  	_ =	shalt  }
0x5e: {  	_ =	shalt  }
0x5f: {  	_ =	shalt  }
0x60: {  	_ =	shalt  }
0x61: {  	_ =	shalt  }
0x62: {  	_ =	shalt  }
0x63: {  	_ =	shalt  }
0x64: {  	_ =	shalt  }
0x65: {  	_ =	shalt  }
0x66: {  	_ =	shalt  }
0x67: {  	_ =	shalt  }
0x68: {  	_ =	shalt  }
0x69: {  	_ =	shalt  }
0x6a: {  	_ =	shalt  }
0x6b: {  	_ =	shalt  }
0x6c: {  	_ =	shalt  }
0x6d: {  	_ =	shalt  }
0x6e: {  	_ =	shalt  }
0x6f: {  	_ =	shalt  }
0x70: {  	_ =	shalt  }
0x71: {  	_ =	shalt  }
0x72: {  	_ =	shalt  }
0x73: {  	_ =	shalt  }
0x74: {  	_ =	shalt  }
0x75: {  	_ =	shalt  }
0x76: {  	_ =	shalt  }
0x77: {  	_ =	shalt  }
0x78: {  	_ =	shalt  }
0x79: {  	_ =	shalt  }
0x7a: {  	_ =	shalt  }
0x7b: {  	_ =	shalt  }
0x7c: {  	_ =	shalt  }
0x7d: {  	_ =	shalt  }
0x7e: {  	_ =	shalt  }
0x7f: {  	_ =	shalt  }
0x80: {  	_ =	shalt  }
0x81: {  	_ =	shalt  }
0x82: {  	_ =	shalt  }
0x83: {  	_ =	shalt  }
0x84: {  	_ =	shalt  }
0x85: {  	_ =	shalt  }
0x86: {  	_ =	shalt  }
0x87: {  	_ =	shalt  }
.Lfunc_end0:
.L_simem_size_0:
called_computation.2_lowered:
.L_overlay_start_0:
0x88: {  	s2 =	sld [smem:$0x3FD9]  }
0x89: {  	s3 =	sld [smem:$0x3FFE];
	_ =	sdelay $0x1  }
0x8a: {  	s1 =	srdreg.scid  }
0x8b: {  	s0 =	sand.u32 $0x1, s1  }
0x8c: {  	s17 =	sshll.u32 s0, $0xA;
	s2 =	sadd.s32 s3, s2  }
0x8d: {  	s2 =	sadd.s32 s2, s17  }
0x8e: {  	[smem:$0x3FBC] =	sst s2  }
0x8f: {  	_ = 	snop  }
0x90: {  	s18 =	sld [smem:$0x3FC8];
	(tm) =	ssettm $0x1  }
0x91: {  	s19 =	sld [smem:$0x3FFB];
	_ =	sdelay $0x3  }
0x92: {  	_ =	strace s19  }
0x93: {  	s2 =	sld [smem:$0x3FFC];
	_ =	sdelay $0x3  }
0x94: {  	_ =	strace s2  }
0x95: {  	s2 =	sld [smem:$0x3FFD];
	_ =	sdelay $0x3  }
0x96: {  	_ =	strace s2  }
0x97: {  	_ =	strace $0x8FFFFFFF  }
0x98: {  	s20 =	sld [smem:$0x3FDB];
	_ =	sdelay $0x1  }
0x99: {  	s4 =	simm.s32 $_scs_section_size  }
0x9a: {  	s5 =	simm.s32 $_size__tile_overlayer_lowered;
	s6 =	simm.s32 $_tile_overlayer_lowered  }
0x9b: {  	s7 =	simm.s32 $0x1BFF;
	s21 =	sshll.u32 s6, $0x1;
	s4 =	sadd.s32 s4, s20  }
0x9c: {  	s22 =	simm.s32 $0x0;
	s5 =	sshll.u32 s5, $0x1;
	s6 =	sadd.s32 s21, s4  }
0x9d: {  	[timem:s22], [sflag:s7] =	dma.local [hbm:s6], s5  }
0x9e: {  	_ =	swait.ge [sflag:s7], s5  }
0x9f: {  	s5 =	ssub.s32 $0x0, s5;
	[sflag:s7] =	ssyncset.done $0x0  }
0xa0: {  	[sflag:s7] =	ssyncadd.s32 s5;
	_ =	sdelay $0x1  }
0xa1: {  	s23 =	simm.s32 $0x1B8B  }
0xa2: {  	_ =	swait.ge [sflag:s23], $0x1  }
0xa3: {  	[sflag:s23] =	ssyncset.done $0x0  }
0xa4: {  	[sflag:s23] =	ssyncadd.s32 $0xFFFFFFFF  }
0xa5: {  	s5 =	sld [smem:$0x0]  }
0xa6: {  	s6 =	sand.u32 $0xFFFFFFFE, s1  }
0xa7: {  	p0 =	sne.s32 s1, s6  }
0xa8: {  	s6 =	sshll.u32 @p0 s6, $0xE  }
0xa9: {  	s6 =	sadd.s32 @p0 $0x11B8D, s6;
	s7 =	sshll.u32 @p0 s5, $0x11  }
0xaa: {  	s6 =	sor.u32 @p0 s7, s6  }
0xab: {  	[sflag:s6] =	ssyncadd.remote.s32 @p0 $0x1;
	_ =	sdelay $0x1  }
0xac: {  	s6 =	simm.s32 @p0 $0x1B8D  }
0xad: {  	_ =	swait.eq @p0 [sflag:s6], $0x1  }
0xae: {  	[sflag:s6] =	ssyncadd.s32 @p0 $0xFFFFFFFF  }
0xaf: {  	s7 =	sshll.u32 @!p0 s1, $0xE  }
0xb0: {  	s7 =	sor.u32 @!p0 $0x4000, s7;
	s6 =	simm.s32 @!p0 $0x1B8D  }
0xb1: {  	s5 =	sshll.u32 @!p0 s5, $0x11;
	s7 =	sadd.s32 @!p0 $0x11B8D, s7;
	_ =	swait.eq @!p0 [sflag:s6], $0x1  }
0xb2: {  	s5 =	sor.u32 @!p0 s5, s7;
	[sflag:s6] =	ssyncadd.s32 @!p0 $0xFFFFFFFF  }
0xb3: {  	s25 =	simm.s32 $0x1B8E;
	s24 =	sld [smem:$0x3FFE];
	[sflag:s5] =	ssyncadd.remote.s32 @!p0 $0x1  }
0xb4: {  	s26 =	simm.s32 $execute0_lowered;
	[smem:$0x3FD2] =	sst s25  }
0xb5: {  	s6 =	sshll.u32 s26, $0x1;
	_ =	strace $0x8000004C;
	[dreg:$0x1] =	wrdreg $0xFFFFFFFF  }
0xb6: {  	s28 =	simm.s32 $_size_execute0_lowered;
	s4 =	sadd.s32 s4, s6;
	[dreg:$0x0] =	wrdreg $0x0  }
0xb7: {  	s6 =	sshll.u32 s28, $0x1;
	[dreg:$0x2] =	wrdreg s4  }
0xb8: {  	[dreg:$0x3] =	wrdreg s6  }
0xb9: {  	[dreg:$0x4] =	wrdreg $0xC0  }
0xba: {  	_ =	task [dreg:s22], $0x5FFFF  }
0xbb: {  	[dreg:$0x1] =	wrdreg $0xFFFFFFFF  }
0xbc: {  	[dreg:$0x0] =	wrdreg $0x60  }
0xbd: {  	[dreg:$0x2] =	wrdreg s18  }
0xbe: {  	[dreg:$0x3] =	wrdreg s24  }
0xbf: {  	[dreg:$0x4] =	wrdreg $0xB  }
0xc0: {  	_ =	task.clear_ibuf [dreg:s22], $0x5FFFF;
	_ =	strace $0x9000004C  }
0xc1: {  	s29 =	simm.s32 $0xB;
	_ =	strace $0x8000004E  }
0xc2: {  	_ =	swait.ge [sflag:s29], $0x1  }
0xc3: {  	[sflag:s29] =	ssyncadd.s32 $0xFFFFFFFF  }
0xc4: {  	_ =	strace $0x9000004E  }
0xc5: {  	_ =	sfence  }
0xc6: {  	s30 =	sld [smem:$0x0];
	_ =	sdelay $0x2  }
0xc7: {  	s31 =	sshll.u32 s1, $0xD;
	s1 =	sshrl.u32 s1, $0x2  }
0xc8: {  	s4 =	sand.u32 $0x4000, s31;
	s1 =	sadd.s32 s1, s30  }
0xc9: {  	s0 =	sor.u32 s4, s0;
	s1 =	sshll.u32 s1, $0x11  }
0xca: {  	s0 =	sor.u32 s1, s0  }
0xcb: {  	s0 =	sadd.s32 $0x8F2B, s0  }
0xcc: {  	[sflag:s0] =	ssyncadd.remote.s32 $0x1  }
0xcd: {  	_ =	sfence.sel $0xFFFF  }
0xce: {  	[dreg:$0x0] =	wrdreg $0xFFFFFFFF;
	(pc) =	sbr.abs _section_cstart, $3  }
0xcf: {  	[dreg:$0x1] =	wrdreg $0xFFFFFFFF  }
0xd0: {  	_ =	task.clear_ibuf [dreg:s22], $0x2FFFF;
	_ =	strace $0x9FFFFFFF  }
0xd1: {  	(tm) =	ssettm $0x7FFFFFFF  }
tec
execute0_lowered:
.L_overlay_start_1:
0x0: {  	(tag) =	ssettag $0x1  }
0x1: {  	s1 =	srdreg.scid  }
0x2: {  	s0 =	stileid.u32;
	s2 =	rddreg [dreg:$0x0]  }
0x3: {  	s6 =	rddreg [dreg:$0x1];
	s3 =	simm.s32 $0x0;
	s12 =	simm.s32 $0x5  }
0x4: {  	s13 =	simm.s32 $0x80;
	s14 =	simm.s32 $0x1900;
	s15 =	simm.s32 $0x5900  }
0x5: {  	s16 =	simm.s32 $0x100;
	s17 =	simm.s32 $0x9900;
	s18 =	simm.s32 $0x180  }
0x6: {  	s19 =	simm.s32 $0xD900;
	s20 =	simm.s32 $0x1;
	s21 =	simm.s32 $0x3  }
0x7: {  	s22 =	simm.s32 $0x200;
	s23 =	simm.s32 $0x280;
	s24 =	simm.s32 $0x2  }
0x8: {  	s4 =	sand.u32 $0x1, s1;
	s29 =	sshll.u32 s0, $0x1;
	s8 =	smul.u32 $0x190000, s0  }
0x9: {  	s25 =	simm.s32 $0x4;
	s5 =	sor.u32 s4, s29;
	s10 =	smul.u32 $0xC8000, s4  }
0xa: {  	s26 =	simm.s32 $0x0;
	s9 =	ssub.s32 $0x2, s4;
	s7 =	smul.u32 $0x320, s5  }
0xb: {  	[smem:$0x7FF] =	sst s3;
	s5 =	smul.u32 $0xC8000, s5;
	s30 =	sshrl.u32 s9, $0x1  }
0xc: {  	_ =	strace $0x8000004D;
	s4 =	sadd.s32 $0x65B800, s6;
	s9 =	ssub.s32 s9, s30  }
0xd: {  	s10 =	sadd.s32 s10, s8;
	s7 =	sadd.s32 s7, s6;
	s31 =	sshrl.u32 s5, $0x3  }
0xe: {  	s11 =	sadd.s32 $0x18000, s10;
	s8 =	smax.u32 s9, $0x1;
	s10 =	sadd.s32 $0x10000, s10  }
0xf: {  	s5 =	sadd.s32 $0x8C00, s7;
	s6 =	sadd.s32 s4, s31;
	s11 =	sshrl.u32 s11, $0x3  }
0x10: {  	s7 =	sadd.s32 $0x18000, s6;
	s9 =	sadd.s32 $0x1000, s6;
	s11 =	sadd.s32 s11, s4  }
.LBB2_1:
0x11: {  	[tilespmem:s3], [sflag:$0x5] =	stream.linear.gather [hbm4b:s5+s3], $0x1900, $0x38;
	[tilespmem:$0x11900] =	vst v63  }
0x12: {  	_ =	swait.ge [sflag:s12], $0x1900  }
0x13: {  	[sflag:s12] =	ssyncset.done $0x0  }
0x14: {  	[sflag:s12] =	ssyncadd.s32 $0xFFFFE700  }
0x15: {  	[tilespmem:s14], [sflag:$0x1] =	stream.indirect.gather [hbm4b:s2+s13], $0x80, s3, s13, $0xb8;
	[tilespmem:$0x11900] =	vst v63  }
0x16: {  	_ = 	snop  }
0x17: {  	[tilespmem:s15], [sflag:$0x1] =	stream.indirect.gather [hbm4b:s2+s13], $0x80, s13, s13, $0xb8;
	[tilespmem:$0x11900] =	vst v63  }
0x18: {  	_ = 	snop  }
0x19: {  	[tilespmem:s17], [sflag:$0x2] =	stream.indirect.gather [hbm4b:s2+s13], $0x80, s16, s13, $0xb8;
	[tilespmem:$0x11900] =	vst v63  }
0x1a: {  	_ = 	snop  }
0x1b: {  	[tilespmem:s19], [sflag:$0x2] =	stream.indirect.gather [hbm4b:s2+s13], $0x80, s18, s13, $0xb8;
	[tilespmem:$0x11900] =	vst v63  }
0x1c: {  	_ =	swait.ge [sflag:s20], $0x4000  }
0x1d: {  	[sflag:s20] =	ssyncset.done $0x0  }
0x1e: {  	[sflag:s20] =	ssyncadd.s32 $0xFFFFC000  }
0x1f: {  	_ =	swait.ge [sflag:s20], $0x4000  }
0x20: {  	[sflag:s20] =	ssyncset.done $0x0  }
0x21: {  	[sflag:s20] =	ssyncadd.s32 $0xFFFFC000  }
0x22: {  	[hbm4b:s6+s3] =	stream.linear.scatter [tilespmem:s14], [sflag:$0x3], $0x8000, $0x38;
	[tilespmem:$0x11900] =	vst v63  }
0x23: {  	_ =	swait.ge [sflag:s21], $0x8000  }
0x24: {  	[sflag:s21] =	ssyncset.done $0x0  }
0x25: {  	[sflag:s21] =	ssyncadd.s32 $0xFFFF8000  }
0x26: {  	[tilespmem:s14], [sflag:$0x1] =	stream.indirect.gather [hbm4b:s2+s13], $0x80, s22, s13, $0xb8;
	[tilespmem:$0x11900] =	vst v63  }
0x27: {  	_ = 	snop  }
0x28: {  	[tilespmem:s15], [sflag:$0x1] =	stream.indirect.gather [hbm4b:s2+s13], $0x80, s23, s13, $0xb8;
	[tilespmem:$0x11900] =	vst v63  }
0x29: {  	_ =	swait.ge [sflag:s24], $0x4000  }
0x2a: {  	[sflag:s24] =	ssyncset.done $0x0  }
0x2b: {  	[sflag:s24] =	ssyncadd.s32 $0xFFFFC000  }
0x2c: {  	_ =	swait.ge [sflag:s24], $0x4000  }
0x2d: {  	[sflag:s24] =	ssyncset.done $0x0  }
0x2e: {  	[sflag:s24] =	ssyncadd.s32 $0xFFFFC000  }
0x2f: {  	[hbm4b:s9+s3] =	stream.linear.scatter [tilespmem:s17], [sflag:$0x4], $0x8000, $0x38;
	[tilespmem:$0x11900] =	vst v63  }
0x30: {  	_ =	swait.ge [sflag:s25], $0x8000  }
0x31: {  	[sflag:s25] =	ssyncset.done $0x0  }
0x32: {  	s28 =	simm.s32 $0x300;
	[sflag:s25] =	ssyncadd.s32 $0xFFFF8000  }
0x33: {  	[tilespmem:s17], [sflag:$0x2] =	stream.indirect.gather [hbm4b:s2+s13], $0x80, s28, s13, $0xb8;
	[tilespmem:$0x11900] =	vst v63  }
0x34: {  	s28 =	simm.s32 $0x380  }
0x35: {  	[tilespmem:s19], [sflag:$0x2] =	stream.indirect.gather [hbm4b:s2+s13], $0x80, s28, s13, $0xb8;
	[tilespmem:$0x11900] =	vst v63  }
0x36: {  	_ =	swait.ge [sflag:s20], $0x4000  }
0x37: {  	[sflag:s20] =	ssyncset.done $0x0  }
0x38: {  	[sflag:s20] =	ssyncadd.s32 $0xFFFFC000  }
0x39: {  	_ =	swait.ge [sflag:s20], $0x4000  }
0x3a: {  	s28 =	sshrl.u32 s10, $0x3;
	[sflag:s20] =	ssyncset.done $0x0  }
0x3b: {  	s28 =	sadd.s32 s4, s28;
	[sflag:s20] =	ssyncadd.s32 $0xFFFFC000  }
0x3c: {  	[hbm4b:s28+s3] =	stream.linear.scatter [tilespmem:s14], [sflag:$0x3], $0x8000, $0x38;
	[tilespmem:$0x11900] =	vst v63  }
0x3d: {  	_ =	swait.ge [sflag:s21], $0x8000  }
0x3e: {  	[sflag:s21] =	ssyncset.done $0x0  }
0x3f: {  	s28 =	simm.s32 $0x400;
	[sflag:s21] =	ssyncadd.s32 $0xFFFF8000  }
0x40: {  	[tilespmem:s14], [sflag:$0x1] =	stream.indirect.gather [hbm4b:s2+s13], $0x80, s28, s13, $0xb8;
	[tilespmem:$0x11900] =	vst v63  }
0x41: {  	s28 =	simm.s32 $0x480  }
0x42: {  	[tilespmem:s15], [sflag:$0x1] =	stream.indirect.gather [hbm4b:s2+s13], $0x80, s28, s13, $0xb8;
	[tilespmem:$0x11900] =	vst v63  }
0x43: {  	_ =	swait.ge [sflag:s24], $0x4000  }
0x44: {  	[sflag:s24] =	ssyncset.done $0x0  }
0x45: {  	[sflag:s24] =	ssyncadd.s32 $0xFFFFC000  }
0x46: {  	_ =	swait.ge [sflag:s24], $0x4000  }
0x47: {  	s29 =	sadd.s32 $0x10000, s10;
	s30 =	sadd.s32 $0x2000, s11;
	[sflag:s24] =	ssyncset.done $0x0  }
0x48: {  	s31 =	smov.u32 s11;
	s28 =	simm.s32 $0x800;
	[sflag:s24] =	ssyncadd.s32 $0xFFFFC000  }
.LBB2_2:
0x49: {  	[hbm4b:s31+s3] =	stream.linear.scatter [tilespmem:s17], [sflag:$0x4], $0x8000, $0x38;
	[tilespmem:$0x11900] =	vst v63  }
0x4a: {  	s1 =	smov.u32 s28;
	s31 =	smov.u32 s30  }
0x4b: {  	p0 =	sne.s32 s28, $0x5000;
	s28 =	sadd.s32 $0x800, s28;
	_ =	swait.ge [sflag:s25], $0x8000  }
0x4c: {  	s1 =	sshra.s32 s1, $0x2;
	[sflag:s25] =	ssyncset.done $0x0  }
0x4d: {  	s0 =	sadd.s32 $0x300, s1;
	[sflag:s25] =	ssyncadd.s32 $0xFFFF8000  }
0x4e: {  	[tilespmem:s17], [sflag:$0x2] =	stream.indirect.gather [hbm4b:s2+s13], $0x80, s0, s13, $0xb8;
	[tilespmem:$0x11900] =	vst v63  }
0x4f: {  	s0 =	sadd.s32 $0x380, s1  }
0x50: {  	[tilespmem:s19], [sflag:$0x2] =	stream.indirect.gather [hbm4b:s2+s13], $0x80, s0, s13, $0xb8;
	[tilespmem:$0x11900] =	vst v63  }
0x51: {  	_ =	swait.ge [sflag:s20], $0x4000  }
0x52: {  	[sflag:s20] =	ssyncset.done $0x0  }
0x53: {  	[sflag:s20] =	ssyncadd.s32 $0xFFFFC000  }
0x54: {  	_ =	swait.ge [sflag:s20], $0x4000  }
0x55: {  	s0 =	sshrl.u32 s29, $0x3;
	[sflag:s20] =	ssyncset.done $0x0  }
0x56: {  	s0 =	sadd.s32 s4, s0;
	[sflag:s20] =	ssyncadd.s32 $0xFFFFC000  }
0x57: {  	[hbm4b:s0+s3] =	stream.linear.scatter [tilespmem:s14], [sflag:$0x3], $0x8000, $0x38;
	[tilespmem:$0x11900] =	vst v63  }
0x58: {  	_ =	swait.ge [sflag:s21], $0x8000  }
0x59: {  	[sflag:s21] =	ssyncset.done $0x0  }
0x5a: {  	s0 =	sadd.s32 $0x400, s1;
	[sflag:s21] =	ssyncadd.s32 $0xFFFF8000  }
0x5b: {  	[tilespmem:s14], [sflag:$0x1] =	stream.indirect.gather [hbm4b:s2+s13], $0x80, s0, s13, $0xb8;
	[tilespmem:$0x11900] =	vst v63  }
0x5c: {  	s0 =	sadd.s32 $0x480, s1  }
0x5d: {  	[tilespmem:s15], [sflag:$0x1] =	stream.indirect.gather [hbm4b:s2+s13], $0x80, s0, s13, $0xb8;
	[tilespmem:$0x11900] =	vst v63  }
0x5e: {  	_ =	swait.ge [sflag:s24], $0x4000  }
.Ltmp0:
0x5f: {  	[sflag:s24] =	ssyncset.done $0x0;
	(pc) =	sbr.rel @p0 .LBB2_2-.Ltmp0, $4  }
0x60: {  	[sflag:s24] =	ssyncadd.s32 $0xFFFFC000  }
0x61: {  	_ =	swait.ge [sflag:s24], $0x4000  }
0x62: {  	[sflag:s24] =	ssyncset.done $0x0  }
0x63: {  	s30 =	sadd.s32 $0x2000, s30;
	s29 =	sadd.s32 $0x10000, s29;
	[sflag:s24] =	ssyncadd.s32 $0xFFFFC000  }
0x64: {  	[hbm4b:s31+s3] =	stream.linear.scatter [tilespmem:s17], [sflag:$0x4], $0x8000, $0x38;
	[tilespmem:$0x11900] =	vst v63  }
0x65: {  	_ =	swait.ge [sflag:s25], $0x8000  }
0x66: {  	[sflag:s25] =	ssyncset.done $0x0  }
0x67: {  	[sflag:s25] =	ssyncadd.s32 $0xFFFF8000  }
0x68: {  	_ =	swait.ge [sflag:s20], $0x4000  }
0x69: {  	[sflag:s20] =	ssyncset.done $0x0  }
0x6a: {  	[sflag:s20] =	ssyncadd.s32 $0xFFFFC000  }
0x6b: {  	s26 =	sadd.s32 $0x1, s26;
	_ =	swait.ge [sflag:s20], $0x4000  }
0x6c: {  	p0 =	sne.s32 s26, s8;
	[sflag:s20] =	ssyncset.done $0x0  }
.Ltmp1:
0x6d: {  	[sflag:s20] =	ssyncadd.s32 $0xFFFFC000;
	(pc) =	sbr.rel @p0 .LBB2_1-.Ltmp1, $4  }
0x6e: {  	[hbm4b:s7+s3] =	stream.linear.scatter [tilespmem:s14], [sflag:$0x3], $0x8000, $0x38;
	[tilespmem:$0x11900] =	vst v63  }
0x6f: {  	_ =	swait.ge [sflag:s21], $0x8000  }
0x70: {  	[sflag:s21] =	ssyncset.done $0x0  }
0x71: {  	[sflag:s21] =	ssyncadd.s32 $0xFFFF8000  }
0x72: {  	_ =	sfence.sel $0x180000  }
0x73: {  	[bflag:$0x0] =	sbarrier.arrive $0xFFFF  }
0x74: {  	_ =	strace $0x9000004D  }
0x75: {  	s0 =	stileid.u32;
	[bflag:$0x2] =	sbarrier.arrive $0xFFFF  }
0x76: {  	p0 =	sne.s32 s0, $0x0;
	s0 =	rddreg [dreg:$0x2]  }
0x77: {  	s0 =	sadd.s32 @!p0 $0x100000, s0  }
0x78: {  	[sflag:s0] =	ssyncadd.tile.s32 @!p0 $0x1;
	_ =	shalt  }
.Lfunc_end2:
_tile_overlayer_lowered:
.L_overlay_start_2:
0x79: {  	(tag) =	ssettag $0x2  }
0x7a: {  	s0 =	rddreg [dreg:$0x0];
	s2 =	stileid.u32  }
0x7b: {  	s1 =	rddreg [dreg:$0x1];
	p0 =	sne.s32 s2, $0x0  }
0x7c: {  	s3 =	rddreg [dreg:$0x2];
	[bflag:$0x3] =	sbarrier.arrive $0xFFFF;
	s2 =	simm.s32 @!p0 $0x1C05  }
0x7d: {  	[timem:s3], [sflag:s2] =	dma.local @!p0 [hbm:s0], s1  }
0x7e: {  	s0 =	simm.s32 @!p0 $0x5  }
0x7f: {  	_ =	swait.ge @!p0 [sflag:s0], s1  }
0x80: {  	s1 =	ssub.s32 @!p0 $0x0, s1;
	[sflag:s0] =	ssyncset.done @!p0 $0x0  }
0x81: {  	[sflag:s0] =	ssyncadd.s32 @!p0 s1  }
0x82: {  	[bflag:$0x3] =	sbarrier.arrive $0xFFFF  }
0x83: {  	_ =	shalt  }

// kernel: kernel.20.cloned.1.call-start
scs
__scs_entry_jumppad:
0x0: {  	(pc) =	sbr.rel $0x88, $3  }
0x1: {  	(tag) =	ssettag $0x0;
	lr =	simm.s32 $0x1  }
0x2: {  	[smem:$0x3F95] =	sst lr;
	_ =	strace $0xD0000000  }
0x3: {  	_ = 	snop  }
0x4: {  	_ = 	snop  }
0x5: {  	_ = 	snop  }
0x6: {  	_ = 	snop  }
0x7: {  	_ = 	snop  }
__scs_overlays_trampoline_lowered:
0x8: {  	[smem:$0x3FA4] =	sst s0  }
0x9: {  	[smem:$0x3FA5] =	sst s1  }
0xa: {  	[smem:$0x3FA6] =	sst s2  }
0xb: {  	[smem:$0x3FA7] =	sst s3  }
0xc: {  	[smem:$0x3FA8] =	sst s4  }
0xd: {  	[smem:$0x3FA9] =	sst s5  }
0xe: {  	[smem:$0x3FAA] =	sst s6  }
0xf: {  	[smem:$0x3FAB] =	sst s7  }
0x10: {  	[smem:$0x3FAC] =	sst s8  }
0x11: {  	[smem:$0x3FAD] =	sst s9;
	s0 =	simm.s32 @!p0 $0x0  }
0x12: {  	s1 =	sld [smem:$0x3F93];
	s0 =	simm.s32 @p0 $0x1  }
0x13: {  	[smem:$0x3FAE] =	sst s0;
	s0 =	simm.s32 @!p1 $0x0  }
0x14: {  	s2 =	sld [smem:$0x3F92];
	s0 =	simm.s32 @p1 $0x1  }
0x15: {  	[smem:$0x3FAF] =	sst s0;
	s0 =	simm.s32 @!p2 $0x0  }
0x16: {  	s3 =	sld [smem:$0x3FDB];
	s0 =	simm.s32 @p2 $0x1  }
0x17: {  	s4 =	simm.s32 $0x1BF5;
	[smem:$0x3FB1] =	sst s0  }
0x18: {  	s0 =	sld [smem:$0x3F94];
	_ =	swait.ge [sflag:s4], $0x0  }
0x19: {  	s7 =	sld [smem:$0x3F95]  }
0x1a: {  	s8 =	sadd.s32 $0xFFFFE003, lr  }
0x1b: {  	s9 =	sadd.s32 $0xFFFFFEF7, lr;
	s5 =	simm.s32 $0xFFFFFFFF;
	p2 =	slt.u32 s8, $0xFFFFF086  }
0x1c: {  	p1 =	slt.u32 s9, $0xF7A;
	s5 =	simm.s32 @!p2 $0x0  }
0x1d: {  	s5 =	simm.s32 @p1 $0x1;
	p0 =	seq.s32 s7, s2  }
0x1e: {  	s7 =	smul.u32 @!p0 $0xF7A, s2;
	p2 =	seq.s32 @!p0 s5, $0x0  }
0x1f: {  	s9 =	smul.u32 $0xF7A, s1;
	s8 =	simm.s32 @!p0 $0x1BF5;
	p2 =	por !p2, p0  }
0x20: {  	[sflag:s8] =	ssyncset.s32 @!p0 $0xFFFFF086;
	s6 =	sadd.s32 @!p0 s3, s7;
	s7 =	simm.s32 @!p0 $0x108  }
0x21: {  	s3 =	sadd.s32 s3, s9;
	s6 =	sadd.s32 @!p0 $0x88, s6;
	s7 =	simm.s32 @p2 $0x1082  }
0x22: {  	[simem:s7], [sflag:s8] =	dma.local @!p0 [hbm:s6], $0xF7A  }
0x23: {  	s9 =	sor.u32 $0xD0000000, s2;
	s6 =	simm.s32 $0x108;
	_ =	swait.ge @!p0 [sflag:s8], $0x0  }
0x24: {  	s3 =	sadd.s32 $0x88, s3;
	s6 =	simm.s32 @!p1 $0x1082;
	[sflag:s4] =	ssyncset.s32 $0xFFFFF086  }
0x25: {  	[simem:s6], [sflag:s4] =	dma.local [hbm:s3], $0xF7A  }
0x26: {  	[smem:$0x3F95] =	sst s1;
	(tag) =	ssettag s2;
	_ =	strace s9  }
0x27: {  	s1 =	sld [smem:$0x3FA5]  }
0x28: {  	s2 =	sld [smem:$0x3FA6]  }
0x29: {  	s4 =	sld [smem:$0x3FA8]  }
0x2a: {  	p0 =	seq.s32 s5, $0x0;
	s5 =	sld [smem:$0x3FA9]  }
0x2b: {  	s6 =	sld [smem:$0x3FAA]  }
0x2c: {  	s7 =	sld [smem:$0x3FAB]  }
0x2d: {  	s3 =	simm.s32 $0x108;
	s8 =	sld [smem:$0x3FAC]  }
0x2e: {  	s3 =	simm.s32 @!p0 $0x1082;
	s9 =	sld [smem:$0x3FAD]  }
0x2f: {  	lr =	sadd.s32 s0, s3;
	s0 =	sld [smem:$0x3FA4]  }
0x30: {  	s3 =	sld [smem:$0x3FA7]  }
0x31: {  	[smem:$0x3FB0] =	sst s10  }
0x32: {  	s10 =	sld [smem:$0x3FAE];
	_ =	sdelay $0x3  }
0x33: {  	p0 =	seq.s32 s10, $0x1;
	s10 =	sld [smem:$0x3FB0];
	_ =	sdelay $0x3  }
0x34: {  	[smem:$0x3FB0] =	sst s10  }
0x35: {  	s10 =	sld [smem:$0x3FAF];
	_ =	sdelay $0x3  }
0x36: {  	p1 =	seq.s32 s10, $0x1;
	s10 =	sld [smem:$0x3FB0];
	_ =	sdelay $0x3  }
0x37: {  	[smem:$0x3FB0] =	sst s10  }
0x38: {  	s10 =	sld [smem:$0x3FB1]  }
0x39: {  	_ = 	snop;
	(pc) =	sbr.ind lr, $3  }
0x3a: {  	_ = 	snop  }
0x3b: {  	_ = 	snop  }
0x3c: {  	p2 =	seq.s32 s10, $0x1;
	s10 =	sld [smem:$0x3FB0]  }
0x3d: {  	_ =	shalt  }
0x3e: {  	_ =	shalt  }
0x3f: {  	_ =	shalt  }
0x40: {  	_ =	shalt  }
0x41: {  	_ =	shalt  }
0x42: {  	_ =	shalt  }
0x43: {  	_ =	shalt  }
0x44: {  	_ =	shalt  }
0x45: {  	_ =	shalt  }
0x46: {  	_ =	shalt  }
0x47: {  	_ =	shalt  }
0x48: {  	_ =	shalt  }
0x49: {  	_ =	shalt  }
0x4a: {  	_ =	shalt  }
0x4b: {  	_ =	shalt  }
0x4c: {  	_ =	shalt  }
0x4d: {  	_ =	shalt  }
0x4e: {  	_ =	shalt  }
0x4f: {  	_ =	shalt  }
0x50: {  	_ =	shalt  }
0x51: {  	_ =	shalt  }
0x52: {  	_ =	shalt  }
0x53: {  	_ =	shalt  }
0x54: {  	_ =	shalt  }
0x55: {  	_ =	shalt  }
0x56: {  	_ =	shalt  }
0x57: {  	_ =	shalt  }
0x58: {  	_ =	shalt  }
0x59: {  	_ =	shalt  }
0x5a: {  	_ =	shalt  }
0x5b: {  	_ =	shalt  }
0x5c: {  	_ =	shalt  }
0x5d: {  	_ =	shalt  }
0x5e: {  	_ =	shalt  }
0x5f: {  	_ =	shalt  }
0x60: {  	_ =	shalt  }
0x61: {  	_ =	shalt  }
0x62: {  	_ =	shalt  }
0x63: {  	_ =	shalt  }
0x64: {  	_ =	shalt  }
0x65: {  	_ =	shalt  }
0x66: {  	_ =	shalt  }
0x67: {  	_ =	shalt  }
0x68: {  	_ =	shalt  }
0x69: {  	_ =	shalt  }
0x6a: {  	_ =	shalt  }
0x6b: {  	_ =	shalt  }
0x6c: {  	_ =	shalt  }
0x6d: {  	_ =	shalt  }
0x6e: {  	_ =	shalt  }
0x6f: {  	_ =	shalt  }
0x70: {  	_ =	shalt  }
0x71: {  	_ =	shalt  }
0x72: {  	_ =	shalt  }
0x73: {  	_ =	shalt  }
0x74: {  	_ =	shalt  }
0x75: {  	_ =	shalt  }
0x76: {  	_ =	shalt  }
0x77: {  	_ =	shalt  }
0x78: {  	_ =	shalt  }
0x79: {  	_ =	shalt  }
0x7a: {  	_ =	shalt  }
0x7b: {  	_ =	shalt  }
0x7c: {  	_ =	shalt  }
0x7d: {  	_ =	shalt  }
0x7e: {  	_ =	shalt  }
0x7f: {  	_ =	shalt  }
0x80: {  	_ =	shalt  }
0x81: {  	_ =	shalt  }
0x82: {  	_ =	shalt  }
0x83: {  	_ =	shalt  }
0x84: {  	_ =	shalt  }
0x85: {  	_ =	shalt  }
0x86: {  	_ =	shalt  }
0x87: {  	_ =	shalt  }
.Lfunc_end0:
.L_simem_size_0:
called_computation.3_lowered:
.L_overlay_start_0:
0x88: {  	s2 =	sld [smem:$0x3FD9]  }
0x89: {  	s3 =	sld [smem:$0x3FFE];
	_ =	sdelay $0x1  }
0x8a: {  	s1 =	srdreg.scid  }
0x8b: {  	s0 =	sand.u32 $0x1, s1  }
0x8c: {  	s17 =	sshll.u32 s0, $0xA;
	s2 =	sadd.s32 s3, s2  }
0x8d: {  	s2 =	sadd.s32 s2, s17  }
0x8e: {  	[smem:$0x3FBC] =	sst s2  }
0x8f: {  	_ = 	snop  }
0x90: {  	s18 =	sld [smem:$0x3FC8];
	(tm) =	ssettm $0x1  }
0x91: {  	s19 =	sld [smem:$0x3FFB];
	_ =	sdelay $0x3  }
0x92: {  	_ =	strace s19  }
0x93: {  	s2 =	sld [smem:$0x3FFC];
	_ =	sdelay $0x3  }
0x94: {  	_ =	strace s2  }
0x95: {  	s2 =	sld [smem:$0x3FFD];
	_ =	sdelay $0x3  }
0x96: {  	_ =	strace s2  }
0x97: {  	_ =	strace $0x8FFFFFFF  }
0x98: {  	s20 =	sld [smem:$0x3FDB];
	_ =	sdelay $0x1  }
0x99: {  	s4 =	simm.s32 $_scs_section_size  }
0x9a: {  	s5 =	simm.s32 $_size__tile_overlayer_lowered;
	s6 =	simm.s32 $_tile_overlayer_lowered  }
0x9b: {  	s7 =	simm.s32 $0x1BFF;
	s21 =	sshll.u32 s6, $0x1;
	s4 =	sadd.s32 s4, s20  }
0x9c: {  	s22 =	simm.s32 $0x0;
	s5 =	sshll.u32 s5, $0x1;
	s6 =	sadd.s32 s21, s4  }
0x9d: {  	[timem:s22], [sflag:s7] =	dma.local [hbm:s6], s5  }
0x9e: {  	_ =	swait.ge [sflag:s7], s5  }
0x9f: {  	s5 =	ssub.s32 $0x0, s5;
	[sflag:s7] =	ssyncset.done $0x0  }
0xa0: {  	[sflag:s7] =	ssyncadd.s32 s5;
	_ =	sdelay $0x1  }
0xa1: {  	s23 =	simm.s32 $0x1B8B  }
0xa2: {  	_ =	swait.ge [sflag:s23], $0x1  }
0xa3: {  	[sflag:s23] =	ssyncset.done $0x0  }
0xa4: {  	[sflag:s23] =	ssyncadd.s32 $0xFFFFFFFF  }
0xa5: {  	s5 =	sld [smem:$0x0]  }
0xa6: {  	s6 =	sand.u32 $0xFFFFFFFE, s1  }
0xa7: {  	p0 =	sne.s32 s1, s6  }
0xa8: {  	s6 =	sshll.u32 @p0 s6, $0xE  }
0xa9: {  	s6 =	sadd.s32 @p0 $0x11B8D, s6;
	s7 =	sshll.u32 @p0 s5, $0x11  }
0xaa: {  	s6 =	sor.u32 @p0 s7, s6  }
0xab: {  	[sflag:s6] =	ssyncadd.remote.s32 @p0 $0x1;
	_ =	sdelay $0x1  }
0xac: {  	s6 =	simm.s32 @p0 $0x1B8D  }
0xad: {  	_ =	swait.eq @p0 [sflag:s6], $0x1  }
0xae: {  	[sflag:s6] =	ssyncadd.s32 @p0 $0xFFFFFFFF  }
0xaf: {  	s7 =	sshll.u32 @!p0 s1, $0xE  }
0xb0: {  	s7 =	sor.u32 @!p0 $0x4000, s7;
	s6 =	simm.s32 @!p0 $0x1B8D  }
0xb1: {  	s5 =	sshll.u32 @!p0 s5, $0x11;
	s7 =	sadd.s32 @!p0 $0x11B8D, s7;
	_ =	swait.eq @!p0 [sflag:s6], $0x1  }
0xb2: {  	s5 =	sor.u32 @!p0 s5, s7;
	[sflag:s6] =	ssyncadd.s32 @!p0 $0xFFFFFFFF  }
0xb3: {  	s25 =	simm.s32 $0x1B8E;
	s24 =	sld [smem:$0x3FFE];
	[sflag:s5] =	ssyncadd.remote.s32 @!p0 $0x1  }
0xb4: {  	s26 =	simm.s32 $execute0_lowered;
	[smem:$0x3FD2] =	sst s25  }
0xb5: {  	s6 =	sshll.u32 s26, $0x1;
	_ =	strace $0x80000049;
	[dreg:$0x1] =	wrdreg $0xFFFFFFFF  }
0xb6: {  	s28 =	simm.s32 $_size_execute0_lowered;
	s4 =	sadd.s32 s4, s6;
	[dreg:$0x0] =	wrdreg $0x0  }
0xb7: {  	s6 =	sshll.u32 s28, $0x1;
	[dreg:$0x2] =	wrdreg s4  }
0xb8: {  	[dreg:$0x3] =	wrdreg s6  }
0xb9: {  	[dreg:$0x4] =	wrdreg $0xC0  }
0xba: {  	_ =	task [dreg:s22], $0x5FFFF  }
0xbb: {  	[dreg:$0x1] =	wrdreg $0xFFFFFFFF  }
0xbc: {  	[dreg:$0x0] =	wrdreg $0x60  }
0xbd: {  	[dreg:$0x2] =	wrdreg s18  }
0xbe: {  	[dreg:$0x3] =	wrdreg s24  }
0xbf: {  	[dreg:$0x4] =	wrdreg $0xC  }
0xc0: {  	_ =	task.clear_ibuf [dreg:s22], $0x5FFFF;
	_ =	strace $0x90000049  }
0xc1: {  	s29 =	simm.s32 $0xC;
	_ =	strace $0x8000004B  }
0xc2: {  	_ =	swait.ge [sflag:s29], $0x1  }
0xc3: {  	[sflag:s29] =	ssyncadd.s32 $0xFFFFFFFF  }
0xc4: {  	_ =	strace $0x9000004B  }
0xc5: {  	_ =	sfence  }
0xc6: {  	s30 =	sld [smem:$0x0];
	_ =	sdelay $0x2  }
0xc7: {  	s31 =	sshll.u32 s1, $0xD;
	s1 =	sshrl.u32 s1, $0x2  }
0xc8: {  	s4 =	sand.u32 $0x4000, s31;
	s1 =	sadd.s32 s1, s30  }
0xc9: {  	s0 =	sor.u32 s4, s0;
	s1 =	sshll.u32 s1, $0x11  }
0xca: {  	s0 =	sor.u32 s1, s0  }
0xcb: {  	s0 =	sadd.s32 $0x8F2B, s0  }
0xcc: {  	[sflag:s0] =	ssyncadd.remote.s32 $0x1  }
0xcd: {  	_ =	sfence.sel $0xFFFF  }
0xce: {  	[dreg:$0x0] =	wrdreg $0xFFFFFFFF;
	(pc) =	sbr.abs _section_cstart, $3  }
0xcf: {  	[dreg:$0x1] =	wrdreg $0xFFFFFFFF  }
0xd0: {  	_ =	task.clear_ibuf [dreg:s22], $0x2FFFF;
	_ =	strace $0x9FFFFFFF  }
0xd1: {  	(tm) =	ssettm $0x7FFFFFFF  }
tec
execute0_lowered:
.L_overlay_start_1:
0x0: {  	(tag) =	ssettag $0x1  }
0x1: {  	s1 =	srdreg.scid  }
0x2: {  	s0 =	stileid.u32;
	s2 =	rddreg [dreg:$0x0]  }
0x3: {  	s6 =	rddreg [dreg:$0x1];
	s3 =	simm.s32 $0x0;
	s12 =	simm.s32 $0x5  }
0x4: {  	s13 =	simm.s32 $0x80;
	s14 =	simm.s32 $0x1900;
	s15 =	simm.s32 $0x5900  }
0x5: {  	s16 =	simm.s32 $0x100;
	s17 =	simm.s32 $0x9900;
	s18 =	simm.s32 $0x180  }
0x6: {  	s19 =	simm.s32 $0xD900;
	s20 =	simm.s32 $0x1;
	s21 =	simm.s32 $0x3  }
0x7: {  	s22 =	simm.s32 $0x200;
	s23 =	simm.s32 $0x280;
	s24 =	simm.s32 $0x2  }
0x8: {  	s4 =	sand.u32 $0x1, s1;
	s29 =	sshll.u32 s0, $0x1;
	s8 =	smul.u32 $0x190000, s0  }
0x9: {  	s25 =	simm.s32 $0x4;
	s5 =	sor.u32 s4, s29;
	s10 =	smul.u32 $0xC8000, s4  }
0xa: {  	s26 =	simm.s32 $0x0;
	s9 =	ssub.s32 $0x2, s4;
	s7 =	smul.u32 $0x320, s5  }
0xb: {  	[smem:$0x7FF] =	sst s3;
	s5 =	smul.u32 $0xC8000, s5;
	s30 =	sshrl.u32 s9, $0x1  }
0xc: {  	_ =	strace $0x8000004A;
	s4 =	sadd.s32 $0x33B800, s6;
	s9 =	ssub.s32 s9, s30  }
0xd: {  	s10 =	sadd.s32 s10, s8;
	s7 =	sadd.s32 s7, s6;
	s31 =	sshrl.u32 s5, $0x3  }
0xe: {  	s11 =	sadd.s32 $0x18000, s10;
	s8 =	smax.u32 s9, $0x1;
	s10 =	sadd.s32 $0x10000, s10  }
0xf: {  	s5 =	sadd.s32 $0x2800, s7;
	s6 =	sadd.s32 s4, s31;
	s11 =	sshrl.u32 s11, $0x3  }
0x10: {  	s7 =	sadd.s32 $0x18000, s6;
	s9 =	sadd.s32 $0x1000, s6;
	s11 =	sadd.s32 s11, s4  }
.LBB2_1:
0x11: {  	[tilespmem:s3], [sflag:$0x5] =	stream.linear.gather [hbm4b:s5+s3], $0x1900, $0x38;
	[tilespmem:$0x11900] =	vst v63  }
0x12: {  	_ =	swait.ge [sflag:s12], $0x1900  }
0x13: {  	[sflag:s12] =	ssyncset.done $0x0  }
0x14: {  	[sflag:s12] =	ssyncadd.s32 $0xFFFFE700  }
0x15: {  	[tilespmem:s14], [sflag:$0x1] =	stream.indirect.gather [hbm4b:s2+s13], $0x80, s3, s13, $0xb8;
	[tilespmem:$0x11900] =	vst v63  }
0x16: {  	_ = 	snop  }
0x17: {  	[tilespmem:s15], [sflag:$0x1] =	stream.indirect.gather [hbm4b:s2+s13], $0x80, s13, s13, $0xb8;
	[tilespmem:$0x11900] =	vst v63  }
0x18: {  	_ = 	snop  }
0x19: {  	[tilespmem:s17], [sflag:$0x2] =	stream.indirect.gather [hbm4b:s2+s13], $0x80, s16, s13, $0xb8;
	[tilespmem:$0x11900] =	vst v63  }
0x1a: {  	_ = 	snop  }
0x1b: {  	[tilespmem:s19], [sflag:$0x2] =	stream.indirect.gather [hbm4b:s2+s13], $0x80, s18, s13, $0xb8;
	[tilespmem:$0x11900] =	vst v63  }
0x1c: {  	_ =	swait.ge [sflag:s20], $0x4000  }
0x1d: {  	[sflag:s20] =	ssyncset.done $0x0  }
0x1e: {  	[sflag:s20] =	ssyncadd.s32 $0xFFFFC000  }
0x1f: {  	_ =	swait.ge [sflag:s20], $0x4000  }
0x20: {  	[sflag:s20] =	ssyncset.done $0x0  }
0x21: {  	[sflag:s20] =	ssyncadd.s32 $0xFFFFC000  }
0x22: {  	[hbm4b:s6+s3] =	stream.linear.scatter [tilespmem:s14], [sflag:$0x3], $0x8000, $0x38;
	[tilespmem:$0x11900] =	vst v63  }
0x23: {  	_ =	swait.ge [sflag:s21], $0x8000  }
0x24: {  	[sflag:s21] =	ssyncset.done $0x0  }
0x25: {  	[sflag:s21] =	ssyncadd.s32 $0xFFFF8000  }
0x26: {  	[tilespmem:s14], [sflag:$0x1] =	stream.indirect.gather [hbm4b:s2+s13], $0x80, s22, s13, $0xb8;
	[tilespmem:$0x11900] =	vst v63  }
0x27: {  	_ = 	snop  }
0x28: {  	[tilespmem:s15], [sflag:$0x1] =	stream.indirect.gather [hbm4b:s2+s13], $0x80, s23, s13, $0xb8;
	[tilespmem:$0x11900] =	vst v63  }
0x29: {  	_ =	swait.ge [sflag:s24], $0x4000  }
0x2a: {  	[sflag:s24] =	ssyncset.done $0x0  }
0x2b: {  	[sflag:s24] =	ssyncadd.s32 $0xFFFFC000  }
0x2c: {  	_ =	swait.ge [sflag:s24], $0x4000  }
0x2d: {  	[sflag:s24] =	ssyncset.done $0x0  }
0x2e: {  	[sflag:s24] =	ssyncadd.s32 $0xFFFFC000  }
0x2f: {  	[hbm4b:s9+s3] =	stream.linear.scatter [tilespmem:s17], [sflag:$0x4], $0x8000, $0x38;
	[tilespmem:$0x11900] =	vst v63  }
0x30: {  	_ =	swait.ge [sflag:s25], $0x8000  }
0x31: {  	[sflag:s25] =	ssyncset.done $0x0  }
0x32: {  	s28 =	simm.s32 $0x300;
	[sflag:s25] =	ssyncadd.s32 $0xFFFF8000  }
0x33: {  	[tilespmem:s17], [sflag:$0x2] =	stream.indirect.gather [hbm4b:s2+s13], $0x80, s28, s13, $0xb8;
	[tilespmem:$0x11900] =	vst v63  }
0x34: {  	s28 =	simm.s32 $0x380  }
0x35: {  	[tilespmem:s19], [sflag:$0x2] =	stream.indirect.gather [hbm4b:s2+s13], $0x80, s28, s13, $0xb8;
	[tilespmem:$0x11900] =	vst v63  }
0x36: {  	_ =	swait.ge [sflag:s20], $0x4000  }
0x37: {  	[sflag:s20] =	ssyncset.done $0x0  }
0x38: {  	[sflag:s20] =	ssyncadd.s32 $0xFFFFC000  }
0x39: {  	_ =	swait.ge [sflag:s20], $0x4000  }
0x3a: {  	s28 =	sshrl.u32 s10, $0x3;
	[sflag:s20] =	ssyncset.done $0x0  }
0x3b: {  	s28 =	sadd.s32 s4, s28;
	[sflag:s20] =	ssyncadd.s32 $0xFFFFC000  }
0x3c: {  	[hbm4b:s28+s3] =	stream.linear.scatter [tilespmem:s14], [sflag:$0x3], $0x8000, $0x38;
	[tilespmem:$0x11900] =	vst v63  }
0x3d: {  	_ =	swait.ge [sflag:s21], $0x8000  }
0x3e: {  	[sflag:s21] =	ssyncset.done $0x0  }
0x3f: {  	s28 =	simm.s32 $0x400;
	[sflag:s21] =	ssyncadd.s32 $0xFFFF8000  }
0x40: {  	[tilespmem:s14], [sflag:$0x1] =	stream.indirect.gather [hbm4b:s2+s13], $0x80, s28, s13, $0xb8;
	[tilespmem:$0x11900] =	vst v63  }
0x41: {  	s28 =	simm.s32 $0x480  }
0x42: {  	[tilespmem:s15], [sflag:$0x1] =	stream.indirect.gather [hbm4b:s2+s13], $0x80, s28, s13, $0xb8;
	[tilespmem:$0x11900] =	vst v63  }
0x43: {  	_ =	swait.ge [sflag:s24], $0x4000  }
0x44: {  	[sflag:s24] =	ssyncset.done $0x0  }
0x45: {  	[sflag:s24] =	ssyncadd.s32 $0xFFFFC000  }
0x46: {  	_ =	swait.ge [sflag:s24], $0x4000  }
0x47: {  	s29 =	sadd.s32 $0x10000, s10;
	s30 =	sadd.s32 $0x2000, s11;
	[sflag:s24] =	ssyncset.done $0x0  }
0x48: {  	s31 =	smov.u32 s11;
	s28 =	simm.s32 $0x800;
	[sflag:s24] =	ssyncadd.s32 $0xFFFFC000  }
.LBB2_2:
0x49: {  	[hbm4b:s31+s3] =	stream.linear.scatter [tilespmem:s17], [sflag:$0x4], $0x8000, $0x38;
	[tilespmem:$0x11900] =	vst v63  }
0x4a: {  	s1 =	smov.u32 s28;
	s31 =	smov.u32 s30  }
0x4b: {  	p0 =	sne.s32 s28, $0x5000;
	s28 =	sadd.s32 $0x800, s28;
	_ =	swait.ge [sflag:s25], $0x8000  }
0x4c: {  	s1 =	sshra.s32 s1, $0x2;
	[sflag:s25] =	ssyncset.done $0x0  }
0x4d: {  	s0 =	sadd.s32 $0x300, s1;
	[sflag:s25] =	ssyncadd.s32 $0xFFFF8000  }
0x4e: {  	[tilespmem:s17], [sflag:$0x2] =	stream.indirect.gather [hbm4b:s2+s13], $0x80, s0, s13, $0xb8;
	[tilespmem:$0x11900] =	vst v63  }
0x4f: {  	s0 =	sadd.s32 $0x380, s1  }
0x50: {  	[tilespmem:s19], [sflag:$0x2] =	stream.indirect.gather [hbm4b:s2+s13], $0x80, s0, s13, $0xb8;
	[tilespmem:$0x11900] =	vst v63  }
0x51: {  	_ =	swait.ge [sflag:s20], $0x4000  }
0x52: {  	[sflag:s20] =	ssyncset.done $0x0  }
0x53: {  	[sflag:s20] =	ssyncadd.s32 $0xFFFFC000  }
0x54: {  	_ =	swait.ge [sflag:s20], $0x4000  }
0x55: {  	s0 =	sshrl.u32 s29, $0x3;
	[sflag:s20] =	ssyncset.done $0x0  }
0x56: {  	s0 =	sadd.s32 s4, s0;
	[sflag:s20] =	ssyncadd.s32 $0xFFFFC000  }
0x57: {  	[hbm4b:s0+s3] =	stream.linear.scatter [tilespmem:s14], [sflag:$0x3], $0x8000, $0x38;
	[tilespmem:$0x11900] =	vst v63  }
0x58: {  	_ =	swait.ge [sflag:s21], $0x8000  }
0x59: {  	[sflag:s21] =	ssyncset.done $0x0  }
0x5a: {  	s0 =	sadd.s32 $0x400, s1;
	[sflag:s21] =	ssyncadd.s32 $0xFFFF8000  }
0x5b: {  	[tilespmem:s14], [sflag:$0x1] =	stream.indirect.gather [hbm4b:s2+s13], $0x80, s0, s13, $0xb8;
	[tilespmem:$0x11900] =	vst v63  }
0x5c: {  	s0 =	sadd.s32 $0x480, s1  }
0x5d: {  	[tilespmem:s15], [sflag:$0x1] =	stream.indirect.gather [hbm4b:s2+s13], $0x80, s0, s13, $0xb8;
	[tilespmem:$0x11900] =	vst v63  }
0x5e: {  	_ =	swait.ge [sflag:s24], $0x4000  }
.Ltmp0:
0x5f: {  	[sflag:s24] =	ssyncset.done $0x0;
	(pc) =	sbr.rel @p0 .LBB2_2-.Ltmp0, $4  }
0x60: {  	[sflag:s24] =	ssyncadd.s32 $0xFFFFC000  }
0x61: {  	_ =	swait.ge [sflag:s24], $0x4000  }
0x62: {  	[sflag:s24] =	ssyncset.done $0x0  }
0x63: {  	s30 =	sadd.s32 $0x2000, s30;
	s29 =	sadd.s32 $0x10000, s29;
	[sflag:s24] =	ssyncadd.s32 $0xFFFFC000  }
0x64: {  	[hbm4b:s31+s3] =	stream.linear.scatter [tilespmem:s17], [sflag:$0x4], $0x8000, $0x38;
	[tilespmem:$0x11900] =	vst v63  }
0x65: {  	_ =	swait.ge [sflag:s25], $0x8000  }
0x66: {  	[sflag:s25] =	ssyncset.done $0x0  }
0x67: {  	[sflag:s25] =	ssyncadd.s32 $0xFFFF8000  }
0x68: {  	_ =	swait.ge [sflag:s20], $0x4000  }
0x69: {  	[sflag:s20] =	ssyncset.done $0x0  }
0x6a: {  	[sflag:s20] =	ssyncadd.s32 $0xFFFFC000  }
0x6b: {  	s26 =	sadd.s32 $0x1, s26;
	_ =	swait.ge [sflag:s20], $0x4000  }
0x6c: {  	p0 =	sne.s32 s26, s8;
	[sflag:s20] =	ssyncset.done $0x0  }
.Ltmp1:
0x6d: {  	[sflag:s20] =	ssyncadd.s32 $0xFFFFC000;
	(pc) =	sbr.rel @p0 .LBB2_1-.Ltmp1, $4  }
0x6e: {  	[hbm4b:s7+s3] =	stream.linear.scatter [tilespmem:s14], [sflag:$0x3], $0x8000, $0x38;
	[tilespmem:$0x11900] =	vst v63  }
0x6f: {  	_ =	swait.ge [sflag:s21], $0x8000  }
0x70: {  	[sflag:s21] =	ssyncset.done $0x0  }
0x71: {  	[sflag:s21] =	ssyncadd.s32 $0xFFFF8000  }
0x72: {  	_ =	sfence.sel $0x180000  }
0x73: {  	[bflag:$0x0] =	sbarrier.arrive $0xFFFF  }
0x74: {  	_ =	strace $0x9000004A  }
0x75: {  	s0 =	stileid.u32;
	[bflag:$0x2] =	sbarrier.arrive $0xFFFF  }
0x76: {  	p0 =	sne.s32 s0, $0x0;
	s0 =	rddreg [dreg:$0x2]  }
0x77: {  	s0 =	sadd.s32 @!p0 $0x100000, s0  }
0x78: {  	[sflag:s0] =	ssyncadd.tile.s32 @!p0 $0x1;
	_ =	shalt  }
.Lfunc_end2:
_tile_overlayer_lowered:
.L_overlay_start_2:
0x79: {  	(tag) =	ssettag $0x2  }
0x7a: {  	s0 =	rddreg [dreg:$0x0];
	s2 =	stileid.u32  }
0x7b: {  	s1 =	rddreg [dreg:$0x1];
	p0 =	sne.s32 s2, $0x0  }
0x7c: {  	s3 =	rddreg [dreg:$0x2];
	[bflag:$0x3] =	sbarrier.arrive $0xFFFF;
	s2 =	simm.s32 @!p0 $0x1C05  }
0x7d: {  	[timem:s3], [sflag:s2] =	dma.local @!p0 [hbm:s0], s1  }
0x7e: {  	s0 =	simm.s32 @!p0 $0x5  }
0x7f: {  	_ =	swait.ge @!p0 [sflag:s0], s1  }
0x80: {  	s1 =	ssub.s32 @!p0 $0x0, s1;
	[sflag:s0] =	ssyncset.done @!p0 $0x0  }
0x81: {  	[sflag:s0] =	ssyncadd.s32 @!p0 s1  }
0x82: {  	[bflag:$0x3] =	sbarrier.arrive $0xFFFF  }
0x83: {  	_ =	shalt  }

</sc_bundles>
